<compile_context>
chip_gen: v7x
topology: tpu7x:2x2x1
jax: 0.10.2.dev20260603
libtpu: 0.0.44.dev20260713+nightly
codegen_flags: <defaults>
</compile_context>

<pallas_src>
import functools
import math

import jax
import jax.numpy as jnp
from jax import lax
from jax.experimental import pallas as pl
from jax.experimental.pallas import tpu as pltpu
from jax.experimental.pallas import tpu_sc as plsc

jax.config.update("jax_enable_x64", True)

_B = 32
_S = 50000
_NX = 256
_L = 16
_NC = 2
_NS = 16

_COLS = 128
_ROW_F = _COLS * 2
_ROWS = 44
_TAB = _ROWS * _ROW_F

_CHUNK = 10000

_DX = 2.0 * math.pi / _NX
_INV_DX = 1.0 / _DX
_DT = 0.01


_NCH = _S // _CHUNK


def _track_body(uf_hbm, xp_hbm, ox_hbm, oy_hbm, tab_v, pos_v, ox_v, oy_v, *sems):
    b = lax.axis_index("s") * _NC + lax.axis_index("c")
    pltpu.sync_copy(uf_hbm.at[pl.ds(b * _TAB, _TAB)], tab_v)

    def start_in(c, p):
        h1 = pltpu.async_copy(
            xp_hbm.at[pl.ds(b * (2 * _S) + c * _CHUNK, _CHUNK)],
            pos_v.at[jnp.int32(p), pl.ds(0, _CHUNK)],
            sems[p],
        )
        h2 = pltpu.async_copy(
            xp_hbm.at[pl.ds(b * (2 * _S) + _S + c * _CHUNK, _CHUNK)],
            pos_v.at[jnp.int32(p), pl.ds(_CHUNK, _CHUNK)],
            sems[2 + p],
        )
        return h1, h2

    pend = start_in(0, 0)
    out_pend = [None, None]
    for c in range(_NCH):
        p = c % 2
        h1, h2 = pend
        if c + 1 < _NCH:
            pend = start_in(c + 1, 1 - p)
        h1.wait()
        h2.wait()
        if out_pend[p] is not None:
            for h in out_pend[p]:
                h.wait()

        @plsc.parallel_loop(
            jnp.int32(0), jnp.int32(_CHUNK // _L), jnp.int32(1), unroll=5
        )
        def inner(i, p=p):
            x = pos_v[jnp.int32(p), pl.ds(i * _L, _L)]
            y = pos_v[jnp.int32(p), pl.ds(_CHUNK + i * _L, _L)]
            tx = x * _INV_DX
            ty = y * _INV_DX
            ix = tx.astype(jnp.int32)
            iy = ty.astype(jnp.int32)
            al = tx - ix.astype(jnp.float32)
            be = ty - iy.astype(jnp.float32)
            f = ix * _ROW_F + iy
            g = f + _ROW_F
            u11 = plsc.load_gather(tab_v, [f])
            v11 = plsc.load_gather(tab_v, [f + _COLS])
            u12 = plsc.load_gather(tab_v, [f + 1])
            v12 = plsc.load_gather(tab_v, [f + _COLS + 1])
            u21 = plsc.load_gather(tab_v, [g])
            v21 = plsc.load_gather(tab_v, [g + _COLS])
            u22 = plsc.load_gather(tab_v, [g + 1])
            v22 = plsc.load_gather(tab_v, [g + _COLS + 1])
            om_a = 1.0 - al
            om_b = 1.0 - be
            w11 = om_a * om_b
            w21 = al * om_b
            w22 = al * be
            w12 = om_a * be
            u = w11 * u11 + w21 * u21 + w22 * u22 + w12 * u12
            v = w11 * v11 + w21 * v21 + w22 * v22 + w12 * v12
            ox_v[jnp.int32(p), pl.ds(i * _L, _L)] = x + u * _DT
            oy_v[jnp.int32(p), pl.ds(i * _L, _L)] = y + v * _DT

        out_off = b * _S + c * _CHUNK
        o1 = pltpu.async_copy(
            ox_v.at[jnp.int32(p)], ox_hbm.at[pl.ds(out_off, _CHUNK)], sems[4 + p]
        )
        o2 = pltpu.async_copy(
            oy_v.at[jnp.int32(p)], oy_hbm.at[pl.ds(out_off, _CHUNK)], sems[6 + p]
        )
        out_pend[p] = (o1, o2)
    for pr in out_pend:
        if pr is not None:
            for h in pr:
                h.wait()


@functools.cache
def _sc_track():
    mesh = plsc.VectorSubcoreMesh(
        core_axis_name="c", subcore_axis_name="s", num_cores=_NC, num_subcores=_NS
    )
    return functools.partial(
        pl.kernel,
        out_type=(
            jax.ShapeDtypeStruct((_B * _S,), jnp.float32),
            jax.ShapeDtypeStruct((_B * _S,), jnp.float32),
        ),
        mesh=mesh,
        compiler_params=pltpu.CompilerParams(
            use_tc_tiling_on_sc=False, needs_layout_passes=False
        ),
        scratch_types=[
            pltpu.VMEM((_TAB,), jnp.float32),
            pltpu.VMEM((2, 2 * _CHUNK), jnp.float32),
            pltpu.VMEM((2, _CHUNK), jnp.float32),
            pltpu.VMEM((2, _CHUNK), jnp.float32),
        ]
        + [pltpu.SemaphoreType.DMA] * 8,
    )(_track_body)


def kernel(xpyp, ufvf):
    uf_flat = ufvf[:, :_ROWS, :_COLS].transpose(0, 1, 3, 2).reshape(_B * _TAB)
    xp_flat = xpyp.transpose(0, 2, 1).reshape(_B * 2 * _S)
    ox, oy = _sc_track()(uf_flat, xp_flat)
    return (
        ox.reshape(_B, _S).astype(jnp.float64),
        oy.reshape(_B, _S).astype(jnp.float64),
    )

# --- scband reference (transcript-rebuilt; emitter-appended) ---
"""Pipeline reference for scband-particle-tracking-layer-22943715295733 (READ-ONLY COPY).

The authoritative reference and input builder live on the scoring server;
editing this copy changes nothing except your own understanding.
"""

import jax, jax.numpy as jnp
import numpy as np
jax.config.update("jax_enable_x64", True)


def setup_inputs(seed: int = 0) -> dict:
    key = jax.random.key(seed)
    k1, k2 = jax.random.split(key)
    # positions in [0,1) -- safely inside the [0, 2*pi) periodic domain
    xpyp = jax.random.uniform(k1, (32, 50000, 2), dtype=jnp.float32)
    ufvf = jax.random.normal(k2, (32, 256, 256, 2), dtype=jnp.float32)
    return {"xpyp": xpyp, "ufvf": ufvf}


def reference(xpyp, ufvf):
    xpyp_n = xpyp[:, :, :2].astype(jnp.float64)
    ufvf_n = ufvf.astype(jnp.float64)
    nx = ufvf.shape[1]
    ny = ufvf.shape[2]
    x_grid = jnp.linspace(0.0, 2.0 * np.pi, nx + 1)
    x_grid = x_grid[0:nx].astype(jnp.float64)
    # NOTE: faithful to the original code, y_grid is sliced from x_grid
    y_grid = x_grid[0:ny]
    dx = x_grid[1] - x_grid[0]
    dy = y_grid[1] - y_grid[0]
    dt = jnp.asarray(0.01, dtype=jnp.float64)
    B = xpyp_n.shape[0]
    S = xpyp_n.shape[1]

    ix1 = (xpyp_n[:, :, 0] / dx).astype(jnp.int32)
    iy1 = (xpyp_n[:, :, 1] / dy).astype(jnp.int32)
    # periodic wrap: when ix1 == nx-1, ix2 wraps to 0 (matches tf truncating cast)
    ix2 = ix1 + 1 - (ix1 // (nx - 1)) * nx
    iy2 = iy1 + 1 - (iy1 // (ny - 1)) * ny
    it = jnp.tile(jnp.arange(B, dtype=jnp.int32)[:, None], (1, S))

    u = ufvf_n[:, :, :, 0]
    v = ufvf_n[:, :, :, 1]
    uf11 = u[it, ix1, iy1]
    uf12 = u[it, ix1, iy2]
    uf21 = u[it, ix2, iy1]
    uf22 = u[it, ix2, iy2]
    vf11 = v[it, ix1, iy1]
    vf12 = v[it, ix1, iy2]
    vf21 = v[it, ix2, iy1]
    vf22 = v[it, ix2, iy2]

    alpha = (xpyp_n[:, :, 0] - x_grid[ix1]) / dx
    beta = (xpyp_n[:, :, 1] - y_grid[iy1]) / dy
    uf_interp = ((1.0 - alpha) * (1.0 - beta) * uf11
                 + alpha * (1.0 - beta) * uf21
                 + alpha * beta * uf22
                 + (1.0 - alpha) * beta * uf12)
    vf_interp = ((1.0 - alpha) * (1.0 - beta) * vf11
                 + alpha * (1.0 - beta) * vf21
                 + alpha * beta * vf22
                 + (1.0 - alpha) * beta * vf12)

    upvp_n = jnp.stack([uf_interp, vf_interp], axis=-1)
    xpyp_n_1 = xpyp_n + upvp_n * dt
    return (xpyp_n_1[:, :, 0], xpyp_n_1[:, :, 1])

if __name__ == "__main__":
    import jax
    _d = setup_inputs()
    print(jax.jit(kernel)(*tuple(_d.values())))

</pallas_src>

<mosaic_0001>
#map = affine_map<(d0, d1) -> (0)>
module attributes {stable_mosaic.version = 14 : i64} {
  func.func @_track_body(%arg0: i32, %arg1: i32, %arg2: memref<360448xf32, #tpu.memory_space<hbm>>, %arg3: memref<3200000xf32, #tpu.memory_space<hbm>>, %arg4: memref<1600000xf32, #tpu.memory_space<hbm>>, %arg5: memref<1600000xf32, #tpu.memory_space<hbm>>, %arg6: memref<11264xf32, #tpu.memory_space<vmem>>, %arg7: memref<2x20000xf32, #tpu.memory_space<vmem>>, %arg8: memref<2x10000xf32, #tpu.memory_space<vmem>>, %arg9: memref<2x10000xf32, #tpu.memory_space<vmem>>, %arg10: memref<!tpu.dma_semaphore, #tpu.memory_space<semaphore_mem>>, %arg11: memref<!tpu.dma_semaphore, #tpu.memory_space<semaphore_mem>>, %arg12: memref<!tpu.dma_semaphore, #tpu.memory_space<semaphore_mem>>, %arg13: memref<!tpu.dma_semaphore, #tpu.memory_space<semaphore_mem>>, %arg14: memref<!tpu.dma_semaphore, #tpu.memory_space<semaphore_mem>>, %arg15: memref<!tpu.dma_semaphore, #tpu.memory_space<semaphore_mem>>, %arg16: memref<!tpu.dma_semaphore, #tpu.memory_space<semaphore_mem>>, %arg17: memref<!tpu.dma_semaphore, #tpu.memory_space<semaphore_mem>>) attributes {dimension_semantics = [#tpu.dimension_semantics<core_parallel>, #tpu.dimension_semantics<subcore_parallel>], iteration_bounds = array<i64: 2, 16>, scalar_prefetch = 0 : i64, scratch_operands = 12 : i64, tpu.core_type = #tpu.core_type<sc_vector_subcore>, window_params = [{transform_indices = #map}, {transform_indices = #map}, {transform_indices = #map}, {transform_indices = #map}]} {
    %mul3A = arith.constant 2 : i32
    %mul3A_0 = arith.muli %arg1, %mul3A : i32
    %add3A = arith.addi %mul3A_0, %arg0 : i32
    %mul3A_1 = arith.constant 11264 : i32
    %mul3A_2 = arith.muli %add3A, %mul3A_1 : i32
    "tpu.region"() ({
      %run_scoped3A = tpu.sem_alloc : memref<!tpu.dma_semaphore, #tpu.memory_space<semaphore_mem>>
      %dma_start3A_445 = tpu.memref_slice %arg2[%mul3A_2] : memref<360448xf32, #tpu.memory_space<hbm>> -> memref<11264xf32, #tpu.memory_space<hbm>>
      %dma_start3A_446 = tpu.memref_slice %arg2[%mul3A_2] : memref<360448xf32, #tpu.memory_space<hbm>> -> memref<11264xf32, #tpu.memory_space<hbm>>
      tpu.enqueue_dma source(%dma_start3A_446 : memref<11264xf32, #tpu.memory_space<hbm>>) target(%arg6 : memref<11264xf32, #tpu.memory_space<vmem>>) target_semaphore(%run_scoped3A : memref<!tpu.dma_semaphore, #tpu.memory_space<semaphore_mem>>)
      %dma_wait3A_447 = tpu.memref_slice %arg2[%mul3A_2] : memref<360448xf32, #tpu.memory_space<hbm>> -> memref<11264xf32, #tpu.memory_space<hbm>>
      %dma_wait3A_448 = tpu.memref_slice %arg2[%mul3A_2] : memref<360448xf32, #tpu.memory_space<hbm>> -> memref<11264xf32, #tpu.memory_space<hbm>>
      tpu.wait_dma2 semaphore(%run_scoped3A : memref<!tpu.dma_semaphore, #tpu.memory_space<semaphore_mem>>) src(%dma_wait3A_448 : memref<11264xf32, #tpu.memory_space<hbm>>) dst(%arg6 : memref<11264xf32, #tpu.memory_space<vmem>>)
      tpu.yield
    }) : () -> ()
    %mul3A_3 = arith.constant 100000 : i32
    %mul3A_4 = arith.muli %add3A, %mul3A_3 : i32
    %add3A_5 = arith.constant 0 : i32
    %add3A_6 = arith.addi %mul3A_4, %add3A_5 : i32
    %dma_start3A = arith.constant 0 : i32
    %dma_start3A_7 = arith.constant 0 : i32
    %dma_start3A_8 = tpu.memref_slice %arg7[%dma_start3A, %dma_start3A_7] : memref<2x20000xf32, #tpu.memory_space<vmem>> -> memref<1x10000xf32, #tpu.memory_space<vmem>>
    %dma_start3A_9 = tpu.memref_squeeze %dma_start3A_8 : memref<1x10000xf32, #tpu.memory_space<vmem>> -> memref<10000xf32, #tpu.memory_space<vmem>>
    %dma_start3A_10 = tpu.memref_slice %arg3[%add3A_6] : memref<3200000xf32, #tpu.memory_space<hbm>> -> memref<10000xf32, #tpu.memory_space<hbm>>
    %dma_start3A_11 = arith.constant 0 : i32
    %dma_start3A_12 = tpu.memref_slice %arg7[%dma_start3A, %dma_start3A_11] : memref<2x20000xf32, #tpu.memory_space<vmem>> -> memref<1x10000xf32, #tpu.memory_space<vmem>>
    %dma_start3A_13 = tpu.memref_squeeze %dma_start3A_12 : memref<1x10000xf32, #tpu.memory_space<vmem>> -> memref<10000xf32, #tpu.memory_space<vmem>>
    %dma_start3A_14 = tpu.memref_slice %arg3[%add3A_6] : memref<3200000xf32, #tpu.memory_space<hbm>> -> memref<10000xf32, #tpu.memory_space<hbm>>
    tpu.enqueue_dma source(%dma_start3A_14 : memref<10000xf32, #tpu.memory_space<hbm>>) target(%dma_start3A_13 : memref<10000xf32, #tpu.memory_space<vmem>>) target_semaphore(%arg10 : memref<!tpu.dma_semaphore, #tpu.memory_space<semaphore_mem>>)
    %mul3A_15 = arith.constant 100000 : i32
    %mul3A_16 = arith.muli %add3A, %mul3A_15 : i32
    %add3A_17 = arith.constant 50000 : i32
    %add3A_18 = arith.addi %mul3A_16, %add3A_17 : i32
    %add3A_19 = arith.constant 0 : i32
    %add3A_20 = arith.addi %add3A_18, %add3A_19 : i32
    %dma_start3A_21 = arith.constant 0 : i32
    %dma_start3A_22 = arith.constant 10000 : i32
    %dma_start3A_23 = tpu.memref_slice %arg7[%dma_start3A_21, %dma_start3A_22] : memref<2x20000xf32, #tpu.memory_space<vmem>> -> memref<1x10000xf32, #tpu.memory_space<vmem>>
    %dma_start3A_24 = tpu.memref_squeeze %dma_start3A_23 : memref<1x10000xf32, #tpu.memory_space<vmem>> -> memref<10000xf32, #tpu.memory_space<vmem>>
    %dma_start3A_25 = tpu.memref_slice %arg3[%add3A_20] : memref<3200000xf32, #tpu.memory_space<hbm>> -> memref<10000xf32, #tpu.memory_space<hbm>>
    %dma_start3A_26 = arith.constant 10000 : i32
    %dma_start3A_27 = tpu.memref_slice %arg7[%dma_start3A_21, %dma_start3A_26] : memref<2x20000xf32, #tpu.memory_space<vmem>> -> memref<1x10000xf32, #tpu.memory_space<vmem>>
    %dma_start3A_28 = tpu.memref_squeeze %dma_start3A_27 : memref<1x10000xf32, #tpu.memory_space<vmem>> -> memref<10000xf32, #tpu.memory_space<vmem>>
    %dma_start3A_29 = tpu.memref_slice %arg3[%add3A_20] : memref<3200000xf32, #tpu.memory_space<hbm>> -> memref<10000xf32, #tpu.memory_space<hbm>>
    tpu.enqueue_dma source(%dma_start3A_29 : memref<10000xf32, #tpu.memory_space<hbm>>) target(%dma_start3A_28 : memref<10000xf32, #tpu.memory_space<vmem>>) target_semaphore(%arg12 : memref<!tpu.dma_semaphore, #tpu.memory_space<semaphore_mem>>)
    %mul3A_30 = arith.constant 100000 : i32
    %mul3A_31 = arith.muli %add3A, %mul3A_30 : i32
    %add3A_32 = arith.constant 10000 : i32
    %add3A_33 = arith.addi %mul3A_31, %add3A_32 : i32
    %dma_start3A_34 = arith.constant 1 : i32
    %dma_start3A_35 = arith.constant 0 : i32
    %dma_start3A_36 = tpu.memref_slice %arg7[%dma_start3A_34, %dma_start3A_35] : memref<2x20000xf32, #tpu.memory_space<vmem>> -> memref<1x10000xf32, #tpu.memory_space<vmem>>
    %dma_start3A_37 = tpu.memref_squeeze %dma_start3A_36 : memref<1x10000xf32, #tpu.memory_space<vmem>> -> memref<10000xf32, #tpu.memory_space<vmem>>
    %dma_start3A_38 = tpu.memref_slice %arg3[%add3A_33] : memref<3200000xf32, #tpu.memory_space<hbm>> -> memref<10000xf32, #tpu.memory_space<hbm>>
    %dma_start3A_39 = arith.constant 0 : i32
    %dma_start3A_40 = tpu.memref_slice %arg7[%dma_start3A_34, %dma_start3A_39] : memref<2x20000xf32, #tpu.memory_space<vmem>> -> memref<1x10000xf32, #tpu.memory_space<vmem>>
    %dma_start3A_41 = tpu.memref_squeeze %dma_start3A_40 : memref<1x10000xf32, #tpu.memory_space<vmem>> -> memref<10000xf32, #tpu.memory_space<vmem>>
    %dma_start3A_42 = tpu.memref_slice %arg3[%add3A_33] : memref<3200000xf32, #tpu.memory_space<hbm>> -> memref<10000xf32, #tpu.memory_space<hbm>>
    tpu.enqueue_dma source(%dma_start3A_42 : memref<10000xf32, #tpu.memory_space<hbm>>) target(%dma_start3A_41 : memref<10000xf32, #tpu.memory_space<vmem>>) target_semaphore(%arg11 : memref<!tpu.dma_semaphore, #tpu.memory_space<semaphore_mem>>)
    %mul3A_43 = arith.constant 100000 : i32
    %mul3A_44 = arith.muli %add3A, %mul3A_43 : i32
    %add3A_45 = arith.constant 50000 : i32
    %add3A_46 = arith.addi %mul3A_44, %add3A_45 : i32
    %add3A_47 = arith.constant 10000 : i32
    %add3A_48 = arith.addi %add3A_46, %add3A_47 : i32
    %dma_start3A_49 = arith.constant 1 : i32
    %dma_start3A_50 = arith.constant 10000 : i32
    %dma_start3A_51 = tpu.memref_slice %arg7[%dma_start3A_49, %dma_start3A_50] : memref<2x20000xf32, #tpu.memory_space<vmem>> -> memref<1x10000xf32, #tpu.memory_space<vmem>>
    %dma_start3A_52 = tpu.memref_squeeze %dma_start3A_51 : memref<1x10000xf32, #tpu.memory_space<vmem>> -> memref<10000xf32, #tpu.memory_space<vmem>>
    %dma_start3A_53 = tpu.memref_slice %arg3[%add3A_48] : memref<3200000xf32, #tpu.memory_space<hbm>> -> memref<10000xf32, #tpu.memory_space<hbm>>
    %dma_start3A_54 = arith.constant 10000 : i32
    %dma_start3A_55 = tpu.memref_slice %arg7[%dma_start3A_49, %dma_start3A_54] : memref<2x20000xf32, #tpu.memory_space<vmem>> -> memref<1x10000xf32, #tpu.memory_space<vmem>>
    %dma_start3A_56 = tpu.memref_squeeze %dma_start3A_55 : memref<1x10000xf32, #tpu.memory_space<vmem>> -> memref<10000xf32, #tpu.memory_space<vmem>>
    %dma_start3A_57 = tpu.memref_slice %arg3[%add3A_48] : memref<3200000xf32, #tpu.memory_space<hbm>> -> memref<10000xf32, #tpu.memory_space<hbm>>
    tpu.enqueue_dma source(%dma_start3A_57 : memref<10000xf32, #tpu.memory_space<hbm>>) target(%dma_start3A_56 : memref<10000xf32, #tpu.memory_space<vmem>>) target_semaphore(%arg13 : memref<!tpu.dma_semaphore, #tpu.memory_space<semaphore_mem>>)
    %dma_wait3A = arith.constant 0 : i32
    %dma_wait3A_58 = arith.constant 0 : i32
    %dma_wait3A_59 = tpu.memref_slice %arg7[%dma_wait3A, %dma_wait3A_58] : memref<2x20000xf32, #tpu.memory_space<vmem>> -> memref<1x10000xf32, #tpu.memory_space<vmem>>
    %dma_wait3A_60 = tpu.memref_squeeze %dma_wait3A_59 : memref<1x10000xf32, #tpu.memory_space<vmem>> -> memref<10000xf32, #tpu.memory_space<vmem>>
    %dma_wait3A_61 = tpu.memref_slice %arg3[%add3A_6] : memref<3200000xf32, #tpu.memory_space<hbm>> -> memref<10000xf32, #tpu.memory_space<hbm>>
    %dma_wait3A_62 = arith.constant 0 : i32
    %dma_wait3A_63 = tpu.memref_slice %arg7[%dma_wait3A, %dma_wait3A_62] : memref<2x20000xf32, #tpu.memory_space<vmem>> -> memref<1x10000xf32, #tpu.memory_space<vmem>>
    %dma_wait3A_64 = tpu.memref_squeeze %dma_wait3A_63 : memref<1x10000xf32, #tpu.memory_space<vmem>> -> memref<10000xf32, #tpu.memory_space<vmem>>
    %dma_wait3A_65 = tpu.memref_slice %arg3[%add3A_6] : memref<3200000xf32, #tpu.memory_space<hbm>> -> memref<10000xf32, #tpu.memory_space<hbm>>
    tpu.wait_dma2 semaphore(%arg10 : memref<!tpu.dma_semaphore, #tpu.memory_space<semaphore_mem>>) src(%dma_wait3A_65 : memref<10000xf32, #tpu.memory_space<hbm>>) dst(%dma_wait3A_64 : memref<10000xf32, #tpu.memory_space<vmem>>)
    %dma_wait3A_66 = arith.constant 0 : i32
    %dma_wait3A_67 = arith.constant 10000 : i32
    %dma_wait3A_68 = tpu.memref_slice %arg7[%dma_wait3A_66, %dma_wait3A_67] : memref<2x20000xf32, #tpu.memory_space<vmem>> -> memref<1x10000xf32, #tpu.memory_space<vmem>>
    %dma_wait3A_69 = tpu.memref_squeeze %dma_wait3A_68 : memref<1x10000xf32, #tpu.memory_space<vmem>> -> memref<10000xf32, #tpu.memory_space<vmem>>
    %dma_wait3A_70 = tpu.memref_slice %arg3[%add3A_20] : memref<3200000xf32, #tpu.memory_space<hbm>> -> memref<10000xf32, #tpu.memory_space<hbm>>
    %dma_wait3A_71 = arith.constant 10000 : i32
    %dma_wait3A_72 = tpu.memref_slice %arg7[%dma_wait3A_66, %dma_wait3A_71] : memref<2x20000xf32, #tpu.memory_space<vmem>> -> memref<1x10000xf32, #tpu.memory_space<vmem>>
    %dma_wait3A_73 = tpu.memref_squeeze %dma_wait3A_72 : memref<1x10000xf32, #tpu.memory_space<vmem>> -> memref<10000xf32, #tpu.memory_space<vmem>>
    %dma_wait3A_74 = tpu.memref_slice %arg3[%add3A_20] : memref<3200000xf32, #tpu.memory_space<hbm>> -> memref<10000xf32, #tpu.memory_space<hbm>>
    tpu.wait_dma2 semaphore(%arg12 : memref<!tpu.dma_semaphore, #tpu.memory_space<semaphore_mem>>) src(%dma_wait3A_74 : memref<10000xf32, #tpu.memory_space<hbm>>) dst(%dma_wait3A_73 : memref<10000xf32, #tpu.memory_space<vmem>>)
    %parallel_loop3A = arith.constant 0 : i32
    %parallel_loop3A_75 = arith.constant 625 : i32
    %parallel_loop3A_76 = arith.constant 1 : i32
    scf.for %parallel_loop3A_445 = %parallel_loop3A to %parallel_loop3A_75 step %parallel_loop3A_76  : i32 {
      %parallel_loop3A_446 = arith.constant 16 : i32
      %parallel_loop3A_447 = arith.muli %parallel_loop3A_445, %parallel_loop3A_446 : i32
      %parallel_loop3A_448 = arith.constant 0 : i32
      %parallel_loop3A_449 = arith.index_cast %parallel_loop3A_448 : i32 to index
      %parallel_loop3A_450 = arith.index_cast %parallel_loop3A_447 : i32 to index
      %parallel_loop3A_451 = tpu.vector_load %arg7[%parallel_loop3A_449, %parallel_loop3A_450] {strides = array<i32>} : memref<2x20000xf32, #tpu.memory_space<vmem>>, vector<16xf32>,
      %parallel_loop3A_452 = arith.constant 16 : i32
      %parallel_loop3A_453 = arith.muli %parallel_loop3A_445, %parallel_loop3A_452 : i32
      %parallel_loop3A_454 = arith.constant 10000 : i32
      %parallel_loop3A_455 = arith.addi %parallel_loop3A_454, %parallel_loop3A_453 : i32
      %parallel_loop3A_456 = arith.constant 0 : i32
      %parallel_loop3A_457 = arith.index_cast %parallel_loop3A_456 : i32 to index
      %parallel_loop3A_458 = arith.index_cast %parallel_loop3A_455 : i32 to index
      %parallel_loop3A_459 = tpu.vector_load %arg7[%parallel_loop3A_457, %parallel_loop3A_458] {strides = array<i32>} : memref<2x20000xf32, #tpu.memory_space<vmem>>, vector<16xf32>,
      %parallel_loop3A_460 = arith.constant 40.7436638 : f32
      %parallel_loop3A_461 = vector.broadcast %parallel_loop3A_460 : f32 to vector<16xf32>
      %parallel_loop3A_462 = arith.mulf %parallel_loop3A_451, %parallel_loop3A_461 : vector<16xf32>
      %parallel_loop3A_463 = arith.constant 40.7436638 : f32
      %parallel_loop3A_464 = vector.broadcast %parallel_loop3A_463 : f32 to vector<16xf32>
      %parallel_loop3A_465 = arith.mulf %parallel_loop3A_459, %parallel_loop3A_464 : vector<16xf32>
      %parallel_loop3A_466 = arith.fptosi %parallel_loop3A_462 : vector<16xf32> to vector<16xi32>
      %parallel_loop3A_467 = arith.fptosi %parallel_loop3A_465 : vector<16xf32> to vector<16xi32>
      %parallel_loop3A_468 = arith.sitofp %parallel_loop3A_466 : vector<16xi32> to vector<16xf32>
      %parallel_loop3A_469 = arith.subf %parallel_loop3A_462, %parallel_loop3A_468 : vector<16xf32>
      %parallel_loop3A_470 = arith.sitofp %parallel_loop3A_467 : vector<16xi32> to vector<16xf32>
      %parallel_loop3A_471 = arith.subf %parallel_loop3A_465, %parallel_loop3A_470 : vector<16xf32>
      %parallel_loop3A_472 = arith.constant 256 : i32
      %parallel_loop3A_473 = vector.broadcast %parallel_loop3A_472 : i32 to vector<16xi32>
      %parallel_loop3A_474 = arith.muli %parallel_loop3A_466, %parallel_loop3A_473 : vector<16xi32>
      %parallel_loop3A_475 = arith.addi %parallel_loop3A_474, %parallel_loop3A_467 : vector<16xi32>
      %parallel_loop3A_476 = arith.constant 256 : i32
      %parallel_loop3A_477 = vector.broadcast %parallel_loop3A_476 : i32 to vector<16xi32>
      %parallel_loop3A_478 = arith.addi %parallel_loop3A_475, %parallel_loop3A_477 : vector<16xi32>
      %parallel_loop3A_479 = tpu.vector_load_idx %arg6[%parallel_loop3A_475] : memref<11264xf32, #tpu.memory_space<vmem>>[vector<16xi32>], vector<16xf32>,
      %parallel_loop3A_480 = arith.constant 128 : i32
      %parallel_loop3A_481 = vector.broadcast %parallel_loop3A_480 : i32 to vector<16xi32>
      %parallel_loop3A_482 = arith.addi %parallel_loop3A_475, %parallel_loop3A_481 : vector<16xi32>
      %parallel_loop3A_483 = tpu.vector_load_idx %arg6[%parallel_loop3A_482] : memref<11264xf32, #tpu.memory_space<vmem>>[vector<16xi32>], vector<16xf32>,
      %parallel_loop3A_484 = arith.constant 1 : i32
      %parallel_loop3A_485 = vector.broadcast %parallel_loop3A_484 : i32 to vector<16xi32>
      %parallel_loop3A_486 = arith.addi %parallel_loop3A_475, %parallel_loop3A_485 : vector<16xi32>
      %parallel_loop3A_487 = tpu.vector_load_idx %arg6[%parallel_loop3A_486] : memref<11264xf32, #tpu.memory_space<vmem>>[vector<16xi32>], vector<16xf32>,
      %parallel_loop3A_488 = arith.constant 128 : i32
      %parallel_loop3A_489 = vector.broadcast %parallel_loop3A_488 : i32 to vector<16xi32>
      %parallel_loop3A_490 = arith.addi %parallel_loop3A_475, %parallel_loop3A_489 : vector<16xi32>
      %parallel_loop3A_491 = arith.constant 1 : i32
      %parallel_loop3A_492 = vector.broadcast %parallel_loop3A_491 : i32 to vector<16xi32>
      %parallel_loop3A_493 = arith.addi %parallel_loop3A_490, %parallel_loop3A_492 : vector<16xi32>
      %parallel_loop3A_494 = tpu.vector_load_idx %arg6[%parallel_loop3A_493] : memref<11264xf32, #tpu.memory_space<vmem>>[vector<16xi32>], vector<16xf32>,
      %parallel_loop3A_495 = tpu.vector_load_idx %arg6[%parallel_loop3A_478] : memref<11264xf32, #tpu.memory_space<vmem>>[vector<16xi32>], vector<16xf32>,
      %parallel_loop3A_496 = arith.constant 128 : i32
      %parallel_loop3A_497 = vector.broadcast %parallel_loop3A_496 : i32 to vector<16xi32>
      %parallel_loop3A_498 = arith.addi %parallel_loop3A_478, %parallel_loop3A_497 : vector<16xi32>
      %parallel_loop3A_499 = tpu.vector_load_idx %arg6[%parallel_loop3A_498] : memref<11264xf32, #tpu.memory_space<vmem>>[vector<16xi32>], vector<16xf32>,
      %parallel_loop3A_500 = arith.constant 1 : i32
      %parallel_loop3A_501 = vector.broadcast %parallel_loop3A_500 : i32 to vector<16xi32>
      %parallel_loop3A_502 = arith.addi %parallel_loop3A_478, %parallel_loop3A_501 : vector<16xi32>
      %parallel_loop3A_503 = tpu.vector_load_idx %arg6[%parallel_loop3A_502] : memref<11264xf32, #tpu.memory_space<vmem>>[vector<16xi32>], vector<16xf32>,
      %parallel_loop3A_504 = arith.constant 128 : i32
      %parallel_loop3A_505 = vector.broadcast %parallel_loop3A_504 : i32 to vector<16xi32>
      %parallel_loop3A_506 = arith.addi %parallel_loop3A_478, %parallel_loop3A_505 : vector<16xi32>
      %parallel_loop3A_507 = arith.constant 1 : i32
      %parallel_loop3A_508 = vector.broadcast %parallel_loop3A_507 : i32 to vector<16xi32>
      %parallel_loop3A_509 = arith.addi %parallel_loop3A_506, %parallel_loop3A_508 : vector<16xi32>
      %parallel_loop3A_510 = tpu.vector_load_idx %arg6[%parallel_loop3A_509] : memref<11264xf32, #tpu.memory_space<vmem>>[vector<16xi32>], vector<16xf32>,
      %parallel_loop3A_511 = arith.constant 1.000000e+00 : f32
      %parallel_loop3A_512 = vector.broadcast %parallel_loop3A_511 : f32 to vector<16xf32>
      %parallel_loop3A_513 = arith.subf %parallel_loop3A_512, %parallel_loop3A_469 : vector<16xf32>
      %parallel_loop3A_514 = arith.constant 1.000000e+00 : f32
      %parallel_loop3A_515 = vector.broadcast %parallel_loop3A_514 : f32 to vector<16xf32>
      %parallel_loop3A_516 = arith.subf %parallel_loop3A_515, %parallel_loop3A_471 : vector<16xf32>
      %parallel_loop3A_517 = arith.mulf %parallel_loop3A_513, %parallel_loop3A_516 : vector<16xf32>
      %parallel_loop3A_518 = arith.mulf %parallel_loop3A_469, %parallel_loop3A_516 : vector<16xf32>
      %parallel_loop3A_519 = arith.mulf %parallel_loop3A_469, %parallel_loop3A_471 : vector<16xf32>
      %parallel_loop3A_520 = arith.mulf %parallel_loop3A_513, %parallel_loop3A_471 : vector<16xf32>
      %parallel_loop3A_521 = arith.mulf %parallel_loop3A_517, %parallel_loop3A_479 : vector<16xf32>
      %parallel_loop3A_522 = arith.mulf %parallel_loop3A_518, %parallel_loop3A_495 : vector<16xf32>
      %parallel_loop3A_523 = arith.addf %parallel_loop3A_521, %parallel_loop3A_522 : vector<16xf32>
      %parallel_loop3A_524 = arith.mulf %parallel_loop3A_519, %parallel_loop3A_503 : vector<16xf32>
      %parallel_loop3A_525 = arith.addf %parallel_loop3A_523, %parallel_loop3A_524 : vector<16xf32>
      %parallel_loop3A_526 = arith.mulf %parallel_loop3A_520, %parallel_loop3A_487 : vector<16xf32>
      %parallel_loop3A_527 = arith.addf %parallel_loop3A_525, %parallel_loop3A_526 : vector<16xf32>
      %parallel_loop3A_528 = arith.mulf %parallel_loop3A_517, %parallel_loop3A_483 : vector<16xf32>
      %parallel_loop3A_529 = arith.mulf %parallel_loop3A_518, %parallel_loop3A_499 : vector<16xf32>
      %parallel_loop3A_530 = arith.addf %parallel_loop3A_528, %parallel_loop3A_529 : vector<16xf32>
      %parallel_loop3A_531 = arith.mulf %parallel_loop3A_519, %parallel_loop3A_510 : vector<16xf32>
      %parallel_loop3A_532 = arith.addf %parallel_loop3A_530, %parallel_loop3A_531 : vector<16xf32>
      %parallel_loop3A_533 = arith.mulf %parallel_loop3A_520, %parallel_loop3A_494 : vector<16xf32>
      %parallel_loop3A_534 = arith.addf %parallel_loop3A_532, %parallel_loop3A_533 : vector<16xf32>
      %parallel_loop3A_535 = arith.constant 0.00999999977 : f32
      %parallel_loop3A_536 = vector.broadcast %parallel_loop3A_535 : f32 to vector<16xf32>
      %parallel_loop3A_537 = arith.mulf %parallel_loop3A_527, %parallel_loop3A_536 : vector<16xf32>
      %parallel_loop3A_538 = arith.addf %parallel_loop3A_451, %parallel_loop3A_537 : vector<16xf32>
      %parallel_loop3A_539 = arith.constant 16 : i32
      %parallel_loop3A_540 = arith.muli %parallel_loop3A_445, %parallel_loop3A_539 : i32
      %parallel_loop3A_541 = arith.constant 0 : i32
      %parallel_loop3A_542 = arith.index_cast %parallel_loop3A_541 : i32 to index
      %parallel_loop3A_543 = arith.index_cast %parallel_loop3A_540 : i32 to index
      %parallel_loop3A_544 = tpu.vector_load %arg8[%parallel_loop3A_542, %parallel_loop3A_543] {strides = array<i32>} : memref<2x10000xf32, #tpu.memory_space<vmem>>, vector<16xf32>,
      tpu.vector_store %arg8[%parallel_loop3A_542, %parallel_loop3A_543], %parallel_loop3A_538 {strides = array<i32>} : memref<2x10000xf32, #tpu.memory_space<vmem>>, vector<16xf32>,
      %parallel_loop3A_545 = arith.constant 0.00999999977 : f32
      %parallel_loop3A_546 = vector.broadcast %parallel_loop3A_545 : f32 to vector<16xf32>
      %parallel_loop3A_547 = arith.mulf %parallel_loop3A_534, %parallel_loop3A_546 : vector<16xf32>
      %parallel_loop3A_548 = arith.addf %parallel_loop3A_459, %parallel_loop3A_547 : vector<16xf32>
      %parallel_loop3A_549 = arith.constant 16 : i32
      %parallel_loop3A_550 = arith.muli %parallel_loop3A_445, %parallel_loop3A_549 : i32
      %parallel_loop3A_551 = arith.constant 0 : i32
      %parallel_loop3A_552 = arith.index_cast %parallel_loop3A_551 : i32 to index
      %parallel_loop3A_553 = arith.index_cast %parallel_loop3A_550 : i32 to index
      %parallel_loop3A_554 = tpu.vector_load %arg9[%parallel_loop3A_552, %parallel_loop3A_553] {strides = array<i32>} : memref<2x10000xf32, #tpu.memory_space<vmem>>, vector<16xf32>,
      tpu.vector_store %arg9[%parallel_loop3A_552, %parallel_loop3A_553], %parallel_loop3A_548 {strides = array<i32>} : memref<2x10000xf32, #tpu.memory_space<vmem>>, vector<16xf32>,
    } {sc.loop_unroll_factor = 5 : i64, sc.parallel_access}
    %mul3A_77 = arith.constant 50000 : i32
    %mul3A_78 = arith.muli %add3A, %mul3A_77 : i32
    %add3A_79 = arith.constant 0 : i32
    %add3A_80 = arith.addi %mul3A_78, %add3A_79 : i32
    %dma_start3A_81 = arith.constant 0 : i32
    %dma_start3A_82 = arith.constant 0 : i32
    %dma_start3A_83 = tpu.memref_slice %arg8[%dma_start3A_81, %dma_start3A_82] : memref<2x10000xf32, #tpu.memory_space<vmem>> -> memref<1x10000xf32, #tpu.memory_space<vmem>>
    %dma_start3A_84 = tpu.memref_squeeze %dma_start3A_83 : memref<1x10000xf32, #tpu.memory_space<vmem>> -> memref<10000xf32, #tpu.memory_space<vmem>>
    %dma_start3A_85 = tpu.memref_slice %arg4[%add3A_80] : memref<1600000xf32, #tpu.memory_space<hbm>> -> memref<10000xf32, #tpu.memory_space<hbm>>
    %dma_start3A_86 = tpu.memref_slice %arg4[%add3A_80] : memref<1600000xf32, #tpu.memory_space<hbm>> -> memref<10000xf32, #tpu.memory_space<hbm>>
    %dma_start3A_87 = arith.constant 0 : i32
    %dma_start3A_88 = tpu.memref_slice %arg8[%dma_start3A_81, %dma_start3A_87] : memref<2x10000xf32, #tpu.memory_space<vmem>> -> memref<1x10000xf32, #tpu.memory_space<vmem>>
    %dma_start3A_89 = tpu.memref_squeeze %dma_start3A_88 : memref<1x10000xf32, #tpu.memory_space<vmem>> -> memref<10000xf32, #tpu.memory_space<vmem>>
    tpu.enqueue_dma source(%dma_start3A_89 : memref<10000xf32, #tpu.memory_space<vmem>>) target(%dma_start3A_86 : memref<10000xf32, #tpu.memory_space<hbm>>) target_semaphore(%arg14 : memref<!tpu.dma_semaphore, #tpu.memory_space<semaphore_mem>>)
    %dma_start3A_90 = arith.constant 0 : i32
    %dma_start3A_91 = arith.constant 0 : i32
    %dma_start3A_92 = tpu.memref_slice %arg9[%dma_start3A_90, %dma_start3A_91] : memref<2x10000xf32, #tpu.memory_space<vmem>> -> memref<1x10000xf32, #tpu.memory_space<vmem>>
    %dma_start3A_93 = tpu.memref_squeeze %dma_start3A_92 : memref<1x10000xf32, #tpu.memory_space<vmem>> -> memref<10000xf32, #tpu.memory_space<vmem>>
    %dma_start3A_94 = tpu.memref_slice %arg5[%add3A_80] : memref<1600000xf32, #tpu.memory_space<hbm>> -> memref<10000xf32, #tpu.memory_space<hbm>>
    %dma_start3A_95 = tpu.memref_slice %arg5[%add3A_80] : memref<1600000xf32, #tpu.memory_space<hbm>> -> memref<10000xf32, #tpu.memory_space<hbm>>
    %dma_start3A_96 = arith.constant 0 : i32
    %dma_start3A_97 = tpu.memref_slice %arg9[%dma_start3A_90, %dma_start3A_96] : memref<2x10000xf32, #tpu.memory_space<vmem>> -> memref<1x10000xf32, #tpu.memory_space<vmem>>
    %dma_start3A_98 = tpu.memref_squeeze %dma_start3A_97 : memref<1x10000xf32, #tpu.memory_space<vmem>> -> memref<10000xf32, #tpu.memory_space<vmem>>
    tpu.enqueue_dma source(%dma_start3A_98 : memref<10000xf32, #tpu.memory_space<vmem>>) target(%dma_start3A_95 : memref<10000xf32, #tpu.memory_space<hbm>>) target_semaphore(%arg16 : memref<!tpu.dma_semaphore, #tpu.memory_space<semaphore_mem>>)
    %mul3A_99 = arith.constant 100000 : i32
    %mul3A_100 = arith.muli %add3A, %mul3A_99 : i32
    %add3A_101 = arith.constant 20000 : i32
    %add3A_102 = arith.addi %mul3A_100, %add3A_101 : i32
    %dma_start3A_103 = arith.constant 0 : i32
    %dma_start3A_104 = arith.constant 0 : i32
    %dma_start3A_105 = tpu.memref_slice %arg7[%dma_start3A_103, %dma_start3A_104] : memref<2x20000xf32, #tpu.memory_space<vmem>> -> memref<1x10000xf32, #tpu.memory_space<vmem>>
    %dma_start3A_106 = tpu.memref_squeeze %dma_start3A_105 : memref<1x10000xf32, #tpu.memory_space<vmem>> -> memref<10000xf32, #tpu.memory_space<vmem>>
    %dma_start3A_107 = tpu.memref_slice %arg3[%add3A_102] : memref<3200000xf32, #tpu.memory_space<hbm>> -> memref<10000xf32, #tpu.memory_space<hbm>>
    %dma_start3A_108 = arith.constant 0 : i32
    %dma_start3A_109 = tpu.memref_slice %arg7[%dma_start3A_103, %dma_start3A_108] : memref<2x20000xf32, #tpu.memory_space<vmem>> -> memref<1x10000xf32, #tpu.memory_space<vmem>>
    %dma_start3A_110 = tpu.memref_squeeze %dma_start3A_109 : memref<1x10000xf32, #tpu.memory_space<vmem>> -> memref<10000xf32, #tpu.memory_space<vmem>>
    %dma_start3A_111 = tpu.memref_slice %arg3[%add3A_102] : memref<3200000xf32, #tpu.memory_space<hbm>> -> memref<10000xf32, #tpu.memory_space<hbm>>
    tpu.enqueue_dma source(%dma_start3A_111 : memref<10000xf32, #tpu.memory_space<hbm>>) target(%dma_start3A_110 : memref<10000xf32, #tpu.memory_space<vmem>>) target_semaphore(%arg10 : memref<!tpu.dma_semaphore, #tpu.memory_space<semaphore_mem>>)
    %mul3A_112 = arith.constant 100000 : i32
    %mul3A_113 = arith.muli %add3A, %mul3A_112 : i32
    %add3A_114 = arith.constant 50000 : i32
    %add3A_115 = arith.addi %mul3A_113, %add3A_114 : i32
    %add3A_116 = arith.constant 20000 : i32
    %add3A_117 = arith.addi %add3A_115, %add3A_116 : i32
    %dma_start3A_118 = arith.constant 0 : i32
    %dma_start3A_119 = arith.constant 10000 : i32
    %dma_start3A_120 = tpu.memref_slice %arg7[%dma_start3A_118, %dma_start3A_119] : memref<2x20000xf32, #tpu.memory_space<vmem>> -> memref<1x10000xf32, #tpu.memory_space<vmem>>
    %dma_start3A_121 = tpu.memref_squeeze %dma_start3A_120 : memref<1x10000xf32, #tpu.memory_space<vmem>> -> memref<10000xf32, #tpu.memory_space<vmem>>
    %dma_start3A_122 = tpu.memref_slice %arg3[%add3A_117] : memref<3200000xf32, #tpu.memory_space<hbm>> -> memref<10000xf32, #tpu.memory_space<hbm>>
    %dma_start3A_123 = arith.constant 10000 : i32
    %dma_start3A_124 = tpu.memref_slice %arg7[%dma_start3A_118, %dma_start3A_123] : memref<2x20000xf32, #tpu.memory_space<vmem>> -> memref<1x10000xf32, #tpu.memory_space<vmem>>
    %dma_start3A_125 = tpu.memref_squeeze %dma_start3A_124 : memref<1x10000xf32, #tpu.memory_space<vmem>> -> memref<10000xf32, #tpu.memory_space<vmem>>
    %dma_start3A_126 = tpu.memref_slice %arg3[%add3A_117] : memref<3200000xf32, #tpu.memory_space<hbm>> -> memref<10000xf32, #tpu.memory_space<hbm>>
    tpu.enqueue_dma source(%dma_start3A_126 : memref<10000xf32, #tpu.memory_space<hbm>>) target(%dma_start3A_125 : memref<10000xf32, #tpu.memory_space<vmem>>) target_semaphore(%arg12 : memref<!tpu.dma_semaphore, #tpu.memory_space<semaphore_mem>>)
    %dma_wait3A_127 = arith.constant 1 : i32
    %dma_wait3A_128 = arith.constant 0 : i32
    %dma_wait3A_129 = tpu.memref_slice %arg7[%dma_wait3A_127, %dma_wait3A_128] : memref<2x20000xf32, #tpu.memory_space<vmem>> -> memref<1x10000xf32, #tpu.memory_space<vmem>>
    %dma_wait3A_130 = tpu.memref_squeeze %dma_wait3A_129 : memref<1x10000xf32, #tpu.memory_space<vmem>> -> memref<10000xf32, #tpu.memory_space<vmem>>
    %dma_wait3A_131 = tpu.memref_slice %arg3[%add3A_33] : memref<3200000xf32, #tpu.memory_space<hbm>> -> memref<10000xf32, #tpu.memory_space<hbm>>
    %dma_wait3A_132 = arith.constant 0 : i32
    %dma_wait3A_133 = tpu.memref_slice %arg7[%dma_wait3A_127, %dma_wait3A_132] : memref<2x20000xf32, #tpu.memory_space<vmem>> -> memref<1x10000xf32, #tpu.memory_space<vmem>>
    %dma_wait3A_134 = tpu.memref_squeeze %dma_wait3A_133 : memref<1x10000xf32, #tpu.memory_space<vmem>> -> memref<10000xf32, #tpu.memory_space<vmem>>
    %dma_wait3A_135 = tpu.memref_slice %arg3[%add3A_33] : memref<3200000xf32, #tpu.memory_space<hbm>> -> memref<10000xf32, #tpu.memory_space<hbm>>
    tpu.wait_dma2 semaphore(%arg11 : memref<!tpu.dma_semaphore, #tpu.memory_space<semaphore_mem>>) src(%dma_wait3A_135 : memref<10000xf32, #tpu.memory_space<hbm>>) dst(%dma_wait3A_134 : memref<10000xf32, #tpu.memory_space<vmem>>)
    %dma_wait3A_136 = arith.constant 1 : i32
    %dma_wait3A_137 = arith.constant 10000 : i32
    %dma_wait3A_138 = tpu.memref_slice %arg7[%dma_wait3A_136, %dma_wait3A_137] : memref<2x20000xf32, #tpu.memory_space<vmem>> -> memref<1x10000xf32, #tpu.memory_space<vmem>>
    %dma_wait3A_139 = tpu.memref_squeeze %dma_wait3A_138 : memref<1x10000xf32, #tpu.memory_space<vmem>> -> memref<10000xf32, #tpu.memory_space<vmem>>
    %dma_wait3A_140 = tpu.memref_slice %arg3[%add3A_48] : memref<3200000xf32, #tpu.memory_space<hbm>> -> memref<10000xf32, #tpu.memory_space<hbm>>
    %dma_wait3A_141 = arith.constant 10000 : i32
    %dma_wait3A_142 = tpu.memref_slice %arg7[%dma_wait3A_136, %dma_wait3A_141] : memref<2x20000xf32, #tpu.memory_space<vmem>> -> memref<1x10000xf32, #tpu.memory_space<vmem>>
    %dma_wait3A_143 = tpu.memref_squeeze %dma_wait3A_142 : memref<1x10000xf32, #tpu.memory_space<vmem>> -> memref<10000xf32, #tpu.memory_space<vmem>>
    %dma_wait3A_144 = tpu.memref_slice %arg3[%add3A_48] : memref<3200000xf32, #tpu.memory_space<hbm>> -> memref<10000xf32, #tpu.memory_space<hbm>>
    tpu.wait_dma2 semaphore(%arg13 : memref<!tpu.dma_semaphore, #tpu.memory_space<semaphore_mem>>) src(%dma_wait3A_144 : memref<10000xf32, #tpu.memory_space<hbm>>) dst(%dma_wait3A_143 : memref<10000xf32, #tpu.memory_space<vmem>>)
    %parallel_loop3A_145 = arith.constant 0 : i32
    %parallel_loop3A_146 = arith.constant 625 : i32
    %parallel_loop3A_147 = arith.constant 1 : i32
    scf.for %parallel_loop3A_445 = %parallel_loop3A_145 to %parallel_loop3A_146 step %parallel_loop3A_147  : i32 {
      %parallel_loop3A_446 = arith.constant 16 : i32
      %parallel_loop3A_447 = arith.muli %parallel_loop3A_445, %parallel_loop3A_446 : i32
      %parallel_loop3A_448 = arith.constant 1 : i32
      %parallel_loop3A_449 = arith.index_cast %parallel_loop3A_448 : i32 to index
      %parallel_loop3A_450 = arith.index_cast %parallel_loop3A_447 : i32 to index
      %parallel_loop3A_451 = tpu.vector_load %arg7[%parallel_loop3A_449, %parallel_loop3A_450] {strides = array<i32>} : memref<2x20000xf32, #tpu.memory_space<vmem>>, vector<16xf32>,
      %parallel_loop3A_452 = arith.constant 16 : i32
      %parallel_loop3A_453 = arith.muli %parallel_loop3A_445, %parallel_loop3A_452 : i32
      %parallel_loop3A_454 = arith.constant 10000 : i32
      %parallel_loop3A_455 = arith.addi %parallel_loop3A_454, %parallel_loop3A_453 : i32
      %parallel_loop3A_456 = arith.constant 1 : i32
      %parallel_loop3A_457 = arith.index_cast %parallel_loop3A_456 : i32 to index
      %parallel_loop3A_458 = arith.index_cast %parallel_loop3A_455 : i32 to index
      %parallel_loop3A_459 = tpu.vector_load %arg7[%parallel_loop3A_457, %parallel_loop3A_458] {strides = array<i32>} : memref<2x20000xf32, #tpu.memory_space<vmem>>, vector<16xf32>,
      %parallel_loop3A_460 = arith.constant 40.7436638 : f32
      %parallel_loop3A_461 = vector.broadcast %parallel_loop3A_460 : f32 to vector<16xf32>
      %parallel_loop3A_462 = arith.mulf %parallel_loop3A_451, %parallel_loop3A_461 : vector<16xf32>
      %parallel_loop3A_463 = arith.constant 40.7436638 : f32
      %parallel_loop3A_464 = vector.broadcast %parallel_loop3A_463 : f32 to vector<16xf32>
      %parallel_loop3A_465 = arith.mulf %parallel_loop3A_459, %parallel_loop3A_464 : vector<16xf32>
      %parallel_loop3A_466 = arith.fptosi %parallel_loop3A_462 : vector<16xf32> to vector<16xi32>
      %parallel_loop3A_467 = arith.fptosi %parallel_loop3A_465 : vector<16xf32> to vector<16xi32>
      %parallel_loop3A_468 = arith.sitofp %parallel_loop3A_466 : vector<16xi32> to vector<16xf32>
      %parallel_loop3A_469 = arith.subf %parallel_loop3A_462, %parallel_loop3A_468 : vector<16xf32>
      %parallel_loop3A_470 = arith.sitofp %parallel_loop3A_467 : vector<16xi32> to vector<16xf32>
      %parallel_loop3A_471 = arith.subf %parallel_loop3A_465, %parallel_loop3A_470 : vector<16xf32>
      %parallel_loop3A_472 = arith.constant 256 : i32
      %parallel_loop3A_473 = vector.broadcast %parallel_loop3A_472 : i32 to vector<16xi32>
      %parallel_loop3A_474 = arith.muli %parallel_loop3A_466, %parallel_loop3A_473 : vector<16xi32>
      %parallel_loop3A_475 = arith.addi %parallel_loop3A_474, %parallel_loop3A_467 : vector<16xi32>
      %parallel_loop3A_476 = arith.constant 256 : i32
      %parallel_loop3A_477 = vector.broadcast %parallel_loop3A_476 : i32 to vector<16xi32>
      %parallel_loop3A_478 = arith.addi %parallel_loop3A_475, %parallel_loop3A_477 : vector<16xi32>
      %parallel_loop3A_479 = tpu.vector_load_idx %arg6[%parallel_loop3A_475] : memref<11264xf32, #tpu.memory_space<vmem>>[vector<16xi32>], vector<16xf32>,
      %parallel_loop3A_480 = arith.constant 128 : i32
      %parallel_loop3A_481 = vector.broadcast %parallel_loop3A_480 : i32 to vector<16xi32>
      %parallel_loop3A_482 = arith.addi %parallel_loop3A_475, %parallel_loop3A_481 : vector<16xi32>
      %parallel_loop3A_483 = tpu.vector_load_idx %arg6[%parallel_loop3A_482] : memref<11264xf32, #tpu.memory_space<vmem>>[vector<16xi32>], vector<16xf32>,
      %parallel_loop3A_484 = arith.constant 1 : i32
      %parallel_loop3A_485 = vector.broadcast %parallel_loop3A_484 : i32 to vector<16xi32>
      %parallel_loop3A_486 = arith.addi %parallel_loop3A_475, %parallel_loop3A_485 : vector<16xi32>
      %parallel_loop3A_487 = tpu.vector_load_idx %arg6[%parallel_loop3A_486] : memref<11264xf32, #tpu.memory_space<vmem>>[vector<16xi32>], vector<16xf32>,
      %parallel_loop3A_488 = arith.constant 128 : i32
      %parallel_loop3A_489 = vector.broadcast %parallel_loop3A_488 : i32 to vector<16xi32>
      %parallel_loop3A_490 = arith.addi %parallel_loop3A_475, %parallel_loop3A_489 : vector<16xi32>
      %parallel_loop3A_491 = arith.constant 1 : i32
      %parallel_loop3A_492 = vector.broadcast %parallel_loop3A_491 : i32 to vector<16xi32>
      %parallel_loop3A_493 = arith.addi %parallel_loop3A_490, %parallel_loop3A_492 : vector<16xi32>
      %parallel_loop3A_494 = tpu.vector_load_idx %arg6[%parallel_loop3A_493] : memref<11264xf32, #tpu.memory_space<vmem>>[vector<16xi32>], vector<16xf32>,
      %parallel_loop3A_495 = tpu.vector_load_idx %arg6[%parallel_loop3A_478] : memref<11264xf32, #tpu.memory_space<vmem>>[vector<16xi32>], vector<16xf32>,
      %parallel_loop3A_496 = arith.constant 128 : i32
      %parallel_loop3A_497 = vector.broadcast %parallel_loop3A_496 : i32 to vector<16xi32>
      %parallel_loop3A_498 = arith.addi %parallel_loop3A_478, %parallel_loop3A_497 : vector<16xi32>
      %parallel_loop3A_499 = tpu.vector_load_idx %arg6[%parallel_loop3A_498] : memref<11264xf32, #tpu.memory_space<vmem>>[vector<16xi32>], vector<16xf32>,
      %parallel_loop3A_500 = arith.constant 1 : i32
      %parallel_loop3A_501 = vector.broadcast %parallel_loop3A_500 : i32 to vector<16xi32>
      %parallel_loop3A_502 = arith.addi %parallel_loop3A_478, %parallel_loop3A_501 : vector<16xi32>
      %parallel_loop3A_503 = tpu.vector_load_idx %arg6[%parallel_loop3A_502] : memref<11264xf32, #tpu.memory_space<vmem>>[vector<16xi32>], vector<16xf32>,
      %parallel_loop3A_504 = arith.constant 128 : i32
      %parallel_loop3A_505 = vector.broadcast %parallel_loop3A_504 : i32 to vector<16xi32>
      %parallel_loop3A_506 = arith.addi %parallel_loop3A_478, %parallel_loop3A_505 : vector<16xi32>
      %parallel_loop3A_507 = arith.constant 1 : i32
      %parallel_loop3A_508 = vector.broadcast %parallel_loop3A_507 : i32 to vector<16xi32>
      %parallel_loop3A_509 = arith.addi %parallel_loop3A_506, %parallel_loop3A_508 : vector<16xi32>
      %parallel_loop3A_510 = tpu.vector_load_idx %arg6[%parallel_loop3A_509] : memref<11264xf32, #tpu.memory_space<vmem>>[vector<16xi32>], vector<16xf32>,
      %parallel_loop3A_511 = arith.constant 1.000000e+00 : f32
      %parallel_loop3A_512 = vector.broadcast %parallel_loop3A_511 : f32 to vector<16xf32>
      %parallel_loop3A_513 = arith.subf %parallel_loop3A_512, %parallel_loop3A_469 : vector<16xf32>
      %parallel_loop3A_514 = arith.constant 1.000000e+00 : f32
      %parallel_loop3A_515 = vector.broadcast %parallel_loop3A_514 : f32 to vector<16xf32>
      %parallel_loop3A_516 = arith.subf %parallel_loop3A_515, %parallel_loop3A_471 : vector<16xf32>
      %parallel_loop3A_517 = arith.mulf %parallel_loop3A_513, %parallel_loop3A_516 : vector<16xf32>
      %parallel_loop3A_518 = arith.mulf %parallel_loop3A_469, %parallel_loop3A_516 : vector<16xf32>
      %parallel_loop3A_519 = arith.mulf %parallel_loop3A_469, %parallel_loop3A_471 : vector<16xf32>
      %parallel_loop3A_520 = arith.mulf %parallel_loop3A_513, %parallel_loop3A_471 : vector<16xf32>
      %parallel_loop3A_521 = arith.mulf %parallel_loop3A_517, %parallel_loop3A_479 : vector<16xf32>
      %parallel_loop3A_522 = arith.mulf %parallel_loop3A_518, %parallel_loop3A_495 : vector<16xf32>
      %parallel_loop3A_523 = arith.addf %parallel_loop3A_521, %parallel_loop3A_522 : vector<16xf32>
      %parallel_loop3A_524 = arith.mulf %parallel_loop3A_519, %parallel_loop3A_503 : vector<16xf32>
      %parallel_loop3A_525 = arith.addf %parallel_loop3A_523, %parallel_loop3A_524 : vector<16xf32>
      %parallel_loop3A_526 = arith.mulf %parallel_loop3A_520, %parallel_loop3A_487 : vector<16xf32>
      %parallel_loop3A_527 = arith.addf %parallel_loop3A_525, %parallel_loop3A_526 : vector<16xf32>
      %parallel_loop3A_528 = arith.mulf %parallel_loop3A_517, %parallel_loop3A_483 : vector<16xf32>
      %parallel_loop3A_529 = arith.mulf %parallel_loop3A_518, %parallel_loop3A_499 : vector<16xf32>
      %parallel_loop3A_530 = arith.addf %parallel_loop3A_528, %parallel_loop3A_529 : vector<16xf32>
      %parallel_loop3A_531 = arith.mulf %parallel_loop3A_519, %parallel_loop3A_510 : vector<16xf32>
      %parallel_loop3A_532 = arith.addf %parallel_loop3A_530, %parallel_loop3A_531 : vector<16xf32>
      %parallel_loop3A_533 = arith.mulf %parallel_loop3A_520, %parallel_loop3A_494 : vector<16xf32>
      %parallel_loop3A_534 = arith.addf %parallel_loop3A_532, %parallel_loop3A_533 : vector<16xf32>
      %parallel_loop3A_535 = arith.constant 0.00999999977 : f32
      %parallel_loop3A_536 = vector.broadcast %parallel_loop3A_535 : f32 to vector<16xf32>
      %parallel_loop3A_537 = arith.mulf %parallel_loop3A_527, %parallel_loop3A_536 : vector<16xf32>
      %parallel_loop3A_538 = arith.addf %parallel_loop3A_451, %parallel_loop3A_537 : vector<16xf32>
      %parallel_loop3A_539 = arith.constant 16 : i32
      %parallel_loop3A_540 = arith.muli %parallel_loop3A_445, %parallel_loop3A_539 : i32
      %parallel_loop3A_541 = arith.constant 1 : i32
      %parallel_loop3A_542 = arith.index_cast %parallel_loop3A_541 : i32 to index
      %parallel_loop3A_543 = arith.index_cast %parallel_loop3A_540 : i32 to index
      %parallel_loop3A_544 = tpu.vector_load %arg8[%parallel_loop3A_542, %parallel_loop3A_543] {strides = array<i32>} : memref<2x10000xf32, #tpu.memory_space<vmem>>, vector<16xf32>,
      tpu.vector_store %arg8[%parallel_loop3A_542, %parallel_loop3A_543], %parallel_loop3A_538 {strides = array<i32>} : memref<2x10000xf32, #tpu.memory_space<vmem>>, vector<16xf32>,
      %parallel_loop3A_545 = arith.constant 0.00999999977 : f32
      %parallel_loop3A_546 = vector.broadcast %parallel_loop3A_545 : f32 to vector<16xf32>
      %parallel_loop3A_547 = arith.mulf %parallel_loop3A_534, %parallel_loop3A_546 : vector<16xf32>
      %parallel_loop3A_548 = arith.addf %parallel_loop3A_459, %parallel_loop3A_547 : vector<16xf32>
      %parallel_loop3A_549 = arith.constant 16 : i32
      %parallel_loop3A_550 = arith.muli %parallel_loop3A_445, %parallel_loop3A_549 : i32
      %parallel_loop3A_551 = arith.constant 1 : i32
      %parallel_loop3A_552 = arith.index_cast %parallel_loop3A_551 : i32 to index
      %parallel_loop3A_553 = arith.index_cast %parallel_loop3A_550 : i32 to index
      %parallel_loop3A_554 = tpu.vector_load %arg9[%parallel_loop3A_552, %parallel_loop3A_553] {strides = array<i32>} : memref<2x10000xf32, #tpu.memory_space<vmem>>, vector<16xf32>,
      tpu.vector_store %arg9[%parallel_loop3A_552, %parallel_loop3A_553], %parallel_loop3A_548 {strides = array<i32>} : memref<2x10000xf32, #tpu.memory_space<vmem>>, vector<16xf32>,
    } {sc.loop_unroll_factor = 5 : i64, sc.parallel_access}
    %mul3A_148 = arith.constant 50000 : i32
    %mul3A_149 = arith.muli %add3A, %mul3A_148 : i32
    %add3A_150 = arith.constant 10000 : i32
    %add3A_151 = arith.addi %mul3A_149, %add3A_150 : i32
    %dma_start3A_152 = arith.constant 1 : i32
    %dma_start3A_153 = arith.constant 0 : i32
    %dma_start3A_154 = tpu.memref_slice %arg8[%dma_start3A_152, %dma_start3A_153] : memref<2x10000xf32, #tpu.memory_space<vmem>> -> memref<1x10000xf32, #tpu.memory_space<vmem>>
    %dma_start3A_155 = tpu.memref_squeeze %dma_start3A_154 : memref<1x10000xf32, #tpu.memory_space<vmem>> -> memref<10000xf32, #tpu.memory_space<vmem>>
    %dma_start3A_156 = tpu.memref_slice %arg4[%add3A_151] : memref<1600000xf32, #tpu.memory_space<hbm>> -> memref<10000xf32, #tpu.memory_space<hbm>>
    %dma_start3A_157 = tpu.memref_slice %arg4[%add3A_151] : memref<1600000xf32, #tpu.memory_space<hbm>> -> memref<10000xf32, #tpu.memory_space<hbm>>
    %dma_start3A_158 = arith.constant 0 : i32
    %dma_start3A_159 = tpu.memref_slice %arg8[%dma_start3A_152, %dma_start3A_158] : memref<2x10000xf32, #tpu.memory_space<vmem>> -> memref<1x10000xf32, #tpu.memory_space<vmem>>
    %dma_start3A_160 = tpu.memref_squeeze %dma_start3A_159 : memref<1x10000xf32, #tpu.memory_space<vmem>> -> memref<10000xf32, #tpu.memory_space<vmem>>
    tpu.enqueue_dma source(%dma_start3A_160 : memref<10000xf32, #tpu.memory_space<vmem>>) target(%dma_start3A_157 : memref<10000xf32, #tpu.memory_space<hbm>>) target_semaphore(%arg15 : memref<!tpu.dma_semaphore, #tpu.memory_space<semaphore_mem>>)
    %dma_start3A_161 = arith.constant 1 : i32
    %dma_start3A_162 = arith.constant 0 : i32
    %dma_start3A_163 = tpu.memref_slice %arg9[%dma_start3A_161, %dma_start3A_162] : memref<2x10000xf32, #tpu.memory_space<vmem>> -> memref<1x10000xf32, #tpu.memory_space<vmem>>
    %dma_start3A_164 = tpu.memref_squeeze %dma_start3A_163 : memref<1x10000xf32, #tpu.memory_space<vmem>> -> memref<10000xf32, #tpu.memory_space<vmem>>
    %dma_start3A_165 = tpu.memref_slice %arg5[%add3A_151] : memref<1600000xf32, #tpu.memory_space<hbm>> -> memref<10000xf32, #tpu.memory_space<hbm>>
    %dma_start3A_166 = tpu.memref_slice %arg5[%add3A_151] : memref<1600000xf32, #tpu.memory_space<hbm>> -> memref<10000xf32, #tpu.memory_space<hbm>>
    %dma_start3A_167 = arith.constant 0 : i32
    %dma_start3A_168 = tpu.memref_slice %arg9[%dma_start3A_161, %dma_start3A_167] : memref<2x10000xf32, #tpu.memory_space<vmem>> -> memref<1x10000xf32, #tpu.memory_space<vmem>>
    %dma_start3A_169 = tpu.memref_squeeze %dma_start3A_168 : memref<1x10000xf32, #tpu.memory_space<vmem>> -> memref<10000xf32, #tpu.memory_space<vmem>>
    tpu.enqueue_dma source(%dma_start3A_169 : memref<10000xf32, #tpu.memory_space<vmem>>) target(%dma_start3A_166 : memref<10000xf32, #tpu.memory_space<hbm>>) target_semaphore(%arg17 : memref<!tpu.dma_semaphore, #tpu.memory_space<semaphore_mem>>)
    %mul3A_170 = arith.constant 100000 : i32
    %mul3A_171 = arith.muli %add3A, %mul3A_170 : i32
    %add3A_172 = arith.constant 30000 : i32
    %add3A_173 = arith.addi %mul3A_171, %add3A_172 : i32
    %dma_start3A_174 = arith.constant 1 : i32
    %dma_start3A_175 = arith.constant 0 : i32
    %dma_start3A_176 = tpu.memref_slice %arg7[%dma_start3A_174, %dma_start3A_175] : memref<2x20000xf32, #tpu.memory_space<vmem>> -> memref<1x10000xf32, #tpu.memory_space<vmem>>
    %dma_start3A_177 = tpu.memref_squeeze %dma_start3A_176 : memref<1x10000xf32, #tpu.memory_space<vmem>> -> memref<10000xf32, #tpu.memory_space<vmem>>
    %dma_start3A_178 = tpu.memref_slice %arg3[%add3A_173] : memref<3200000xf32, #tpu.memory_space<hbm>> -> memref<10000xf32, #tpu.memory_space<hbm>>
    %dma_start3A_179 = arith.constant 0 : i32
    %dma_start3A_180 = tpu.memref_slice %arg7[%dma_start3A_174, %dma_start3A_179] : memref<2x20000xf32, #tpu.memory_space<vmem>> -> memref<1x10000xf32, #tpu.memory_space<vmem>>
    %dma_start3A_181 = tpu.memref_squeeze %dma_start3A_180 : memref<1x10000xf32, #tpu.memory_space<vmem>> -> memref<10000xf32, #tpu.memory_space<vmem>>
    %dma_start3A_182 = tpu.memref_slice %arg3[%add3A_173] : memref<3200000xf32, #tpu.memory_space<hbm>> -> memref<10000xf32, #tpu.memory_space<hbm>>
    tpu.enqueue_dma source(%dma_start3A_182 : memref<10000xf32, #tpu.memory_space<hbm>>) target(%dma_start3A_181 : memref<10000xf32, #tpu.memory_space<vmem>>) target_semaphore(%arg11 : memref<!tpu.dma_semaphore, #tpu.memory_space<semaphore_mem>>)
    %mul3A_183 = arith.constant 100000 : i32
    %mul3A_184 = arith.muli %add3A, %mul3A_183 : i32
    %add3A_185 = arith.constant 50000 : i32
    %add3A_186 = arith.addi %mul3A_184, %add3A_185 : i32
    %add3A_187 = arith.constant 30000 : i32
    %add3A_188 = arith.addi %add3A_186, %add3A_187 : i32
    %dma_start3A_189 = arith.constant 1 : i32
    %dma_start3A_190 = arith.constant 10000 : i32
    %dma_start3A_191 = tpu.memref_slice %arg7[%dma_start3A_189, %dma_start3A_190] : memref<2x20000xf32, #tpu.memory_space<vmem>> -> memref<1x10000xf32, #tpu.memory_space<vmem>>
    %dma_start3A_192 = tpu.memref_squeeze %dma_start3A_191 : memref<1x10000xf32, #tpu.memory_space<vmem>> -> memref<10000xf32, #tpu.memory_space<vmem>>
    %dma_start3A_193 = tpu.memref_slice %arg3[%add3A_188] : memref<3200000xf32, #tpu.memory_space<hbm>> -> memref<10000xf32, #tpu.memory_space<hbm>>
    %dma_start3A_194 = arith.constant 10000 : i32
    %dma_start3A_195 = tpu.memref_slice %arg7[%dma_start3A_189, %dma_start3A_194] : memref<2x20000xf32, #tpu.memory_space<vmem>> -> memref<1x10000xf32, #tpu.memory_space<vmem>>
    %dma_start3A_196 = tpu.memref_squeeze %dma_start3A_195 : memref<1x10000xf32, #tpu.memory_space<vmem>> -> memref<10000xf32, #tpu.memory_space<vmem>>
    %dma_start3A_197 = tpu.memref_slice %arg3[%add3A_188] : memref<3200000xf32, #tpu.memory_space<hbm>> -> memref<10000xf32, #tpu.memory_space<hbm>>
    tpu.enqueue_dma source(%dma_start3A_197 : memref<10000xf32, #tpu.memory_space<hbm>>) target(%dma_start3A_196 : memref<10000xf32, #tpu.memory_space<vmem>>) target_semaphore(%arg13 : memref<!tpu.dma_semaphore, #tpu.memory_space<semaphore_mem>>)
    %dma_wait3A_198 = arith.constant 0 : i32
    %dma_wait3A_199 = arith.constant 0 : i32
    %dma_wait3A_200 = tpu.memref_slice %arg7[%dma_wait3A_198, %dma_wait3A_199] : memref<2x20000xf32, #tpu.memory_space<vmem>> -> memref<1x10000xf32, #tpu.memory_space<vmem>>
    %dma_wait3A_201 = tpu.memref_squeeze %dma_wait3A_200 : memref<1x10000xf32, #tpu.memory_space<vmem>> -> memref<10000xf32, #tpu.memory_space<vmem>>
    %dma_wait3A_202 = tpu.memref_slice %arg3[%add3A_102] : memref<3200000xf32, #tpu.memory_space<hbm>> -> memref<10000xf32, #tpu.memory_space<hbm>>
    %dma_wait3A_203 = arith.constant 0 : i32
    %dma_wait3A_204 = tpu.memref_slice %arg7[%dma_wait3A_198, %dma_wait3A_203] : memref<2x20000xf32, #tpu.memory_space<vmem>> -> memref<1x10000xf32, #tpu.memory_space<vmem>>
    %dma_wait3A_205 = tpu.memref_squeeze %dma_wait3A_204 : memref<1x10000xf32, #tpu.memory_space<vmem>> -> memref<10000xf32, #tpu.memory_space<vmem>>
    %dma_wait3A_206 = tpu.memref_slice %arg3[%add3A_102] : memref<3200000xf32, #tpu.memory_space<hbm>> -> memref<10000xf32, #tpu.memory_space<hbm>>
    tpu.wait_dma2 semaphore(%arg10 : memref<!tpu.dma_semaphore, #tpu.memory_space<semaphore_mem>>) src(%dma_wait3A_206 : memref<10000xf32, #tpu.memory_space<hbm>>) dst(%dma_wait3A_205 : memref<10000xf32, #tpu.memory_space<vmem>>)
    %dma_wait3A_207 = arith.constant 0 : i32
    %dma_wait3A_208 = arith.constant 10000 : i32
    %dma_wait3A_209 = tpu.memref_slice %arg7[%dma_wait3A_207, %dma_wait3A_208] : memref<2x20000xf32, #tpu.memory_space<vmem>> -> memref<1x10000xf32, #tpu.memory_space<vmem>>
    %dma_wait3A_210 = tpu.memref_squeeze %dma_wait3A_209 : memref<1x10000xf32, #tpu.memory_space<vmem>> -> memref<10000xf32, #tpu.memory_space<vmem>>
    %dma_wait3A_211 = tpu.memref_slice %arg3[%add3A_117] : memref<3200000xf32, #tpu.memory_space<hbm>> -> memref<10000xf32, #tpu.memory_space<hbm>>
    %dma_wait3A_212 = arith.constant 10000 : i32
    %dma_wait3A_213 = tpu.memref_slice %arg7[%dma_wait3A_207, %dma_wait3A_212] : memref<2x20000xf32, #tpu.memory_space<vmem>> -> memref<1x10000xf32, #tpu.memory_space<vmem>>
    %dma_wait3A_214 = tpu.memref_squeeze %dma_wait3A_213 : memref<1x10000xf32, #tpu.memory_space<vmem>> -> memref<10000xf32, #tpu.memory_space<vmem>>
    %dma_wait3A_215 = tpu.memref_slice %arg3[%add3A_117] : memref<3200000xf32, #tpu.memory_space<hbm>> -> memref<10000xf32, #tpu.memory_space<hbm>>
    tpu.wait_dma2 semaphore(%arg12 : memref<!tpu.dma_semaphore, #tpu.memory_space<semaphore_mem>>) src(%dma_wait3A_215 : memref<10000xf32, #tpu.memory_space<hbm>>) dst(%dma_wait3A_214 : memref<10000xf32, #tpu.memory_space<vmem>>)
    %dma_wait3A_216 = arith.constant 0 : i32
    %dma_wait3A_217 = arith.constant 0 : i32
    %dma_wait3A_218 = tpu.memref_slice %arg8[%dma_wait3A_216, %dma_wait3A_217] : memref<2x10000xf32, #tpu.memory_space<vmem>> -> memref<1x10000xf32, #tpu.memory_space<vmem>>
    %dma_wait3A_219 = tpu.memref_squeeze %dma_wait3A_218 : memref<1x10000xf32, #tpu.memory_space<vmem>> -> memref<10000xf32, #tpu.memory_space<vmem>>
    %dma_wait3A_220 = tpu.memref_slice %arg4[%add3A_80] : memref<1600000xf32, #tpu.memory_space<hbm>> -> memref<10000xf32, #tpu.memory_space<hbm>>
    %dma_wait3A_221 = tpu.memref_slice %arg4[%add3A_80] : memref<1600000xf32, #tpu.memory_space<hbm>> -> memref<10000xf32, #tpu.memory_space<hbm>>
    %dma_wait3A_222 = arith.constant 0 : i32
    %dma_wait3A_223 = tpu.memref_slice %arg8[%dma_wait3A_216, %dma_wait3A_222] : memref<2x10000xf32, #tpu.memory_space<vmem>> -> memref<1x10000xf32, #tpu.memory_space<vmem>>
    %dma_wait3A_224 = tpu.memref_squeeze %dma_wait3A_223 : memref<1x10000xf32, #tpu.memory_space<vmem>> -> memref<10000xf32, #tpu.memory_space<vmem>>
    tpu.wait_dma2 semaphore(%arg14 : memref<!tpu.dma_semaphore, #tpu.memory_space<semaphore_mem>>) src(%dma_wait3A_224 : memref<10000xf32, #tpu.memory_space<vmem>>) dst(%dma_wait3A_221 : memref<10000xf32, #tpu.memory_space<hbm>>)
    %dma_wait3A_225 = arith.constant 0 : i32
    %dma_wait3A_226 = arith.constant 0 : i32
    %dma_wait3A_227 = tpu.memref_slice %arg9[%dma_wait3A_225, %dma_wait3A_226] : memref<2x10000xf32, #tpu.memory_space<vmem>> -> memref<1x10000xf32, #tpu.memory_space<vmem>>
    %dma_wait3A_228 = tpu.memref_squeeze %dma_wait3A_227 : memref<1x10000xf32, #tpu.memory_space<vmem>> -> memref<10000xf32, #tpu.memory_space<vmem>>
    %dma_wait3A_229 = tpu.memref_slice %arg5[%add3A_80] : memref<1600000xf32, #tpu.memory_space<hbm>> -> memref<10000xf32, #tpu.memory_space<hbm>>
    %dma_wait3A_230 = tpu.memref_slice %arg5[%add3A_80] : memref<1600000xf32, #tpu.memory_space<hbm>> -> memref<10000xf32, #tpu.memory_space<hbm>>
    %dma_wait3A_231 = arith.constant 0 : i32
    %dma_wait3A_232 = tpu.memref_slice %arg9[%dma_wait3A_225, %dma_wait3A_231] : memref<2x10000xf32, #tpu.memory_space<vmem>> -> memref<1x10000xf32, #tpu.memory_space<vmem>>
    %dma_wait3A_233 = tpu.memref_squeeze %dma_wait3A_232 : memref<1x10000xf32, #tpu.memory_space<vmem>> -> memref<10000xf32, #tpu.memory_space<vmem>>
    tpu.wait_dma2 semaphore(%arg16 : memref<!tpu.dma_semaphore, #tpu.memory_space<semaphore_mem>>) src(%dma_wait3A_233 : memref<10000xf32, #tpu.memory_space<vmem>>) dst(%dma_wait3A_230 : memref<10000xf32, #tpu.memory_space<hbm>>)
    %parallel_loop3A_234 = arith.constant 0 : i32
    %parallel_loop3A_235 = arith.constant 625 : i32
    %parallel_loop3A_236 = arith.constant 1 : i32
    scf.for %parallel_loop3A_445 = %parallel_loop3A_234 to %parallel_loop3A_235 step %parallel_loop3A_236  : i32 {
      %parallel_loop3A_446 = arith.constant 16 : i32
      %parallel_loop3A_447 = arith.muli %parallel_loop3A_445, %parallel_loop3A_446 : i32
      %parallel_loop3A_448 = arith.constant 0 : i32
      %parallel_loop3A_449 = arith.index_cast %parallel_loop3A_448 : i32 to index
      %parallel_loop3A_450 = arith.index_cast %parallel_loop3A_447 : i32 to index
      %parallel_loop3A_451 = tpu.vector_load %arg7[%parallel_loop3A_449, %parallel_loop3A_450] {strides = array<i32>} : memref<2x20000xf32, #tpu.memory_space<vmem>>, vector<16xf32>,
      %parallel_loop3A_452 = arith.constant 16 : i32
      %parallel_loop3A_453 = arith.muli %parallel_loop3A_445, %parallel_loop3A_452 : i32
      %parallel_loop3A_454 = arith.constant 10000 : i32
      %parallel_loop3A_455 = arith.addi %parallel_loop3A_454, %parallel_loop3A_453 : i32
      %parallel_loop3A_456 = arith.constant 0 : i32
      %parallel_loop3A_457 = arith.index_cast %parallel_loop3A_456 : i32 to index
      %parallel_loop3A_458 = arith.index_cast %parallel_loop3A_455 : i32 to index
      %parallel_loop3A_459 = tpu.vector_load %arg7[%parallel_loop3A_457, %parallel_loop3A_458] {strides = array<i32>} : memref<2x20000xf32, #tpu.memory_space<vmem>>, vector<16xf32>,
      %parallel_loop3A_460 = arith.constant 40.7436638 : f32
      %parallel_loop3A_461 = vector.broadcast %parallel_loop3A_460 : f32 to vector<16xf32>
      %parallel_loop3A_462 = arith.mulf %parallel_loop3A_451, %parallel_loop3A_461 : vector<16xf32>
      %parallel_loop3A_463 = arith.constant 40.7436638 : f32
      %parallel_loop3A_464 = vector.broadcast %parallel_loop3A_463 : f32 to vector<16xf32>
      %parallel_loop3A_465 = arith.mulf %parallel_loop3A_459, %parallel_loop3A_464 : vector<16xf32>
      %parallel_loop3A_466 = arith.fptosi %parallel_loop3A_462 : vector<16xf32> to vector<16xi32>
      %parallel_loop3A_467 = arith.fptosi %parallel_loop3A_465 : vector<16xf32> to vector<16xi32>
      %parallel_loop3A_468 = arith.sitofp %parallel_loop3A_466 : vector<16xi32> to vector<16xf32>
      %parallel_loop3A_469 = arith.subf %parallel_loop3A_462, %parallel_loop3A_468 : vector<16xf32>
      %parallel_loop3A_470 = arith.sitofp %parallel_loop3A_467 : vector<16xi32> to vector<16xf32>
      %parallel_loop3A_471 = arith.subf %parallel_loop3A_465, %parallel_loop3A_470 : vector<16xf32>
      %parallel_loop3A_472 = arith.constant 256 : i32
      %parallel_loop3A_473 = vector.broadcast %parallel_loop3A_472 : i32 to vector<16xi32>
      %parallel_loop3A_474 = arith.muli %parallel_loop3A_466, %parallel_loop3A_473 : vector<16xi32>
      %parallel_loop3A_475 = arith.addi %parallel_loop3A_474, %parallel_loop3A_467 : vector<16xi32>
      %parallel_loop3A_476 = arith.constant 256 : i32
      %parallel_loop3A_477 = vector.broadcast %parallel_loop3A_476 : i32 to vector<16xi32>
      %parallel_loop3A_478 = arith.addi %parallel_loop3A_475, %parallel_loop3A_477 : vector<16xi32>
      %parallel_loop3A_479 = tpu.vector_load_idx %arg6[%parallel_loop3A_475] : memref<11264xf32, #tpu.memory_space<vmem>>[vector<16xi32>], vector<16xf32>,
      %parallel_loop3A_480 = arith.constant 128 : i32
      %parallel_loop3A_481 = vector.broadcast %parallel_loop3A_480 : i32 to vector<16xi32>
      %parallel_loop3A_482 = arith.addi %parallel_loop3A_475, %parallel_loop3A_481 : vector<16xi32>
      %parallel_loop3A_483 = tpu.vector_load_idx %arg6[%parallel_loop3A_482] : memref<11264xf32, #tpu.memory_space<vmem>>[vector<16xi32>], vector<16xf32>,
      %parallel_loop3A_484 = arith.constant 1 : i32
      %parallel_loop3A_485 = vector.broadcast %parallel_loop3A_484 : i32 to vector<16xi32>
      %parallel_loop3A_486 = arith.addi %parallel_loop3A_475, %parallel_loop3A_485 : vector<16xi32>
      %parallel_loop3A_487 = tpu.vector_load_idx %arg6[%parallel_loop3A_486] : memref<11264xf32, #tpu.memory_space<vmem>>[vector<16xi32>], vector<16xf32>,
      %parallel_loop3A_488 = arith.constant 128 : i32
      %parallel_loop3A_489 = vector.broadcast %parallel_loop3A_488 : i32 to vector<16xi32>
      %parallel_loop3A_490 = arith.addi %parallel_loop3A_475, %parallel_loop3A_489 : vector<16xi32>
      %parallel_loop3A_491 = arith.constant 1 : i32
      %parallel_loop3A_492 = vector.broadcast %parallel_loop3A_491 : i32 to vector<16xi32>
      %parallel_loop3A_493 = arith.addi %parallel_loop3A_490, %parallel_loop3A_492 : vector<16xi32>
      %parallel_loop3A_494 = tpu.vector_load_idx %arg6[%parallel_loop3A_493] : memref<11264xf32, #tpu.memory_space<vmem>>[vector<16xi32>], vector<16xf32>,
      %parallel_loop3A_495 = tpu.vector_load_idx %arg6[%parallel_loop3A_478] : memref<11264xf32, #tpu.memory_space<vmem>>[vector<16xi32>], vector<16xf32>,
      %parallel_loop3A_496 = arith.constant 128 : i32
      %parallel_loop3A_497 = vector.broadcast %parallel_loop3A_496 : i32 to vector<16xi32>
      %parallel_loop3A_498 = arith.addi %parallel_loop3A_478, %parallel_loop3A_497 : vector<16xi32>
      %parallel_loop3A_499 = tpu.vector_load_idx %arg6[%parallel_loop3A_498] : memref<11264xf32, #tpu.memory_space<vmem>>[vector<16xi32>], vector<16xf32>,
      %parallel_loop3A_500 = arith.constant 1 : i32
      %parallel_loop3A_501 = vector.broadcast %parallel_loop3A_500 : i32 to vector<16xi32>
      %parallel_loop3A_502 = arith.addi %parallel_loop3A_478, %parallel_loop3A_501 : vector<16xi32>
      %parallel_loop3A_503 = tpu.vector_load_idx %arg6[%parallel_loop3A_502] : memref<11264xf32, #tpu.memory_space<vmem>>[vector<16xi32>], vector<16xf32>,
      %parallel_loop3A_504 = arith.constant 128 : i32
      %parallel_loop3A_505 = vector.broadcast %parallel_loop3A_504 : i32 to vector<16xi32>
      %parallel_loop3A_506 = arith.addi %parallel_loop3A_478, %parallel_loop3A_505 : vector<16xi32>
      %parallel_loop3A_507 = arith.constant 1 : i32
      %parallel_loop3A_508 = vector.broadcast %parallel_loop3A_507 : i32 to vector<16xi32>
      %parallel_loop3A_509 = arith.addi %parallel_loop3A_506, %parallel_loop3A_508 : vector<16xi32>
      %parallel_loop3A_510 = tpu.vector_load_idx %arg6[%parallel_loop3A_509] : memref<11264xf32, #tpu.memory_space<vmem>>[vector<16xi32>], vector<16xf32>,
      %parallel_loop3A_511 = arith.constant 1.000000e+00 : f32
      %parallel_loop3A_512 = vector.broadcast %parallel_loop3A_511 : f32 to vector<16xf32>
      %parallel_loop3A_513 = arith.subf %parallel_loop3A_512, %parallel_loop3A_469 : vector<16xf32>
      %parallel_loop3A_514 = arith.constant 1.000000e+00 : f32
      %parallel_loop3A_515 = vector.broadcast %parallel_loop3A_514 : f32 to vector<16xf32>
      %parallel_loop3A_516 = arith.subf %parallel_loop3A_515, %parallel_loop3A_471 : vector<16xf32>
      %parallel_loop3A_517 = arith.mulf %parallel_loop3A_513, %parallel_loop3A_516 : vector<16xf32>
      %parallel_loop3A_518 = arith.mulf %parallel_loop3A_469, %parallel_loop3A_516 : vector<16xf32>
      %parallel_loop3A_519 = arith.mulf %parallel_loop3A_469, %parallel_loop3A_471 : vector<16xf32>
      %parallel_loop3A_520 = arith.mulf %parallel_loop3A_513, %parallel_loop3A_471 : vector<16xf32>
      %parallel_loop3A_521 = arith.mulf %parallel_loop3A_517, %parallel_loop3A_479 : vector<16xf32>
      %parallel_loop3A_522 = arith.mulf %parallel_loop3A_518, %parallel_loop3A_495 : vector<16xf32>
      %parallel_loop3A_523 = arith.addf %parallel_loop3A_521, %parallel_loop3A_522 : vector<16xf32>
      %parallel_loop3A_524 = arith.mulf %parallel_loop3A_519, %parallel_loop3A_503 : vector<16xf32>
      %parallel_loop3A_525 = arith.addf %parallel_loop3A_523, %parallel_loop3A_524 : vector<16xf32>
      %parallel_loop3A_526 = arith.mulf %parallel_loop3A_520, %parallel_loop3A_487 : vector<16xf32>
      %parallel_loop3A_527 = arith.addf %parallel_loop3A_525, %parallel_loop3A_526 : vector<16xf32>
      %parallel_loop3A_528 = arith.mulf %parallel_loop3A_517, %parallel_loop3A_483 : vector<16xf32>
      %parallel_loop3A_529 = arith.mulf %parallel_loop3A_518, %parallel_loop3A_499 : vector<16xf32>
      %parallel_loop3A_530 = arith.addf %parallel_loop3A_528, %parallel_loop3A_529 : vector<16xf32>
      %parallel_loop3A_531 = arith.mulf %parallel_loop3A_519, %parallel_loop3A_510 : vector<16xf32>
      %parallel_loop3A_532 = arith.addf %parallel_loop3A_530, %parallel_loop3A_531 : vector<16xf32>
      %parallel_loop3A_533 = arith.mulf %parallel_loop3A_520, %parallel_loop3A_494 : vector<16xf32>
      %parallel_loop3A_534 = arith.addf %parallel_loop3A_532, %parallel_loop3A_533 : vector<16xf32>
      %parallel_loop3A_535 = arith.constant 0.00999999977 : f32
      %parallel_loop3A_536 = vector.broadcast %parallel_loop3A_535 : f32 to vector<16xf32>
      %parallel_loop3A_537 = arith.mulf %parallel_loop3A_527, %parallel_loop3A_536 : vector<16xf32>
      %parallel_loop3A_538 = arith.addf %parallel_loop3A_451, %parallel_loop3A_537 : vector<16xf32>
      %parallel_loop3A_539 = arith.constant 16 : i32
      %parallel_loop3A_540 = arith.muli %parallel_loop3A_445, %parallel_loop3A_539 : i32
      %parallel_loop3A_541 = arith.constant 0 : i32
      %parallel_loop3A_542 = arith.index_cast %parallel_loop3A_541 : i32 to index
      %parallel_loop3A_543 = arith.index_cast %parallel_loop3A_540 : i32 to index
      %parallel_loop3A_544 = tpu.vector_load %arg8[%parallel_loop3A_542, %parallel_loop3A_543] {strides = array<i32>} : memref<2x10000xf32, #tpu.memory_space<vmem>>, vector<16xf32>,
      tpu.vector_store %arg8[%parallel_loop3A_542, %parallel_loop3A_543], %parallel_loop3A_538 {strides = array<i32>} : memref<2x10000xf32, #tpu.memory_space<vmem>>, vector<16xf32>,
      %parallel_loop3A_545 = arith.constant 0.00999999977 : f32
      %parallel_loop3A_546 = vector.broadcast %parallel_loop3A_545 : f32 to vector<16xf32>
      %parallel_loop3A_547 = arith.mulf %parallel_loop3A_534, %parallel_loop3A_546 : vector<16xf32>
      %parallel_loop3A_548 = arith.addf %parallel_loop3A_459, %parallel_loop3A_547 : vector<16xf32>
      %parallel_loop3A_549 = arith.constant 16 : i32
      %parallel_loop3A_550 = arith.muli %parallel_loop3A_445, %parallel_loop3A_549 : i32
      %parallel_loop3A_551 = arith.constant 0 : i32
      %parallel_loop3A_552 = arith.index_cast %parallel_loop3A_551 : i32 to index
      %parallel_loop3A_553 = arith.index_cast %parallel_loop3A_550 : i32 to index
      %parallel_loop3A_554 = tpu.vector_load %arg9[%parallel_loop3A_552, %parallel_loop3A_553] {strides = array<i32>} : memref<2x10000xf32, #tpu.memory_space<vmem>>, vector<16xf32>,
      tpu.vector_store %arg9[%parallel_loop3A_552, %parallel_loop3A_553], %parallel_loop3A_548 {strides = array<i32>} : memref<2x10000xf32, #tpu.memory_space<vmem>>, vector<16xf32>,
    } {sc.loop_unroll_factor = 5 : i64, sc.parallel_access}
    %mul3A_237 = arith.constant 50000 : i32
    %mul3A_238 = arith.muli %add3A, %mul3A_237 : i32
    %add3A_239 = arith.constant 20000 : i32
    %add3A_240 = arith.addi %mul3A_238, %add3A_239 : i32
    %dma_start3A_241 = arith.constant 0 : i32
    %dma_start3A_242 = arith.constant 0 : i32
    %dma_start3A_243 = tpu.memref_slice %arg8[%dma_start3A_241, %dma_start3A_242] : memref<2x10000xf32, #tpu.memory_space<vmem>> -> memref<1x10000xf32, #tpu.memory_space<vmem>>
    %dma_start3A_244 = tpu.memref_squeeze %dma_start3A_243 : memref<1x10000xf32, #tpu.memory_space<vmem>> -> memref<10000xf32, #tpu.memory_space<vmem>>
    %dma_start3A_245 = tpu.memref_slice %arg4[%add3A_240] : memref<1600000xf32, #tpu.memory_space<hbm>> -> memref<10000xf32, #tpu.memory_space<hbm>>
    %dma_start3A_246 = tpu.memref_slice %arg4[%add3A_240] : memref<1600000xf32, #tpu.memory_space<hbm>> -> memref<10000xf32, #tpu.memory_space<hbm>>
    %dma_start3A_247 = arith.constant 0 : i32
    %dma_start3A_248 = tpu.memref_slice %arg8[%dma_start3A_241, %dma_start3A_247] : memref<2x10000xf32, #tpu.memory_space<vmem>> -> memref<1x10000xf32, #tpu.memory_space<vmem>>
    %dma_start3A_249 = tpu.memref_squeeze %dma_start3A_248 : memref<1x10000xf32, #tpu.memory_space<vmem>> -> memref<10000xf32, #tpu.memory_space<vmem>>
    tpu.enqueue_dma source(%dma_start3A_249 : memref<10000xf32, #tpu.memory_space<vmem>>) target(%dma_start3A_246 : memref<10000xf32, #tpu.memory_space<hbm>>) target_semaphore(%arg14 : memref<!tpu.dma_semaphore, #tpu.memory_space<semaphore_mem>>)
    %dma_start3A_250 = arith.constant 0 : i32
    %dma_start3A_251 = arith.constant 0 : i32
    %dma_start3A_252 = tpu.memref_slice %arg9[%dma_start3A_250, %dma_start3A_251] : memref<2x10000xf32, #tpu.memory_space<vmem>> -> memref<1x10000xf32, #tpu.memory_space<vmem>>
    %dma_start3A_253 = tpu.memref_squeeze %dma_start3A_252 : memref<1x10000xf32, #tpu.memory_space<vmem>> -> memref<10000xf32, #tpu.memory_space<vmem>>
    %dma_start3A_254 = tpu.memref_slice %arg5[%add3A_240] : memref<1600000xf32, #tpu.memory_space<hbm>> -> memref<10000xf32, #tpu.memory_space<hbm>>
    %dma_start3A_255 = tpu.memref_slice %arg5[%add3A_240] : memref<1600000xf32, #tpu.memory_space<hbm>> -> memref<10000xf32, #tpu.memory_space<hbm>>
    %dma_start3A_256 = arith.constant 0 : i32
    %dma_start3A_257 = tpu.memref_slice %arg9[%dma_start3A_250, %dma_start3A_256] : memref<2x10000xf32, #tpu.memory_space<vmem>> -> memref<1x10000xf32, #tpu.memory_space<vmem>>
    %dma_start3A_258 = tpu.memref_squeeze %dma_start3A_257 : memref<1x10000xf32, #tpu.memory_space<vmem>> -> memref<10000xf32, #tpu.memory_space<vmem>>
    tpu.enqueue_dma source(%dma_start3A_258 : memref<10000xf32, #tpu.memory_space<vmem>>) target(%dma_start3A_255 : memref<10000xf32, #tpu.memory_space<hbm>>) target_semaphore(%arg16 : memref<!tpu.dma_semaphore, #tpu.memory_space<semaphore_mem>>)
    %mul3A_259 = arith.constant 100000 : i32
    %mul3A_260 = arith.muli %add3A, %mul3A_259 : i32
    %add3A_261 = arith.constant 40000 : i32
    %add3A_262 = arith.addi %mul3A_260, %add3A_261 : i32
    %dma_start3A_263 = arith.constant 0 : i32
    %dma_start3A_264 = arith.constant 0 : i32
    %dma_start3A_265 = tpu.memref_slice %arg7[%dma_start3A_263, %dma_start3A_264] : memref<2x20000xf32, #tpu.memory_space<vmem>> -> memref<1x10000xf32, #tpu.memory_space<vmem>>
    %dma_start3A_266 = tpu.memref_squeeze %dma_start3A_265 : memref<1x10000xf32, #tpu.memory_space<vmem>> -> memref<10000xf32, #tpu.memory_space<vmem>>
    %dma_start3A_267 = tpu.memref_slice %arg3[%add3A_262] : memref<3200000xf32, #tpu.memory_space<hbm>> -> memref<10000xf32, #tpu.memory_space<hbm>>
    %dma_start3A_268 = arith.constant 0 : i32
    %dma_start3A_269 = tpu.memref_slice %arg7[%dma_start3A_263, %dma_start3A_268] : memref<2x20000xf32, #tpu.memory_space<vmem>> -> memref<1x10000xf32, #tpu.memory_space<vmem>>
    %dma_start3A_270 = tpu.memref_squeeze %dma_start3A_269 : memref<1x10000xf32, #tpu.memory_space<vmem>> -> memref<10000xf32, #tpu.memory_space<vmem>>
    %dma_start3A_271 = tpu.memref_slice %arg3[%add3A_262] : memref<3200000xf32, #tpu.memory_space<hbm>> -> memref<10000xf32, #tpu.memory_space<hbm>>
    tpu.enqueue_dma source(%dma_start3A_271 : memref<10000xf32, #tpu.memory_space<hbm>>) target(%dma_start3A_270 : memref<10000xf32, #tpu.memory_space<vmem>>) target_semaphore(%arg10 : memref<!tpu.dma_semaphore, #tpu.memory_space<semaphore_mem>>)
    %mul3A_272 = arith.constant 100000 : i32
    %mul3A_273 = arith.muli %add3A, %mul3A_272 : i32
    %add3A_274 = arith.constant 50000 : i32
    %add3A_275 = arith.addi %mul3A_273, %add3A_274 : i32
    %add3A_276 = arith.constant 40000 : i32
    %add3A_277 = arith.addi %add3A_275, %add3A_276 : i32
    %dma_start3A_278 = arith.constant 0 : i32
    %dma_start3A_279 = arith.constant 10000 : i32
    %dma_start3A_280 = tpu.memref_slice %arg7[%dma_start3A_278, %dma_start3A_279] : memref<2x20000xf32, #tpu.memory_space<vmem>> -> memref<1x10000xf32, #tpu.memory_space<vmem>>
    %dma_start3A_281 = tpu.memref_squeeze %dma_start3A_280 : memref<1x10000xf32, #tpu.memory_space<vmem>> -> memref<10000xf32, #tpu.memory_space<vmem>>
    %dma_start3A_282 = tpu.memref_slice %arg3[%add3A_277] : memref<3200000xf32, #tpu.memory_space<hbm>> -> memref<10000xf32, #tpu.memory_space<hbm>>
    %dma_start3A_283 = arith.constant 10000 : i32
    %dma_start3A_284 = tpu.memref_slice %arg7[%dma_start3A_278, %dma_start3A_283] : memref<2x20000xf32, #tpu.memory_space<vmem>> -> memref<1x10000xf32, #tpu.memory_space<vmem>>
    %dma_start3A_285 = tpu.memref_squeeze %dma_start3A_284 : memref<1x10000xf32, #tpu.memory_space<vmem>> -> memref<10000xf32, #tpu.memory_space<vmem>>
    %dma_start3A_286 = tpu.memref_slice %arg3[%add3A_277] : memref<3200000xf32, #tpu.memory_space<hbm>> -> memref<10000xf32, #tpu.memory_space<hbm>>
    tpu.enqueue_dma source(%dma_start3A_286 : memref<10000xf32, #tpu.memory_space<hbm>>) target(%dma_start3A_285 : memref<10000xf32, #tpu.memory_space<vmem>>) target_semaphore(%arg12 : memref<!tpu.dma_semaphore, #tpu.memory_space<semaphore_mem>>)
    %dma_wait3A_287 = arith.constant 1 : i32
    %dma_wait3A_288 = arith.constant 0 : i32
    %dma_wait3A_289 = tpu.memref_slice %arg7[%dma_wait3A_287, %dma_wait3A_288] : memref<2x20000xf32, #tpu.memory_space<vmem>> -> memref<1x10000xf32, #tpu.memory_space<vmem>>
    %dma_wait3A_290 = tpu.memref_squeeze %dma_wait3A_289 : memref<1x10000xf32, #tpu.memory_space<vmem>> -> memref<10000xf32, #tpu.memory_space<vmem>>
    %dma_wait3A_291 = tpu.memref_slice %arg3[%add3A_173] : memref<3200000xf32, #tpu.memory_space<hbm>> -> memref<10000xf32, #tpu.memory_space<hbm>>
    %dma_wait3A_292 = arith.constant 0 : i32
    %dma_wait3A_293 = tpu.memref_slice %arg7[%dma_wait3A_287, %dma_wait3A_292] : memref<2x20000xf32, #tpu.memory_space<vmem>> -> memref<1x10000xf32, #tpu.memory_space<vmem>>
    %dma_wait3A_294 = tpu.memref_squeeze %dma_wait3A_293 : memref<1x10000xf32, #tpu.memory_space<vmem>> -> memref<10000xf32, #tpu.memory_space<vmem>>
    %dma_wait3A_295 = tpu.memref_slice %arg3[%add3A_173] : memref<3200000xf32, #tpu.memory_space<hbm>> -> memref<10000xf32, #tpu.memory_space<hbm>>
    tpu.wait_dma2 semaphore(%arg11 : memref<!tpu.dma_semaphore, #tpu.memory_space<semaphore_mem>>) src(%dma_wait3A_295 : memref<10000xf32, #tpu.memory_space<hbm>>) dst(%dma_wait3A_294 : memref<10000xf32, #tpu.memory_space<vmem>>)
    %dma_wait3A_296 = arith.constant 1 : i32
    %dma_wait3A_297 = arith.constant 10000 : i32
    %dma_wait3A_298 = tpu.memref_slice %arg7[%dma_wait3A_296, %dma_wait3A_297] : memref<2x20000xf32, #tpu.memory_space<vmem>> -> memref<1x10000xf32, #tpu.memory_space<vmem>>
    %dma_wait3A_299 = tpu.memref_squeeze %dma_wait3A_298 : memref<1x10000xf32, #tpu.memory_space<vmem>> -> memref<10000xf32, #tpu.memory_space<vmem>>
    %dma_wait3A_300 = tpu.memref_slice %arg3[%add3A_188] : memref<3200000xf32, #tpu.memory_space<hbm>> -> memref<10000xf32, #tpu.memory_space<hbm>>
    %dma_wait3A_301 = arith.constant 10000 : i32
    %dma_wait3A_302 = tpu.memref_slice %arg7[%dma_wait3A_296, %dma_wait3A_301] : memref<2x20000xf32, #tpu.memory_space<vmem>> -> memref<1x10000xf32, #tpu.memory_space<vmem>>
    %dma_wait3A_303 = tpu.memref_squeeze %dma_wait3A_302 : memref<1x10000xf32, #tpu.memory_space<vmem>> -> memref<10000xf32, #tpu.memory_space<vmem>>
    %dma_wait3A_304 = tpu.memref_slice %arg3[%add3A_188] : memref<3200000xf32, #tpu.memory_space<hbm>> -> memref<10000xf32, #tpu.memory_space<hbm>>
    tpu.wait_dma2 semaphore(%arg13 : memref<!tpu.dma_semaphore, #tpu.memory_space<semaphore_mem>>) src(%dma_wait3A_304 : memref<10000xf32, #tpu.memory_space<hbm>>) dst(%dma_wait3A_303 : memref<10000xf32, #tpu.memory_space<vmem>>)
    %dma_wait3A_305 = arith.constant 1 : i32
    %dma_wait3A_306 = arith.constant 0 : i32
    %dma_wait3A_307 = tpu.memref_slice %arg8[%dma_wait3A_305, %dma_wait3A_306] : memref<2x10000xf32, #tpu.memory_space<vmem>> -> memref<1x10000xf32, #tpu.memory_space<vmem>>
    %dma_wait3A_308 = tpu.memref_squeeze %dma_wait3A_307 : memref<1x10000xf32, #tpu.memory_space<vmem>> -> memref<10000xf32, #tpu.memory_space<vmem>>
    %dma_wait3A_309 = tpu.memref_slice %arg4[%add3A_151] : memref<1600000xf32, #tpu.memory_space<hbm>> -> memref<10000xf32, #tpu.memory_space<hbm>>
    %dma_wait3A_310 = tpu.memref_slice %arg4[%add3A_151] : memref<1600000xf32, #tpu.memory_space<hbm>> -> memref<10000xf32, #tpu.memory_space<hbm>>
    %dma_wait3A_311 = arith.constant 0 : i32
    %dma_wait3A_312 = tpu.memref_slice %arg8[%dma_wait3A_305, %dma_wait3A_311] : memref<2x10000xf32, #tpu.memory_space<vmem>> -> memref<1x10000xf32, #tpu.memory_space<vmem>>
    %dma_wait3A_313 = tpu.memref_squeeze %dma_wait3A_312 : memref<1x10000xf32, #tpu.memory_space<vmem>> -> memref<10000xf32, #tpu.memory_space<vmem>>
    tpu.wait_dma2 semaphore(%arg15 : memref<!tpu.dma_semaphore, #tpu.memory_space<semaphore_mem>>) src(%dma_wait3A_313 : memref<10000xf32, #tpu.memory_space<vmem>>) dst(%dma_wait3A_310 : memref<10000xf32, #tpu.memory_space<hbm>>)
    %dma_wait3A_314 = arith.constant 1 : i32
    %dma_wait3A_315 = arith.constant 0 : i32
    %dma_wait3A_316 = tpu.memref_slice %arg9[%dma_wait3A_314, %dma_wait3A_315] : memref<2x10000xf32, #tpu.memory_space<vmem>> -> memref<1x10000xf32, #tpu.memory_space<vmem>>
    %dma_wait3A_317 = tpu.memref_squeeze %dma_wait3A_316 : memref<1x10000xf32, #tpu.memory_space<vmem>> -> memref<10000xf32, #tpu.memory_space<vmem>>
    %dma_wait3A_318 = tpu.memref_slice %arg5[%add3A_151] : memref<1600000xf32, #tpu.memory_space<hbm>> -> memref<10000xf32, #tpu.memory_space<hbm>>
    %dma_wait3A_319 = tpu.memref_slice %arg5[%add3A_151] : memref<1600000xf32, #tpu.memory_space<hbm>> -> memref<10000xf32, #tpu.memory_space<hbm>>
    %dma_wait3A_320 = arith.constant 0 : i32
    %dma_wait3A_321 = tpu.memref_slice %arg9[%dma_wait3A_314, %dma_wait3A_320] : memref<2x10000xf32, #tpu.memory_space<vmem>> -> memref<1x10000xf32, #tpu.memory_space<vmem>>
    %dma_wait3A_322 = tpu.memref_squeeze %dma_wait3A_321 : memref<1x10000xf32, #tpu.memory_space<vmem>> -> memref<10000xf32, #tpu.memory_space<vmem>>
    tpu.wait_dma2 semaphore(%arg17 : memref<!tpu.dma_semaphore, #tpu.memory_space<semaphore_mem>>) src(%dma_wait3A_322 : memref<10000xf32, #tpu.memory_space<vmem>>) dst(%dma_wait3A_319 : memref<10000xf32, #tpu.memory_space<hbm>>)
    %parallel_loop3A_323 = arith.constant 0 : i32
    %parallel_loop3A_324 = arith.constant 625 : i32
    %parallel_loop3A_325 = arith.constant 1 : i32
    scf.for %parallel_loop3A_445 = %parallel_loop3A_323 to %parallel_loop3A_324 step %parallel_loop3A_325  : i32 {
      %parallel_loop3A_446 = arith.constant 16 : i32
      %parallel_loop3A_447 = arith.muli %parallel_loop3A_445, %parallel_loop3A_446 : i32
      %parallel_loop3A_448 = arith.constant 1 : i32
      %parallel_loop3A_449 = arith.index_cast %parallel_loop3A_448 : i32 to index
      %parallel_loop3A_450 = arith.index_cast %parallel_loop3A_447 : i32 to index
      %parallel_loop3A_451 = tpu.vector_load %arg7[%parallel_loop3A_449, %parallel_loop3A_450] {strides = array<i32>} : memref<2x20000xf32, #tpu.memory_space<vmem>>, vector<16xf32>,
      %parallel_loop3A_452 = arith.constant 16 : i32
      %parallel_loop3A_453 = arith.muli %parallel_loop3A_445, %parallel_loop3A_452 : i32
      %parallel_loop3A_454 = arith.constant 10000 : i32
      %parallel_loop3A_455 = arith.addi %parallel_loop3A_454, %parallel_loop3A_453 : i32
      %parallel_loop3A_456 = arith.constant 1 : i32
      %parallel_loop3A_457 = arith.index_cast %parallel_loop3A_456 : i32 to index
      %parallel_loop3A_458 = arith.index_cast %parallel_loop3A_455 : i32 to index
      %parallel_loop3A_459 = tpu.vector_load %arg7[%parallel_loop3A_457, %parallel_loop3A_458] {strides = array<i32>} : memref<2x20000xf32, #tpu.memory_space<vmem>>, vector<16xf32>,
      %parallel_loop3A_460 = arith.constant 40.7436638 : f32
      %parallel_loop3A_461 = vector.broadcast %parallel_loop3A_460 : f32 to vector<16xf32>
      %parallel_loop3A_462 = arith.mulf %parallel_loop3A_451, %parallel_loop3A_461 : vector<16xf32>
      %parallel_loop3A_463 = arith.constant 40.7436638 : f32
      %parallel_loop3A_464 = vector.broadcast %parallel_loop3A_463 : f32 to vector<16xf32>
      %parallel_loop3A_465 = arith.mulf %parallel_loop3A_459, %parallel_loop3A_464 : vector<16xf32>
      %parallel_loop3A_466 = arith.fptosi %parallel_loop3A_462 : vector<16xf32> to vector<16xi32>
      %parallel_loop3A_467 = arith.fptosi %parallel_loop3A_465 : vector<16xf32> to vector<16xi32>
      %parallel_loop3A_468 = arith.sitofp %parallel_loop3A_466 : vector<16xi32> to vector<16xf32>
      %parallel_loop3A_469 = arith.subf %parallel_loop3A_462, %parallel_loop3A_468 : vector<16xf32>
      %parallel_loop3A_470 = arith.sitofp %parallel_loop3A_467 : vector<16xi32> to vector<16xf32>
      %parallel_loop3A_471 = arith.subf %parallel_loop3A_465, %parallel_loop3A_470 : vector<16xf32>
      %parallel_loop3A_472 = arith.constant 256 : i32
      %parallel_loop3A_473 = vector.broadcast %parallel_loop3A_472 : i32 to vector<16xi32>
      %parallel_loop3A_474 = arith.muli %parallel_loop3A_466, %parallel_loop3A_473 : vector<16xi32>
      %parallel_loop3A_475 = arith.addi %parallel_loop3A_474, %parallel_loop3A_467 : vector<16xi32>
      %parallel_loop3A_476 = arith.constant 256 : i32
      %parallel_loop3A_477 = vector.broadcast %parallel_loop3A_476 : i32 to vector<16xi32>
      %parallel_loop3A_478 = arith.addi %parallel_loop3A_475, %parallel_loop3A_477 : vector<16xi32>
      %parallel_loop3A_479 = tpu.vector_load_idx %arg6[%parallel_loop3A_475] : memref<11264xf32, #tpu.memory_space<vmem>>[vector<16xi32>], vector<16xf32>,
      %parallel_loop3A_480 = arith.constant 128 : i32
      %parallel_loop3A_481 = vector.broadcast %parallel_loop3A_480 : i32 to vector<16xi32>
      %parallel_loop3A_482 = arith.addi %parallel_loop3A_475, %parallel_loop3A_481 : vector<16xi32>
      %parallel_loop3A_483 = tpu.vector_load_idx %arg6[%parallel_loop3A_482] : memref<11264xf32, #tpu.memory_space<vmem>>[vector<16xi32>], vector<16xf32>,
      %parallel_loop3A_484 = arith.constant 1 : i32
      %parallel_loop3A_485 = vector.broadcast %parallel_loop3A_484 : i32 to vector<16xi32>
      %parallel_loop3A_486 = arith.addi %parallel_loop3A_475, %parallel_loop3A_485 : vector<16xi32>
      %parallel_loop3A_487 = tpu.vector_load_idx %arg6[%parallel_loop3A_486] : memref<11264xf32, #tpu.memory_space<vmem>>[vector<16xi32>], vector<16xf32>,
      %parallel_loop3A_488 = arith.constant 128 : i32
      %parallel_loop3A_489 = vector.broadcast %parallel_loop3A_488 : i32 to vector<16xi32>
      %parallel_loop3A_490 = arith.addi %parallel_loop3A_475, %parallel_loop3A_489 : vector<16xi32>
      %parallel_loop3A_491 = arith.constant 1 : i32
      %parallel_loop3A_492 = vector.broadcast %parallel_loop3A_491 : i32 to vector<16xi32>
      %parallel_loop3A_493 = arith.addi %parallel_loop3A_490, %parallel_loop3A_492 : vector<16xi32>
      %parallel_loop3A_494 = tpu.vector_load_idx %arg6[%parallel_loop3A_493] : memref<11264xf32, #tpu.memory_space<vmem>>[vector<16xi32>], vector<16xf32>,
      %parallel_loop3A_495 = tpu.vector_load_idx %arg6[%parallel_loop3A_478] : memref<11264xf32, #tpu.memory_space<vmem>>[vector<16xi32>], vector<16xf32>,
      %parallel_loop3A_496 = arith.constant 128 : i32
      %parallel_loop3A_497 = vector.broadcast %parallel_loop3A_496 : i32 to vector<16xi32>
      %parallel_loop3A_498 = arith.addi %parallel_loop3A_478, %parallel_loop3A_497 : vector<16xi32>
      %parallel_loop3A_499 = tpu.vector_load_idx %arg6[%parallel_loop3A_498] : memref<11264xf32, #tpu.memory_space<vmem>>[vector<16xi32>], vector<16xf32>,
      %parallel_loop3A_500 = arith.constant 1 : i32
      %parallel_loop3A_501 = vector.broadcast %parallel_loop3A_500 : i32 to vector<16xi32>
      %parallel_loop3A_502 = arith.addi %parallel_loop3A_478, %parallel_loop3A_501 : vector<16xi32>
      %parallel_loop3A_503 = tpu.vector_load_idx %arg6[%parallel_loop3A_502] : memref<11264xf32, #tpu.memory_space<vmem>>[vector<16xi32>], vector<16xf32>,
      %parallel_loop3A_504 = arith.constant 128 : i32
      %parallel_loop3A_505 = vector.broadcast %parallel_loop3A_504 : i32 to vector<16xi32>
      %parallel_loop3A_506 = arith.addi %parallel_loop3A_478, %parallel_loop3A_505 : vector<16xi32>
      %parallel_loop3A_507 = arith.constant 1 : i32
      %parallel_loop3A_508 = vector.broadcast %parallel_loop3A_507 : i32 to vector<16xi32>
      %parallel_loop3A_509 = arith.addi %parallel_loop3A_506, %parallel_loop3A_508 : vector<16xi32>
      %parallel_loop3A_510 = tpu.vector_load_idx %arg6[%parallel_loop3A_509] : memref<11264xf32, #tpu.memory_space<vmem>>[vector<16xi32>], vector<16xf32>,
      %parallel_loop3A_511 = arith.constant 1.000000e+00 : f32
      %parallel_loop3A_512 = vector.broadcast %parallel_loop3A_511 : f32 to vector<16xf32>
      %parallel_loop3A_513 = arith.subf %parallel_loop3A_512, %parallel_loop3A_469 : vector<16xf32>
      %parallel_loop3A_514 = arith.constant 1.000000e+00 : f32
      %parallel_loop3A_515 = vector.broadcast %parallel_loop3A_514 : f32 to vector<16xf32>
      %parallel_loop3A_516 = arith.subf %parallel_loop3A_515, %parallel_loop3A_471 : vector<16xf32>
      %parallel_loop3A_517 = arith.mulf %parallel_loop3A_513, %parallel_loop3A_516 : vector<16xf32>
      %parallel_loop3A_518 = arith.mulf %parallel_loop3A_469, %parallel_loop3A_516 : vector<16xf32>
      %parallel_loop3A_519 = arith.mulf %parallel_loop3A_469, %parallel_loop3A_471 : vector<16xf32>
      %parallel_loop3A_520 = arith.mulf %parallel_loop3A_513, %parallel_loop3A_471 : vector<16xf32>
      %parallel_loop3A_521 = arith.mulf %parallel_loop3A_517, %parallel_loop3A_479 : vector<16xf32>
      %parallel_loop3A_522 = arith.mulf %parallel_loop3A_518, %parallel_loop3A_495 : vector<16xf32>
      %parallel_loop3A_523 = arith.addf %parallel_loop3A_521, %parallel_loop3A_522 : vector<16xf32>
      %parallel_loop3A_524 = arith.mulf %parallel_loop3A_519, %parallel_loop3A_503 : vector<16xf32>
      %parallel_loop3A_525 = arith.addf %parallel_loop3A_523, %parallel_loop3A_524 : vector<16xf32>
      %parallel_loop3A_526 = arith.mulf %parallel_loop3A_520, %parallel_loop3A_487 : vector<16xf32>
      %parallel_loop3A_527 = arith.addf %parallel_loop3A_525, %parallel_loop3A_526 : vector<16xf32>
      %parallel_loop3A_528 = arith.mulf %parallel_loop3A_517, %parallel_loop3A_483 : vector<16xf32>
      %parallel_loop3A_529 = arith.mulf %parallel_loop3A_518, %parallel_loop3A_499 : vector<16xf32>
      %parallel_loop3A_530 = arith.addf %parallel_loop3A_528, %parallel_loop3A_529 : vector<16xf32>
      %parallel_loop3A_531 = arith.mulf %parallel_loop3A_519, %parallel_loop3A_510 : vector<16xf32>
      %parallel_loop3A_532 = arith.addf %parallel_loop3A_530, %parallel_loop3A_531 : vector<16xf32>
      %parallel_loop3A_533 = arith.mulf %parallel_loop3A_520, %parallel_loop3A_494 : vector<16xf32>
      %parallel_loop3A_534 = arith.addf %parallel_loop3A_532, %parallel_loop3A_533 : vector<16xf32>
      %parallel_loop3A_535 = arith.constant 0.00999999977 : f32
      %parallel_loop3A_536 = vector.broadcast %parallel_loop3A_535 : f32 to vector<16xf32>
      %parallel_loop3A_537 = arith.mulf %parallel_loop3A_527, %parallel_loop3A_536 : vector<16xf32>
      %parallel_loop3A_538 = arith.addf %parallel_loop3A_451, %parallel_loop3A_537 : vector<16xf32>
      %parallel_loop3A_539 = arith.constant 16 : i32
      %parallel_loop3A_540 = arith.muli %parallel_loop3A_445, %parallel_loop3A_539 : i32
      %parallel_loop3A_541 = arith.constant 1 : i32
      %parallel_loop3A_542 = arith.index_cast %parallel_loop3A_541 : i32 to index
      %parallel_loop3A_543 = arith.index_cast %parallel_loop3A_540 : i32 to index
      %parallel_loop3A_544 = tpu.vector_load %arg8[%parallel_loop3A_542, %parallel_loop3A_543] {strides = array<i32>} : memref<2x10000xf32, #tpu.memory_space<vmem>>, vector<16xf32>,
      tpu.vector_store %arg8[%parallel_loop3A_542, %parallel_loop3A_543], %parallel_loop3A_538 {strides = array<i32>} : memref<2x10000xf32, #tpu.memory_space<vmem>>, vector<16xf32>,
      %parallel_loop3A_545 = arith.constant 0.00999999977 : f32
      %parallel_loop3A_546 = vector.broadcast %parallel_loop3A_545 : f32 to vector<16xf32>
      %parallel_loop3A_547 = arith.mulf %parallel_loop3A_534, %parallel_loop3A_546 : vector<16xf32>
      %parallel_loop3A_548 = arith.addf %parallel_loop3A_459, %parallel_loop3A_547 : vector<16xf32>
      %parallel_loop3A_549 = arith.constant 16 : i32
      %parallel_loop3A_550 = arith.muli %parallel_loop3A_445, %parallel_loop3A_549 : i32
      %parallel_loop3A_551 = arith.constant 1 : i32
      %parallel_loop3A_552 = arith.index_cast %parallel_loop3A_551 : i32 to index
      %parallel_loop3A_553 = arith.index_cast %parallel_loop3A_550 : i32 to index
      %parallel_loop3A_554 = tpu.vector_load %arg9[%parallel_loop3A_552, %parallel_loop3A_553] {strides = array<i32>} : memref<2x10000xf32, #tpu.memory_space<vmem>>, vector<16xf32>,
      tpu.vector_store %arg9[%parallel_loop3A_552, %parallel_loop3A_553], %parallel_loop3A_548 {strides = array<i32>} : memref<2x10000xf32, #tpu.memory_space<vmem>>, vector<16xf32>,
    } {sc.loop_unroll_factor = 5 : i64, sc.parallel_access}
    %mul3A_326 = arith.constant 50000 : i32
    %mul3A_327 = arith.muli %add3A, %mul3A_326 : i32
    %add3A_328 = arith.constant 30000 : i32
    %add3A_329 = arith.addi %mul3A_327, %add3A_328 : i32
    %dma_start3A_330 = arith.constant 1 : i32
    %dma_start3A_331 = arith.constant 0 : i32
    %dma_start3A_332 = tpu.memref_slice %arg8[%dma_start3A_330, %dma_start3A_331] : memref<2x10000xf32, #tpu.memory_space<vmem>> -> memref<1x10000xf32, #tpu.memory_space<vmem>>
    %dma_start3A_333 = tpu.memref_squeeze %dma_start3A_332 : memref<1x10000xf32, #tpu.memory_space<vmem>> -> memref<10000xf32, #tpu.memory_space<vmem>>
    %dma_start3A_334 = tpu.memref_slice %arg4[%add3A_329] : memref<1600000xf32, #tpu.memory_space<hbm>> -> memref<10000xf32, #tpu.memory_space<hbm>>
    %dma_start3A_335 = tpu.memref_slice %arg4[%add3A_329] : memref<1600000xf32, #tpu.memory_space<hbm>> -> memref<10000xf32, #tpu.memory_space<hbm>>
    %dma_start3A_336 = arith.constant 0 : i32
    %dma_start3A_337 = tpu.memref_slice %arg8[%dma_start3A_330, %dma_start3A_336] : memref<2x10000xf32, #tpu.memory_space<vmem>> -> memref<1x10000xf32, #tpu.memory_space<vmem>>
    %dma_start3A_338 = tpu.memref_squeeze %dma_start3A_337 : memref<1x10000xf32, #tpu.memory_space<vmem>> -> memref<10000xf32, #tpu.memory_space<vmem>>
    tpu.enqueue_dma source(%dma_start3A_338 : memref<10000xf32, #tpu.memory_space<vmem>>) target(%dma_start3A_335 : memref<10000xf32, #tpu.memory_space<hbm>>) target_semaphore(%arg15 : memref<!tpu.dma_semaphore, #tpu.memory_space<semaphore_mem>>)
    %dma_start3A_339 = arith.constant 1 : i32
    %dma_start3A_340 = arith.constant 0 : i32
    %dma_start3A_341 = tpu.memref_slice %arg9[%dma_start3A_339, %dma_start3A_340] : memref<2x10000xf32, #tpu.memory_space<vmem>> -> memref<1x10000xf32, #tpu.memory_space<vmem>>
    %dma_start3A_342 = tpu.memref_squeeze %dma_start3A_341 : memref<1x10000xf32, #tpu.memory_space<vmem>> -> memref<10000xf32, #tpu.memory_space<vmem>>
    %dma_start3A_343 = tpu.memref_slice %arg5[%add3A_329] : memref<1600000xf32, #tpu.memory_space<hbm>> -> memref<10000xf32, #tpu.memory_space<hbm>>
    %dma_start3A_344 = tpu.memref_slice %arg5[%add3A_329] : memref<1600000xf32, #tpu.memory_space<hbm>> -> memref<10000xf32, #tpu.memory_space<hbm>>
    %dma_start3A_345 = arith.constant 0 : i32
    %dma_start3A_346 = tpu.memref_slice %arg9[%dma_start3A_339, %dma_start3A_345] : memref<2x10000xf32, #tpu.memory_space<vmem>> -> memref<1x10000xf32, #tpu.memory_space<vmem>>
    %dma_start3A_347 = tpu.memref_squeeze %dma_start3A_346 : memref<1x10000xf32, #tpu.memory_space<vmem>> -> memref<10000xf32, #tpu.memory_space<vmem>>
    tpu.enqueue_dma source(%dma_start3A_347 : memref<10000xf32, #tpu.memory_space<vmem>>) target(%dma_start3A_344 : memref<10000xf32, #tpu.memory_space<hbm>>) target_semaphore(%arg17 : memref<!tpu.dma_semaphore, #tpu.memory_space<semaphore_mem>>)
    %dma_wait3A_348 = arith.constant 0 : i32
    %dma_wait3A_349 = arith.constant 0 : i32
    %dma_wait3A_350 = tpu.memref_slice %arg7[%dma_wait3A_348, %dma_wait3A_349] : memref<2x20000xf32, #tpu.memory_space<vmem>> -> memref<1x10000xf32, #tpu.memory_space<vmem>>
    %dma_wait3A_351 = tpu.memref_squeeze %dma_wait3A_350 : memref<1x10000xf32, #tpu.memory_space<vmem>> -> memref<10000xf32, #tpu.memory_space<vmem>>
    %dma_wait3A_352 = tpu.memref_slice %arg3[%add3A_262] : memref<3200000xf32, #tpu.memory_space<hbm>> -> memref<10000xf32, #tpu.memory_space<hbm>>
    %dma_wait3A_353 = arith.constant 0 : i32
    %dma_wait3A_354 = tpu.memref_slice %arg7[%dma_wait3A_348, %dma_wait3A_353] : memref<2x20000xf32, #tpu.memory_space<vmem>> -> memref<1x10000xf32, #tpu.memory_space<vmem>>
    %dma_wait3A_355 = tpu.memref_squeeze %dma_wait3A_354 : memref<1x10000xf32, #tpu.memory_space<vmem>> -> memref<10000xf32, #tpu.memory_space<vmem>>
    %dma_wait3A_356 = tpu.memref_slice %arg3[%add3A_262] : memref<3200000xf32, #tpu.memory_space<hbm>> -> memref<10000xf32, #tpu.memory_space<hbm>>
    tpu.wait_dma2 semaphore(%arg10 : memref<!tpu.dma_semaphore, #tpu.memory_space<semaphore_mem>>) src(%dma_wait3A_356 : memref<10000xf32, #tpu.memory_space<hbm>>) dst(%dma_wait3A_355 : memref<10000xf32, #tpu.memory_space<vmem>>)
    %dma_wait3A_357 = arith.constant 0 : i32
    %dma_wait3A_358 = arith.constant 10000 : i32
    %dma_wait3A_359 = tpu.memref_slice %arg7[%dma_wait3A_357, %dma_wait3A_358] : memref<2x20000xf32, #tpu.memory_space<vmem>> -> memref<1x10000xf32, #tpu.memory_space<vmem>>
    %dma_wait3A_360 = tpu.memref_squeeze %dma_wait3A_359 : memref<1x10000xf32, #tpu.memory_space<vmem>> -> memref<10000xf32, #tpu.memory_space<vmem>>
    %dma_wait3A_361 = tpu.memref_slice %arg3[%add3A_277] : memref<3200000xf32, #tpu.memory_space<hbm>> -> memref<10000xf32, #tpu.memory_space<hbm>>
    %dma_wait3A_362 = arith.constant 10000 : i32
    %dma_wait3A_363 = tpu.memref_slice %arg7[%dma_wait3A_357, %dma_wait3A_362] : memref<2x20000xf32, #tpu.memory_space<vmem>> -> memref<1x10000xf32, #tpu.memory_space<vmem>>
    %dma_wait3A_364 = tpu.memref_squeeze %dma_wait3A_363 : memref<1x10000xf32, #tpu.memory_space<vmem>> -> memref<10000xf32, #tpu.memory_space<vmem>>
    %dma_wait3A_365 = tpu.memref_slice %arg3[%add3A_277] : memref<3200000xf32, #tpu.memory_space<hbm>> -> memref<10000xf32, #tpu.memory_space<hbm>>
    tpu.wait_dma2 semaphore(%arg12 : memref<!tpu.dma_semaphore, #tpu.memory_space<semaphore_mem>>) src(%dma_wait3A_365 : memref<10000xf32, #tpu.memory_space<hbm>>) dst(%dma_wait3A_364 : memref<10000xf32, #tpu.memory_space<vmem>>)
    %dma_wait3A_366 = arith.constant 0 : i32
    %dma_wait3A_367 = arith.constant 0 : i32
    %dma_wait3A_368 = tpu.memref_slice %arg8[%dma_wait3A_366, %dma_wait3A_367] : memref<2x10000xf32, #tpu.memory_space<vmem>> -> memref<1x10000xf32, #tpu.memory_space<vmem>>
    %dma_wait3A_369 = tpu.memref_squeeze %dma_wait3A_368 : memref<1x10000xf32, #tpu.memory_space<vmem>> -> memref<10000xf32, #tpu.memory_space<vmem>>
    %dma_wait3A_370 = tpu.memref_slice %arg4[%add3A_240] : memref<1600000xf32, #tpu.memory_space<hbm>> -> memref<10000xf32, #tpu.memory_space<hbm>>
    %dma_wait3A_371 = tpu.memref_slice %arg4[%add3A_240] : memref<1600000xf32, #tpu.memory_space<hbm>> -> memref<10000xf32, #tpu.memory_space<hbm>>
    %dma_wait3A_372 = arith.constant 0 : i32
    %dma_wait3A_373 = tpu.memref_slice %arg8[%dma_wait3A_366, %dma_wait3A_372] : memref<2x10000xf32, #tpu.memory_space<vmem>> -> memref<1x10000xf32, #tpu.memory_space<vmem>>
    %dma_wait3A_374 = tpu.memref_squeeze %dma_wait3A_373 : memref<1x10000xf32, #tpu.memory_space<vmem>> -> memref<10000xf32, #tpu.memory_space<vmem>>
    tpu.wait_dma2 semaphore(%arg14 : memref<!tpu.dma_semaphore, #tpu.memory_space<semaphore_mem>>) src(%dma_wait3A_374 : memref<10000xf32, #tpu.memory_space<vmem>>) dst(%dma_wait3A_371 : memref<10000xf32, #tpu.memory_space<hbm>>)
    %dma_wait3A_375 = arith.constant 0 : i32
    %dma_wait3A_376 = arith.constant 0 : i32
    %dma_wait3A_377 = tpu.memref_slice %arg9[%dma_wait3A_375, %dma_wait3A_376] : memref<2x10000xf32, #tpu.memory_space<vmem>> -> memref<1x10000xf32, #tpu.memory_space<vmem>>
    %dma_wait3A_378 = tpu.memref_squeeze %dma_wait3A_377 : memref<1x10000xf32, #tpu.memory_space<vmem>> -> memref<10000xf32, #tpu.memory_space<vmem>>
    %dma_wait3A_379 = tpu.memref_slice %arg5[%add3A_240] : memref<1600000xf32, #tpu.memory_space<hbm>> -> memref<10000xf32, #tpu.memory_space<hbm>>
    %dma_wait3A_380 = tpu.memref_slice %arg5[%add3A_240] : memref<1600000xf32, #tpu.memory_space<hbm>> -> memref<10000xf32, #tpu.memory_space<hbm>>
    %dma_wait3A_381 = arith.constant 0 : i32
    %dma_wait3A_382 = tpu.memref_slice %arg9[%dma_wait3A_375, %dma_wait3A_381] : memref<2x10000xf32, #tpu.memory_space<vmem>> -> memref<1x10000xf32, #tpu.memory_space<vmem>>
    %dma_wait3A_383 = tpu.memref_squeeze %dma_wait3A_382 : memref<1x10000xf32, #tpu.memory_space<vmem>> -> memref<10000xf32, #tpu.memory_space<vmem>>
    tpu.wait_dma2 semaphore(%arg16 : memref<!tpu.dma_semaphore, #tpu.memory_space<semaphore_mem>>) src(%dma_wait3A_383 : memref<10000xf32, #tpu.memory_space<vmem>>) dst(%dma_wait3A_380 : memref<10000xf32, #tpu.memory_space<hbm>>)
    %parallel_loop3A_384 = arith.constant 0 : i32
    %parallel_loop3A_385 = arith.constant 625 : i32
    %parallel_loop3A_386 = arith.constant 1 : i32
    scf.for %parallel_loop3A_445 = %parallel_loop3A_384 to %parallel_loop3A_385 step %parallel_loop3A_386  : i32 {
      %parallel_loop3A_446 = arith.constant 16 : i32
      %parallel_loop3A_447 = arith.muli %parallel_loop3A_445, %parallel_loop3A_446 : i32
      %parallel_loop3A_448 = arith.constant 0 : i32
      %parallel_loop3A_449 = arith.index_cast %parallel_loop3A_448 : i32 to index
      %parallel_loop3A_450 = arith.index_cast %parallel_loop3A_447 : i32 to index
      %parallel_loop3A_451 = tpu.vector_load %arg7[%parallel_loop3A_449, %parallel_loop3A_450] {strides = array<i32>} : memref<2x20000xf32, #tpu.memory_space<vmem>>, vector<16xf32>,
      %parallel_loop3A_452 = arith.constant 16 : i32
      %parallel_loop3A_453 = arith.muli %parallel_loop3A_445, %parallel_loop3A_452 : i32
      %parallel_loop3A_454 = arith.constant 10000 : i32
      %parallel_loop3A_455 = arith.addi %parallel_loop3A_454, %parallel_loop3A_453 : i32
      %parallel_loop3A_456 = arith.constant 0 : i32
      %parallel_loop3A_457 = arith.index_cast %parallel_loop3A_456 : i32 to index
      %parallel_loop3A_458 = arith.index_cast %parallel_loop3A_455 : i32 to index
      %parallel_loop3A_459 = tpu.vector_load %arg7[%parallel_loop3A_457, %parallel_loop3A_458] {strides = array<i32>} : memref<2x20000xf32, #tpu.memory_space<vmem>>, vector<16xf32>,
      %parallel_loop3A_460 = arith.constant 40.7436638 : f32
      %parallel_loop3A_461 = vector.broadcast %parallel_loop3A_460 : f32 to vector<16xf32>
      %parallel_loop3A_462 = arith.mulf %parallel_loop3A_451, %parallel_loop3A_461 : vector<16xf32>
      %parallel_loop3A_463 = arith.constant 40.7436638 : f32
      %parallel_loop3A_464 = vector.broadcast %parallel_loop3A_463 : f32 to vector<16xf32>
      %parallel_loop3A_465 = arith.mulf %parallel_loop3A_459, %parallel_loop3A_464 : vector<16xf32>
      %parallel_loop3A_466 = arith.fptosi %parallel_loop3A_462 : vector<16xf32> to vector<16xi32>
      %parallel_loop3A_467 = arith.fptosi %parallel_loop3A_465 : vector<16xf32> to vector<16xi32>
      %parallel_loop3A_468 = arith.sitofp %parallel_loop3A_466 : vector<16xi32> to vector<16xf32>
      %parallel_loop3A_469 = arith.subf %parallel_loop3A_462, %parallel_loop3A_468 : vector<16xf32>
      %parallel_loop3A_470 = arith.sitofp %parallel_loop3A_467 : vector<16xi32> to vector<16xf32>
      %parallel_loop3A_471 = arith.subf %parallel_loop3A_465, %parallel_loop3A_470 : vector<16xf32>
      %parallel_loop3A_472 = arith.constant 256 : i32
      %parallel_loop3A_473 = vector.broadcast %parallel_loop3A_472 : i32 to vector<16xi32>
      %parallel_loop3A_474 = arith.muli %parallel_loop3A_466, %parallel_loop3A_473 : vector<16xi32>
      %parallel_loop3A_475 = arith.addi %parallel_loop3A_474, %parallel_loop3A_467 : vector<16xi32>
      %parallel_loop3A_476 = arith.constant 256 : i32
      %parallel_loop3A_477 = vector.broadcast %parallel_loop3A_476 : i32 to vector<16xi32>
      %parallel_loop3A_478 = arith.addi %parallel_loop3A_475, %parallel_loop3A_477 : vector<16xi32>
      %parallel_loop3A_479 = tpu.vector_load_idx %arg6[%parallel_loop3A_475] : memref<11264xf32, #tpu.memory_space<vmem>>[vector<16xi32>], vector<16xf32>,
      %parallel_loop3A_480 = arith.constant 128 : i32
      %parallel_loop3A_481 = vector.broadcast %parallel_loop3A_480 : i32 to vector<16xi32>
      %parallel_loop3A_482 = arith.addi %parallel_loop3A_475, %parallel_loop3A_481 : vector<16xi32>
      %parallel_loop3A_483 = tpu.vector_load_idx %arg6[%parallel_loop3A_482] : memref<11264xf32, #tpu.memory_space<vmem>>[vector<16xi32>], vector<16xf32>,
      %parallel_loop3A_484 = arith.constant 1 : i32
      %parallel_loop3A_485 = vector.broadcast %parallel_loop3A_484 : i32 to vector<16xi32>
      %parallel_loop3A_486 = arith.addi %parallel_loop3A_475, %parallel_loop3A_485 : vector<16xi32>
      %parallel_loop3A_487 = tpu.vector_load_idx %arg6[%parallel_loop3A_486] : memref<11264xf32, #tpu.memory_space<vmem>>[vector<16xi32>], vector<16xf32>,
      %parallel_loop3A_488 = arith.constant 128 : i32
      %parallel_loop3A_489 = vector.broadcast %parallel_loop3A_488 : i32 to vector<16xi32>
      %parallel_loop3A_490 = arith.addi %parallel_loop3A_475, %parallel_loop3A_489 : vector<16xi32>
      %parallel_loop3A_491 = arith.constant 1 : i32
      %parallel_loop3A_492 = vector.broadcast %parallel_loop3A_491 : i32 to vector<16xi32>
      %parallel_loop3A_493 = arith.addi %parallel_loop3A_490, %parallel_loop3A_492 : vector<16xi32>
      %parallel_loop3A_494 = tpu.vector_load_idx %arg6[%parallel_loop3A_493] : memref<11264xf32, #tpu.memory_space<vmem>>[vector<16xi32>], vector<16xf32>,
      %parallel_loop3A_495 = tpu.vector_load_idx %arg6[%parallel_loop3A_478] : memref<11264xf32, #tpu.memory_space<vmem>>[vector<16xi32>], vector<16xf32>,
      %parallel_loop3A_496 = arith.constant 128 : i32
      %parallel_loop3A_497 = vector.broadcast %parallel_loop3A_496 : i32 to vector<16xi32>
      %parallel_loop3A_498 = arith.addi %parallel_loop3A_478, %parallel_loop3A_497 : vector<16xi32>
      %parallel_loop3A_499 = tpu.vector_load_idx %arg6[%parallel_loop3A_498] : memref<11264xf32, #tpu.memory_space<vmem>>[vector<16xi32>], vector<16xf32>,
      %parallel_loop3A_500 = arith.constant 1 : i32
      %parallel_loop3A_501 = vector.broadcast %parallel_loop3A_500 : i32 to vector<16xi32>
      %parallel_loop3A_502 = arith.addi %parallel_loop3A_478, %parallel_loop3A_501 : vector<16xi32>
      %parallel_loop3A_503 = tpu.vector_load_idx %arg6[%parallel_loop3A_502] : memref<11264xf32, #tpu.memory_space<vmem>>[vector<16xi32>], vector<16xf32>,
      %parallel_loop3A_504 = arith.constant 128 : i32
      %parallel_loop3A_505 = vector.broadcast %parallel_loop3A_504 : i32 to vector<16xi32>
      %parallel_loop3A_506 = arith.addi %parallel_loop3A_478, %parallel_loop3A_505 : vector<16xi32>
      %parallel_loop3A_507 = arith.constant 1 : i32
      %parallel_loop3A_508 = vector.broadcast %parallel_loop3A_507 : i32 to vector<16xi32>
      %parallel_loop3A_509 = arith.addi %parallel_loop3A_506, %parallel_loop3A_508 : vector<16xi32>
      %parallel_loop3A_510 = tpu.vector_load_idx %arg6[%parallel_loop3A_509] : memref<11264xf32, #tpu.memory_space<vmem>>[vector<16xi32>], vector<16xf32>,
      %parallel_loop3A_511 = arith.constant 1.000000e+00 : f32
      %parallel_loop3A_512 = vector.broadcast %parallel_loop3A_511 : f32 to vector<16xf32>
      %parallel_loop3A_513 = arith.subf %parallel_loop3A_512, %parallel_loop3A_469 : vector<16xf32>
      %parallel_loop3A_514 = arith.constant 1.000000e+00 : f32
      %parallel_loop3A_515 = vector.broadcast %parallel_loop3A_514 : f32 to vector<16xf32>
      %parallel_loop3A_516 = arith.subf %parallel_loop3A_515, %parallel_loop3A_471 : vector<16xf32>
      %parallel_loop3A_517 = arith.mulf %parallel_loop3A_513, %parallel_loop3A_516 : vector<16xf32>
      %parallel_loop3A_518 = arith.mulf %parallel_loop3A_469, %parallel_loop3A_516 : vector<16xf32>
      %parallel_loop3A_519 = arith.mulf %parallel_loop3A_469, %parallel_loop3A_471 : vector<16xf32>
      %parallel_loop3A_520 = arith.mulf %parallel_loop3A_513, %parallel_loop3A_471 : vector<16xf32>
      %parallel_loop3A_521 = arith.mulf %parallel_loop3A_517, %parallel_loop3A_479 : vector<16xf32>
      %parallel_loop3A_522 = arith.mulf %parallel_loop3A_518, %parallel_loop3A_495 : vector<16xf32>
      %parallel_loop3A_523 = arith.addf %parallel_loop3A_521, %parallel_loop3A_522 : vector<16xf32>
      %parallel_loop3A_524 = arith.mulf %parallel_loop3A_519, %parallel_loop3A_503 : vector<16xf32>
      %parallel_loop3A_525 = arith.addf %parallel_loop3A_523, %parallel_loop3A_524 : vector<16xf32>
      %parallel_loop3A_526 = arith.mulf %parallel_loop3A_520, %parallel_loop3A_487 : vector<16xf32>
      %parallel_loop3A_527 = arith.addf %parallel_loop3A_525, %parallel_loop3A_526 : vector<16xf32>
      %parallel_loop3A_528 = arith.mulf %parallel_loop3A_517, %parallel_loop3A_483 : vector<16xf32>
      %parallel_loop3A_529 = arith.mulf %parallel_loop3A_518, %parallel_loop3A_499 : vector<16xf32>
      %parallel_loop3A_530 = arith.addf %parallel_loop3A_528, %parallel_loop3A_529 : vector<16xf32>
      %parallel_loop3A_531 = arith.mulf %parallel_loop3A_519, %parallel_loop3A_510 : vector<16xf32>
      %parallel_loop3A_532 = arith.addf %parallel_loop3A_530, %parallel_loop3A_531 : vector<16xf32>
      %parallel_loop3A_533 = arith.mulf %parallel_loop3A_520, %parallel_loop3A_494 : vector<16xf32>
      %parallel_loop3A_534 = arith.addf %parallel_loop3A_532, %parallel_loop3A_533 : vector<16xf32>
      %parallel_loop3A_535 = arith.constant 0.00999999977 : f32
      %parallel_loop3A_536 = vector.broadcast %parallel_loop3A_535 : f32 to vector<16xf32>
      %parallel_loop3A_537 = arith.mulf %parallel_loop3A_527, %parallel_loop3A_536 : vector<16xf32>
      %parallel_loop3A_538 = arith.addf %parallel_loop3A_451, %parallel_loop3A_537 : vector<16xf32>
      %parallel_loop3A_539 = arith.constant 16 : i32
      %parallel_loop3A_540 = arith.muli %parallel_loop3A_445, %parallel_loop3A_539 : i32
      %parallel_loop3A_541 = arith.constant 0 : i32
      %parallel_loop3A_542 = arith.index_cast %parallel_loop3A_541 : i32 to index
      %parallel_loop3A_543 = arith.index_cast %parallel_loop3A_540 : i32 to index
      %parallel_loop3A_544 = tpu.vector_load %arg8[%parallel_loop3A_542, %parallel_loop3A_543] {strides = array<i32>} : memref<2x10000xf32, #tpu.memory_space<vmem>>, vector<16xf32>,
      tpu.vector_store %arg8[%parallel_loop3A_542, %parallel_loop3A_543], %parallel_loop3A_538 {strides = array<i32>} : memref<2x10000xf32, #tpu.memory_space<vmem>>, vector<16xf32>,
      %parallel_loop3A_545 = arith.constant 0.00999999977 : f32
      %parallel_loop3A_546 = vector.broadcast %parallel_loop3A_545 : f32 to vector<16xf32>
      %parallel_loop3A_547 = arith.mulf %parallel_loop3A_534, %parallel_loop3A_546 : vector<16xf32>
      %parallel_loop3A_548 = arith.addf %parallel_loop3A_459, %parallel_loop3A_547 : vector<16xf32>
      %parallel_loop3A_549 = arith.constant 16 : i32
      %parallel_loop3A_550 = arith.muli %parallel_loop3A_445, %parallel_loop3A_549 : i32
      %parallel_loop3A_551 = arith.constant 0 : i32
      %parallel_loop3A_552 = arith.index_cast %parallel_loop3A_551 : i32 to index
      %parallel_loop3A_553 = arith.index_cast %parallel_loop3A_550 : i32 to index
      %parallel_loop3A_554 = tpu.vector_load %arg9[%parallel_loop3A_552, %parallel_loop3A_553] {strides = array<i32>} : memref<2x10000xf32, #tpu.memory_space<vmem>>, vector<16xf32>,
      tpu.vector_store %arg9[%parallel_loop3A_552, %parallel_loop3A_553], %parallel_loop3A_548 {strides = array<i32>} : memref<2x10000xf32, #tpu.memory_space<vmem>>, vector<16xf32>,
    } {sc.loop_unroll_factor = 5 : i64, sc.parallel_access}
    %mul3A_387 = arith.constant 50000 : i32
    %mul3A_388 = arith.muli %add3A, %mul3A_387 : i32
    %add3A_389 = arith.constant 40000 : i32
    %add3A_390 = arith.addi %mul3A_388, %add3A_389 : i32
    %dma_start3A_391 = arith.constant 0 : i32
    %dma_start3A_392 = arith.constant 0 : i32
    %dma_start3A_393 = tpu.memref_slice %arg8[%dma_start3A_391, %dma_start3A_392] : memref<2x10000xf32, #tpu.memory_space<vmem>> -> memref<1x10000xf32, #tpu.memory_space<vmem>>
    %dma_start3A_394 = tpu.memref_squeeze %dma_start3A_393 : memref<1x10000xf32, #tpu.memory_space<vmem>> -> memref<10000xf32, #tpu.memory_space<vmem>>
    %dma_start3A_395 = tpu.memref_slice %arg4[%add3A_390] : memref<1600000xf32, #tpu.memory_space<hbm>> -> memref<10000xf32, #tpu.memory_space<hbm>>
    %dma_start3A_396 = tpu.memref_slice %arg4[%add3A_390] : memref<1600000xf32, #tpu.memory_space<hbm>> -> memref<10000xf32, #tpu.memory_space<hbm>>
    %dma_start3A_397 = arith.constant 0 : i32
    %dma_start3A_398 = tpu.memref_slice %arg8[%dma_start3A_391, %dma_start3A_397] : memref<2x10000xf32, #tpu.memory_space<vmem>> -> memref<1x10000xf32, #tpu.memory_space<vmem>>
    %dma_start3A_399 = tpu.memref_squeeze %dma_start3A_398 : memref<1x10000xf32, #tpu.memory_space<vmem>> -> memref<10000xf32, #tpu.memory_space<vmem>>
    tpu.enqueue_dma source(%dma_start3A_399 : memref<10000xf32, #tpu.memory_space<vmem>>) target(%dma_start3A_396 : memref<10000xf32, #tpu.memory_space<hbm>>) target_semaphore(%arg14 : memref<!tpu.dma_semaphore, #tpu.memory_space<semaphore_mem>>)
    %dma_start3A_400 = arith.constant 0 : i32
    %dma_start3A_401 = arith.constant 0 : i32
    %dma_start3A_402 = tpu.memref_slice %arg9[%dma_start3A_400, %dma_start3A_401] : memref<2x10000xf32, #tpu.memory_space<vmem>> -> memref<1x10000xf32, #tpu.memory_space<vmem>>
    %dma_start3A_403 = tpu.memref_squeeze %dma_start3A_402 : memref<1x10000xf32, #tpu.memory_space<vmem>> -> memref<10000xf32, #tpu.memory_space<vmem>>
    %dma_start3A_404 = tpu.memref_slice %arg5[%add3A_390] : memref<1600000xf32, #tpu.memory_space<hbm>> -> memref<10000xf32, #tpu.memory_space<hbm>>
    %dma_start3A_405 = tpu.memref_slice %arg5[%add3A_390] : memref<1600000xf32, #tpu.memory_space<hbm>> -> memref<10000xf32, #tpu.memory_space<hbm>>
    %dma_start3A_406 = arith.constant 0 : i32
    %dma_start3A_407 = tpu.memref_slice %arg9[%dma_start3A_400, %dma_start3A_406] : memref<2x10000xf32, #tpu.memory_space<vmem>> -> memref<1x10000xf32, #tpu.memory_space<vmem>>
    %dma_start3A_408 = tpu.memref_squeeze %dma_start3A_407 : memref<1x10000xf32, #tpu.memory_space<vmem>> -> memref<10000xf32, #tpu.memory_space<vmem>>
    tpu.enqueue_dma source(%dma_start3A_408 : memref<10000xf32, #tpu.memory_space<vmem>>) target(%dma_start3A_405 : memref<10000xf32, #tpu.memory_space<hbm>>) target_semaphore(%arg16 : memref<!tpu.dma_semaphore, #tpu.memory_space<semaphore_mem>>)
    %dma_wait3A_409 = arith.constant 0 : i32
    %dma_wait3A_410 = arith.constant 0 : i32
    %dma_wait3A_411 = tpu.memref_slice %arg8[%dma_wait3A_409, %dma_wait3A_410] : memref<2x10000xf32, #tpu.memory_space<vmem>> -> memref<1x10000xf32, #tpu.memory_space<vmem>>
    %dma_wait3A_412 = tpu.memref_squeeze %dma_wait3A_411 : memref<1x10000xf32, #tpu.memory_space<vmem>> -> memref<10000xf32, #tpu.memory_space<vmem>>
    %dma_wait3A_413 = tpu.memref_slice %arg4[%add3A_390] : memref<1600000xf32, #tpu.memory_space<hbm>> -> memref<10000xf32, #tpu.memory_space<hbm>>
    %dma_wait3A_414 = tpu.memref_slice %arg4[%add3A_390] : memref<1600000xf32, #tpu.memory_space<hbm>> -> memref<10000xf32, #tpu.memory_space<hbm>>
    %dma_wait3A_415 = arith.constant 0 : i32
    %dma_wait3A_416 = tpu.memref_slice %arg8[%dma_wait3A_409, %dma_wait3A_415] : memref<2x10000xf32, #tpu.memory_space<vmem>> -> memref<1x10000xf32, #tpu.memory_space<vmem>>
    %dma_wait3A_417 = tpu.memref_squeeze %dma_wait3A_416 : memref<1x10000xf32, #tpu.memory_space<vmem>> -> memref<10000xf32, #tpu.memory_space<vmem>>
    tpu.wait_dma2 semaphore(%arg14 : memref<!tpu.dma_semaphore, #tpu.memory_space<semaphore_mem>>) src(%dma_wait3A_417 : memref<10000xf32, #tpu.memory_space<vmem>>) dst(%dma_wait3A_414 : memref<10000xf32, #tpu.memory_space<hbm>>)
    %dma_wait3A_418 = arith.constant 0 : i32
    %dma_wait3A_419 = arith.constant 0 : i32
    %dma_wait3A_420 = tpu.memref_slice %arg9[%dma_wait3A_418, %dma_wait3A_419] : memref<2x10000xf32, #tpu.memory_space<vmem>> -> memref<1x10000xf32, #tpu.memory_space<vmem>>
    %dma_wait3A_421 = tpu.memref_squeeze %dma_wait3A_420 : memref<1x10000xf32, #tpu.memory_space<vmem>> -> memref<10000xf32, #tpu.memory_space<vmem>>
    %dma_wait3A_422 = tpu.memref_slice %arg5[%add3A_390] : memref<1600000xf32, #tpu.memory_space<hbm>> -> memref<10000xf32, #tpu.memory_space<hbm>>
    %dma_wait3A_423 = tpu.memref_slice %arg5[%add3A_390] : memref<1600000xf32, #tpu.memory_space<hbm>> -> memref<10000xf32, #tpu.memory_space<hbm>>
    %dma_wait3A_424 = arith.constant 0 : i32
    %dma_wait3A_425 = tpu.memref_slice %arg9[%dma_wait3A_418, %dma_wait3A_424] : memref<2x10000xf32, #tpu.memory_space<vmem>> -> memref<1x10000xf32, #tpu.memory_space<vmem>>
    %dma_wait3A_426 = tpu.memref_squeeze %dma_wait3A_425 : memref<1x10000xf32, #tpu.memory_space<vmem>> -> memref<10000xf32, #tpu.memory_space<vmem>>
    tpu.wait_dma2 semaphore(%arg16 : memref<!tpu.dma_semaphore, #tpu.memory_space<semaphore_mem>>) src(%dma_wait3A_426 : memref<10000xf32, #tpu.memory_space<vmem>>) dst(%dma_wait3A_423 : memref<10000xf32, #tpu.memory_space<hbm>>)
    %dma_wait3A_427 = arith.constant 1 : i32
    %dma_wait3A_428 = arith.constant 0 : i32
    %dma_wait3A_429 = tpu.memref_slice %arg8[%dma_wait3A_427, %dma_wait3A_428] : memref<2x10000xf32, #tpu.memory_space<vmem>> -> memref<1x10000xf32, #tpu.memory_space<vmem>>
    %dma_wait3A_430 = tpu.memref_squeeze %dma_wait3A_429 : memref<1x10000xf32, #tpu.memory_space<vmem>> -> memref<10000xf32, #tpu.memory_space<vmem>>
    %dma_wait3A_431 = tpu.memref_slice %arg4[%add3A_329] : memref<1600000xf32, #tpu.memory_space<hbm>> -> memref<10000xf32, #tpu.memory_space<hbm>>
    %dma_wait3A_432 = tpu.memref_slice %arg4[%add3A_329] : memref<1600000xf32, #tpu.memory_space<hbm>> -> memref<10000xf32, #tpu.memory_space<hbm>>
    %dma_wait3A_433 = arith.constant 0 : i32
    %dma_wait3A_434 = tpu.memref_slice %arg8[%dma_wait3A_427, %dma_wait3A_433] : memref<2x10000xf32, #tpu.memory_space<vmem>> -> memref<1x10000xf32, #tpu.memory_space<vmem>>
    %dma_wait3A_435 = tpu.memref_squeeze %dma_wait3A_434 : memref<1x10000xf32, #tpu.memory_space<vmem>> -> memref<10000xf32, #tpu.memory_space<vmem>>
    tpu.wait_dma2 semaphore(%arg15 : memref<!tpu.dma_semaphore, #tpu.memory_space<semaphore_mem>>) src(%dma_wait3A_435 : memref<10000xf32, #tpu.memory_space<vmem>>) dst(%dma_wait3A_432 : memref<10000xf32, #tpu.memory_space<hbm>>)
    %dma_wait3A_436 = arith.constant 1 : i32
    %dma_wait3A_437 = arith.constant 0 : i32
    %dma_wait3A_438 = tpu.memref_slice %arg9[%dma_wait3A_436, %dma_wait3A_437] : memref<2x10000xf32, #tpu.memory_space<vmem>> -> memref<1x10000xf32, #tpu.memory_space<vmem>>
    %dma_wait3A_439 = tpu.memref_squeeze %dma_wait3A_438 : memref<1x10000xf32, #tpu.memory_space<vmem>> -> memref<10000xf32, #tpu.memory_space<vmem>>
    %dma_wait3A_440 = tpu.memref_slice %arg5[%add3A_329] : memref<1600000xf32, #tpu.memory_space<hbm>> -> memref<10000xf32, #tpu.memory_space<hbm>>
    %dma_wait3A_441 = tpu.memref_slice %arg5[%add3A_329] : memref<1600000xf32, #tpu.memory_space<hbm>> -> memref<10000xf32, #tpu.memory_space<hbm>>
    %dma_wait3A_442 = arith.constant 0 : i32
    %dma_wait3A_443 = tpu.memref_slice %arg9[%dma_wait3A_436, %dma_wait3A_442] : memref<2x10000xf32, #tpu.memory_space<vmem>> -> memref<1x10000xf32, #tpu.memory_space<vmem>>
    %dma_wait3A_444 = tpu.memref_squeeze %dma_wait3A_443 : memref<1x10000xf32, #tpu.memory_space<vmem>> -> memref<10000xf32, #tpu.memory_space<vmem>>
    tpu.wait_dma2 semaphore(%arg17 : memref<!tpu.dma_semaphore, #tpu.memory_space<semaphore_mem>>) src(%dma_wait3A_444 : memref<10000xf32, #tpu.memory_space<vmem>>) dst(%dma_wait3A_441 : memref<10000xf32, #tpu.memory_space<hbm>>)
    return
  }
}

</mosaic_0001>

<sc_bundles>
// kernel: kernel.3.cloned.1.call-start
scs
__scs_entry_jumppad:
0x0: {  	(pc) =	sbr.rel $0x88, $3  }
0x1: {  	(tag) =	ssettag $0x0;
	lr =	simm.s32 $0x1  }
0x2: {  	[smem:$0x3F9F] =	sst lr;
	_ =	strace $0xD0000000  }
0x3: {  	_ = 	snop  }
0x4: {  	_ = 	snop  }
0x5: {  	_ = 	snop  }
0x6: {  	_ = 	snop  }
0x7: {  	_ = 	snop  }
__scs_overlays_trampoline_lowered:
0x8: {  	[smem:$0x3FAE] =	sst s0  }
0x9: {  	[smem:$0x3FAF] =	sst s1  }
0xa: {  	[smem:$0x3FB0] =	sst s2  }
0xb: {  	[smem:$0x3FB1] =	sst s3  }
0xc: {  	[smem:$0x3FB2] =	sst s4  }
0xd: {  	[smem:$0x3FB3] =	sst s5  }
0xe: {  	[smem:$0x3FB4] =	sst s6  }
0xf: {  	[smem:$0x3FB5] =	sst s7  }
0x10: {  	[smem:$0x3FB6] =	sst s8  }
0x11: {  	[smem:$0x3FB7] =	sst s9;
	s0 =	simm.s32 @!p0 $0x0  }
0x12: {  	s1 =	sld [smem:$0x3F9D];
	s0 =	simm.s32 @p0 $0x1  }
0x13: {  	[smem:$0x3FB8] =	sst s0;
	s0 =	simm.s32 @!p1 $0x0  }
0x14: {  	s2 =	sld [smem:$0x3F9C];
	s0 =	simm.s32 @p1 $0x1  }
0x15: {  	[smem:$0x3FB9] =	sst s0;
	s0 =	simm.s32 @!p2 $0x0  }
0x16: {  	s3 =	sld [smem:$0x3FDB];
	s0 =	simm.s32 @p2 $0x1  }
0x17: {  	s4 =	simm.s32 $0x1BF5;
	[smem:$0x3FBB] =	sst s0  }
0x18: {  	s0 =	sld [smem:$0x3F9E];
	_ =	swait.ge [sflag:s4], $0x0  }
0x19: {  	s7 =	sld [smem:$0x3F9F]  }
0x1a: {  	s8 =	sadd.s32 $0xFFFFE003, lr  }
0x1b: {  	s9 =	sadd.s32 $0xFFFFFEF7, lr;
	s5 =	simm.s32 $0xFFFFFFFF;
	p2 =	slt.u32 s8, $0xFFFFF086  }
0x1c: {  	p1 =	slt.u32 s9, $0xF7A;
	s5 =	simm.s32 @!p2 $0x0  }
0x1d: {  	s5 =	simm.s32 @p1 $0x1;
	p0 =	seq.s32 s7, s2  }
0x1e: {  	s7 =	smul.u32 @!p0 $0xF7A, s2;
	p2 =	seq.s32 @!p0 s5, $0x0  }
0x1f: {  	s9 =	smul.u32 $0xF7A, s1;
	s8 =	simm.s32 @!p0 $0x1BF5;
	p2 =	por !p2, p0  }
0x20: {  	[sflag:s8] =	ssyncset.s32 @!p0 $0xFFFFF086;
	s6 =	sadd.s32 @!p0 s3, s7;
	s7 =	simm.s32 @!p0 $0x108  }
0x21: {  	s3 =	sadd.s32 s3, s9;
	s6 =	sadd.s32 @!p0 $0x88, s6;
	s7 =	simm.s32 @p2 $0x1082  }
0x22: {  	[simem:s7], [sflag:s8] =	dma.local @!p0 [hbm:s6], $0xF7A  }
0x23: {  	s9 =	sor.u32 $0xD0000000, s2;
	s6 =	simm.s32 $0x108;
	_ =	swait.ge @!p0 [sflag:s8], $0x0  }
0x24: {  	s3 =	sadd.s32 $0x88, s3;
	s6 =	simm.s32 @!p1 $0x1082;
	[sflag:s4] =	ssyncset.s32 $0xFFFFF086  }
0x25: {  	[simem:s6], [sflag:s4] =	dma.local [hbm:s3], $0xF7A  }
0x26: {  	[smem:$0x3F9F] =	sst s1;
	(tag) =	ssettag s2;
	_ =	strace s9  }
0x27: {  	s1 =	sld [smem:$0x3FAF]  }
0x28: {  	s2 =	sld [smem:$0x3FB0]  }
0x29: {  	s4 =	sld [smem:$0x3FB2]  }
0x2a: {  	p0 =	seq.s32 s5, $0x0;
	s5 =	sld [smem:$0x3FB3]  }
0x2b: {  	s6 =	sld [smem:$0x3FB4]  }
0x2c: {  	s7 =	sld [smem:$0x3FB5]  }
0x2d: {  	s3 =	simm.s32 $0x108;
	s8 =	sld [smem:$0x3FB6]  }
0x2e: {  	s3 =	simm.s32 @!p0 $0x1082;
	s9 =	sld [smem:$0x3FB7]  }
0x2f: {  	lr =	sadd.s32 s0, s3;
	s0 =	sld [smem:$0x3FAE]  }
0x30: {  	s3 =	sld [smem:$0x3FB1]  }
0x31: {  	[smem:$0x3FBA] =	sst s10  }
0x32: {  	s10 =	sld [smem:$0x3FB8];
	_ =	sdelay $0x3  }
0x33: {  	p0 =	seq.s32 s10, $0x1;
	s10 =	sld [smem:$0x3FBA];
	_ =	sdelay $0x3  }
0x34: {  	[smem:$0x3FBA] =	sst s10  }
0x35: {  	s10 =	sld [smem:$0x3FB9];
	_ =	sdelay $0x3  }
0x36: {  	p1 =	seq.s32 s10, $0x1;
	s10 =	sld [smem:$0x3FBA];
	_ =	sdelay $0x3  }
0x37: {  	[smem:$0x3FBA] =	sst s10  }
0x38: {  	s10 =	sld [smem:$0x3FBB]  }
0x39: {  	_ = 	snop;
	(pc) =	sbr.ind lr, $3  }
0x3a: {  	_ = 	snop  }
0x3b: {  	_ = 	snop  }
0x3c: {  	p2 =	seq.s32 s10, $0x1;
	s10 =	sld [smem:$0x3FBA]  }
0x3d: {  	_ =	shalt  }
0x3e: {  	_ =	shalt  }
0x3f: {  	_ =	shalt  }
0x40: {  	_ =	shalt  }
0x41: {  	_ =	shalt  }
0x42: {  	_ =	shalt  }
0x43: {  	_ =	shalt  }
0x44: {  	_ =	shalt  }
0x45: {  	_ =	shalt  }
0x46: {  	_ =	shalt  }
0x47: {  	_ =	shalt  }
0x48: {  	_ =	shalt  }
0x49: {  	_ =	shalt  }
0x4a: {  	_ =	shalt  }
0x4b: {  	_ =	shalt  }
0x4c: {  	_ =	shalt  }
0x4d: {  	_ =	shalt  }
0x4e: {  	_ =	shalt  }
0x4f: {  	_ =	shalt  }
0x50: {  	_ =	shalt  }
0x51: {  	_ =	shalt  }
0x52: {  	_ =	shalt  }
0x53: {  	_ =	shalt  }
0x54: {  	_ =	shalt  }
0x55: {  	_ =	shalt  }
0x56: {  	_ =	shalt  }
0x57: {  	_ =	shalt  }
0x58: {  	_ =	shalt  }
0x59: {  	_ =	shalt  }
0x5a: {  	_ =	shalt  }
0x5b: {  	_ =	shalt  }
0x5c: {  	_ =	shalt  }
0x5d: {  	_ =	shalt  }
0x5e: {  	_ =	shalt  }
0x5f: {  	_ =	shalt  }
0x60: {  	_ =	shalt  }
0x61: {  	_ =	shalt  }
0x62: {  	_ =	shalt  }
0x63: {  	_ =	shalt  }
0x64: {  	_ =	shalt  }
0x65: {  	_ =	shalt  }
0x66: {  	_ =	shalt  }
0x67: {  	_ =	shalt  }
0x68: {  	_ =	shalt  }
0x69: {  	_ =	shalt  }
0x6a: {  	_ =	shalt  }
0x6b: {  	_ =	shalt  }
0x6c: {  	_ =	shalt  }
0x6d: {  	_ =	shalt  }
0x6e: {  	_ =	shalt  }
0x6f: {  	_ =	shalt  }
0x70: {  	_ =	shalt  }
0x71: {  	_ =	shalt  }
0x72: {  	_ =	shalt  }
0x73: {  	_ =	shalt  }
0x74: {  	_ =	shalt  }
0x75: {  	_ =	shalt  }
0x76: {  	_ =	shalt  }
0x77: {  	_ =	shalt  }
0x78: {  	_ =	shalt  }
0x79: {  	_ =	shalt  }
0x7a: {  	_ =	shalt  }
0x7b: {  	_ =	shalt  }
0x7c: {  	_ =	shalt  }
0x7d: {  	_ =	shalt  }
0x7e: {  	_ =	shalt  }
0x7f: {  	_ =	shalt  }
0x80: {  	_ =	shalt  }
0x81: {  	_ =	shalt  }
0x82: {  	_ =	shalt  }
0x83: {  	_ =	shalt  }
0x84: {  	_ =	shalt  }
0x85: {  	_ =	shalt  }
0x86: {  	_ =	shalt  }
0x87: {  	_ =	shalt  }
.Lfunc_end0:
.L_simem_size_0:
called_computation_lowered:
.L_overlay_start_0:
0x88: {  	s2 =	sld [smem:$0x3FD9]  }
0x89: {  	s3 =	sld [smem:$0x3FFE];
	_ =	sdelay $0x1  }
0x8a: {  	s1 =	srdreg.scid  }
0x8b: {  	s0 =	sand.u32 $0x1, s1  }
0x8c: {  	s14 =	sshll.u32 s0, $0xA;
	s2 =	sadd.s32 s3, s2  }
0x8d: {  	s2 =	sadd.s32 s2, s14  }
0x8e: {  	[smem:$0x3FC6] =	sst s2  }
0x8f: {  	_ = 	snop  }
0x90: {  	s2 =	sld [smem:$0x3FD0];
	_ =	sdelay $0x2  }
0x91: {  	s15 =	simm.s32 $0xA;
	s4 =	simm.s32 $0x10  }
0x92: {  	[smem:s4], [sflag:s15] =	dma.local [hbm:s2], $0x1  }
0x93: {  	_ =	swait.eq [sflag:s15], $0x1  }
0x94: {  	[sflag:s15] =	ssyncset.done $0x0  }
0x95: {  	s16 =	sld [smem:$0x10];
	[sflag:s15] =	ssyncadd.s32 $0xFFFFFFFF  }
0x96: {  	s17 =	sld [smem:$0x11];
	(tm) =	ssettm $0x1  }
0x97: {  	s18 =	sld [smem:$0x3FFB];
	_ =	sdelay $0x3  }
0x98: {  	_ =	strace s18  }
0x99: {  	s4 =	sld [smem:$0x3FFC];
	_ =	sdelay $0x3  }
0x9a: {  	_ =	strace s4  }
0x9b: {  	s4 =	sld [smem:$0x3FFD];
	_ =	sdelay $0x3  }
0x9c: {  	_ =	strace s4  }
0x9d: {  	_ =	strace $0x8FFFFFFF  }
0x9e: {  	s19 =	sld [smem:$0x3FDB];
	_ =	sdelay $0x1  }
0x9f: {  	s5 =	simm.s32 $_scs_section_size  }
0xa0: {  	s6 =	simm.s32 $_size__tile_overlayer_lowered;
	s7 =	simm.s32 $_tile_overlayer_lowered  }
0xa1: {  	s22 =	simm.s32 $0x1BFF;
	s21 =	sshll.u32 s7, $0x1;
	s4 =	sadd.s32 s5, s19  }
0xa2: {  	s8 =	simm.s32 $0x0;
	s20 =	sshll.u32 s6, $0x1;
	s6 =	sadd.s32 s21, s4  }
0xa3: {  	[timem:s8], [sflag:s22] =	dma.local [hbm:s6], s20  }
0xa4: {  	_ =	swait.ge [sflag:s22], s20  }
0xa5: {  	s5 =	ssub.s32 $0x0, s20;
	[sflag:s22] =	ssyncset.done $0x0  }
0xa6: {  	[sflag:s22] =	ssyncadd.s32 s5;
	_ =	sdelay $0x1  }
0xa7: {  	s23 =	simm.s32 $0x1B8B  }
0xa8: {  	_ =	swait.ge [sflag:s23], $0x1  }
0xa9: {  	[sflag:s23] =	ssyncset.done $0x0  }
0xaa: {  	s25 =	simm.s32 $0x1B8E;
	s24 =	sld [smem:$0x3FFE];
	[sflag:s23] =	ssyncadd.s32 $0xFFFFFFFF  }
0xab: {  	s26 =	simm.s32 $execute0_lowered;
	[smem:$0x3FD2] =	sst s25  }
0xac: {  	s6 =	sshll.u32 s26, $0x1;
	_ =	strace $0x80000046;
	[dreg:$0x1] =	wrdreg $0xFFFFFFFF  }
0xad: {  	s28 =	simm.s32 $_size_execute0_lowered;
	s4 =	sadd.s32 s4, s6;
	[dreg:$0x0] =	wrdreg $0x0  }
0xae: {  	s6 =	sshll.u32 s28, $0x1;
	[dreg:$0x2] =	wrdreg s4  }
0xaf: {  	[dreg:$0x3] =	wrdreg s6  }
0xb0: {  	[dreg:$0x4] =	wrdreg $0xC0  }
0xb1: {  	_ =	task [dreg:s8], $0x5FFFF  }
0xb2: {  	[dreg:$0x1] =	wrdreg $0xFFFFFFFF  }
0xb3: {  	[dreg:$0x0] =	wrdreg $0x60  }
0xb4: {  	[dreg:$0x2] =	wrdreg s24  }
0xb5: {  	[dreg:$0x3] =	wrdreg s17  }
0xb6: {  	[dreg:$0x4] =	wrdreg s16  }
0xb7: {  	[dreg:$0x5] =	wrdreg $0x9  }
0xb8: {  	_ =	task.clear_ibuf [dreg:s8], $0x6FFFF;
	_ =	strace $0x90000046  }
0xb9: {  	s29 =	simm.s32 $0x9;
	_ =	strace $0x80000048  }
0xba: {  	_ =	swait.ge [sflag:s29], $0x1  }
0xbb: {  	[sflag:s29] =	ssyncadd.s32 $0xFFFFFFFF  }
0xbc: {  	_ =	strace $0x90000048  }
0xbd: {  	_ =	sfence  }
0xbe: {  	s30 =	sld [smem:$0x0];
	_ =	sdelay $0x2  }
0xbf: {  	s31 =	sshll.u32 s1, $0xD;
	s1 =	sshrl.u32 s1, $0x2  }
0xc0: {  	s3 =	sand.u32 $0x4000, s31;
	s1 =	sadd.s32 s1, s30  }
0xc1: {  	s0 =	sor.u32 s3, s0;
	s1 =	sshll.u32 s1, $0x11  }
0xc2: {  	s0 =	sor.u32 s1, s0  }
0xc3: {  	s0 =	sadd.s32 $0x8F2B, s0  }
0xc4: {  	[sflag:s0] =	ssyncadd.remote.s32 $0x1  }
0xc5: {  	_ =	sfence.sel $0xFFFF  }
0xc6: {  	[dreg:$0x0] =	wrdreg $0xFFFFFFFF;
	(pc) =	sbr.abs _section_cstart, $3  }
0xc7: {  	[dreg:$0x1] =	wrdreg $0xFFFFFFFF  }
0xc8: {  	_ =	task.clear_ibuf [dreg:s8], $0x2FFFF;
	_ =	strace $0x9FFFFFFF  }
0xc9: {  	(tm) =	ssettm $0x7FFFFFFF  }
tec
execute0_lowered:
.L_overlay_start_1:
0x0: {  	(tag) =	ssettag $0x1  }
0x1: {  	s0 =	rddreg [dreg:$0x0];
	s1 =	srdreg.scid  }
0x2: {  	s2 =	stileid.u32;
	s3 =	rddreg [dreg:$0x1]  }
0x3: {  	s4 =	rddreg [dreg:$0x2];
	s1 =	sand.u32 $0x1, s1;
	s2 =	sshll.u32 s2, $0x1  }
0x4: {  	s28 =	simm.s32 $0x5310;
	s31 =	simm.s32 $0x1;
	s5 =	sor.u32 s1, s2  }
0x5: {  	s29 =	simm.s32 $0x11660;
	s30 =	simm.s32 $0x2;
	s6 =	smul.u32 $0x580, s5  }
0x6: {  	s9 =	simm.s32 $0x0;
	s2 =	simm.s32 $0x0;
	s7 =	smul.u32 $0x186A0, s5  }
0x7: {  	s1 =	ssub.s32 $0x2, s1;
	[smem:$0x7FF] =	sst s2;
	s5 =	smul.u32 $0xC350, s5  }
0x8: {  	s8 =	sshrl.u32 s1, $0x1;
	_ =	strace $0x80000047;
	s6 =	sadd.s32 s6, s0  }
0x9: {  	s0 =	sadd.s32 $0xBA00, s0;
	s5 =	sshrl.u32 s5, $0x3;
	s6 =	sadd.s32 $0xA00, s6  }
0xa: {  	s7 =	sshrl.u32 s7, $0x3;
	s18 =	sadd.s32 s4, s5;
	[dreg:$0x4] =	wrdreg s6  }
0xb: {  	s3 =	sadd.s32 s3, s7;
	s19 =	sadd.s32 s0, s5;
	[dreg:$0x8] =	wrdreg s18  }
0xc: {  	s1 =	ssub.s32 s1, s8;
	s15 =	sadd.s32 $0x186A, s3;
	[dreg:$0x9] =	wrdreg s19  }
0xd: {  	s8 =	simm.s32 $0x8;
	s16 =	sadd.s32 $0x4E2, s3;
	[dreg:$0x5] =	wrdreg s15  }
0xe: {  	s20 =	sadd.s32 $0x4E2, s5;
	s17 =	sadd.s32 $0x1D4C, s3;
	[dreg:$0x6] =	wrdreg s16  }
0xf: {  	s24 =	sadd.s32 $0x9C4, s5;
	s7 =	sadd.s32 $0x9C4, s3;
	[dreg:$0x7] =	wrdreg s17  }
0x10: {  	s26 =	sadd.s32 $0xEA6, s5;
	s21 =	sadd.s32 $0x222E, s3;
	[dreg:$0xa] =	wrdreg s7  }
0x11: {  	s5 =	sadd.s32 $0x1388, s5;
	s22 =	sadd.s32 s4, s20;
	[dreg:$0xb] =	wrdreg s21  }
0x12: {  	s6 =	sadd.s32 s0, s20;
	s23 =	sadd.s32 $0xEA6, s3;
	[dreg:$0xc] =	wrdreg s22  }
0x13: {  	s25 =	sadd.s32 $0x2710, s3;
	s18 =	sadd.s32 $0x1388, s3;
	[dreg:$0xd] =	wrdreg s6  }
0x14: {  	s19 =	sadd.s32 $0x2BF2, s3;
	s20 =	sadd.s32 s4, s26;
	[dreg:$0xe] =	wrdreg s23  }
0x15: {  	[dreg:$0xf] =	wrdreg s25;
	s16 =	sadd.s32 s4, s24;
	s17 =	sadd.s32 s0, s24  }
0x16: {  	s21 =	sadd.s32 s0, s26;
	s22 =	sadd.s32 s4, s5;
	s23 =	sadd.s32 s0, s5  }
0x17: {  	s24 =	smax.u32 s1, $0x1;
	s25 =	simm.s32 $0x9;
	s26 =	simm.s32 $0x2C00  }
0x18: {  	s1 =	simm.s32 $0x3;
	s0 =	simm.s32 $0xC840;
	s4 =	simm.s32 $0x4  }
0x19: {  	s5 =	simm.s32 $0x5;
	s6 =	simm.s32 $0x7;
	s7 =	simm.s32 $0x6  }
.LBB2_1:
0x1a: {  	s10 =	rddreg [dreg:$0x4]  }
0x1b: {  	[tilespmem:s2], [sflag:$0x9] =	stream.linear.gather [hbm4b:s10+s2], $0x2C00, $0x38;
	[tilespmem:$0x16480] =	vst v63  }
0x1c: {  	_ =	swait.ge [sflag:s25], $0x2C00  }
0x1d: {  	[sflag:s25] =	ssyncset.done $0x0  }
0x1e: {  	[sflag:s25] =	ssyncadd.s32 $0xFFFFD400  }
0x1f: {  	[tilespmem:s26], [sflag:$0x1] =	stream.linear.gather [hbm4b:s3+s2], $0x2710, $0x38;
	[tilespmem:$0x16480] =	vst v63  }
0x20: {  	s11 =	rddreg [dreg:$0x5]  }
0x21: {  	[tilespmem:s28], [sflag:$0x3] =	stream.linear.gather [hbm4b:s11+s2], $0x2710, $0x38;
	[tilespmem:$0x16480] =	vst v63  }
0x22: {  	s12 =	rddreg [dreg:$0x6];
	s11 =	simm.s32 $0x7A20  }
0x23: {  	[tilespmem:s11], [sflag:$0x2] =	stream.linear.gather [hbm4b:s12+s2], $0x2710, $0x38;
	[tilespmem:$0x16480] =	vst v63  }
0x24: {  	s14 =	simm.s32 $0xA130;
	s13 =	rddreg [dreg:$0x7]  }
0x25: {  	[tilespmem:s14], [sflag:$0x4] =	stream.linear.gather [hbm4b:s13+s2], $0x2710, $0x38;
	[tilespmem:$0x16480] =	vst v63  }
0x26: {  	_ =	swait.ge [sflag:s31], $0x2710  }
0x27: {  	[sflag:s31] =	ssyncset.done $0x0  }
0x28: {  	[sflag:s31] =	ssyncadd.s32 $0xFFFFD8F0  }
0x29: {  	_ =	swait.ge [sflag:s1], $0x2710  }
0x2a: {  	[sflag:s1] =	ssyncset.done $0x0  }
0x2b: {  	s15 =	simm.s32 $0x5350;
	[sflag:s1] =	ssyncadd.s32 $0xFFFFD8F0  }
0x2c: {  	v8 =	vld [tilespmem:s15+$0xFFFFD8F0]  }
0x2d: {  	v10 =	vld [tilespmem:s15+$0x0]  }
0x2e: {  	v3 =	vld [tilespmem:s15+$0xFFFFD8C0]  }
0x2f: {  	v0 =	vld [tilespmem:s15+$0xFFFFD8D0]  }
0x30: {  	v1 =	vld [tilespmem:s15+$0xFFFFD8E0]  }
0x31: {  	v6 =	vld [tilespmem:s15+$0xFFFFD8B0]  }
0x32: {  	v4 =	vld [tilespmem:s15+$0xFFFFFFC0]  }
0x33: {  	v2 =	vld [tilespmem:s15+$0xFFFFFFD0]  }
0x34: {  	v7 =	vld [tilespmem:s15+$0xFFFFFFE0]  }
0x35: {  	v9 =	vmul.f32 $4.074366380e+01, v8  }
0x36: {  	v11 =	vmul.f32 $4.074366380e+01, v10;
	v12 =	vmul.f32 $4.074366380e+01, v3  }
0x37: {  	v15 =	vmul.f32 $4.074366380e+01, v0;
	v16 =	vmul.f32 $4.074366380e+01, v6  }
0x38: {  	v17 =	vmul.f32 $4.074366380e+01, v1;
	v19 =	vmul.f32 $4.074366380e+01, v4  }
0x39: {  	v21 =	vmul.f32 $4.074366380e+01, v2;
	v25 =	vmul.f32 $4.074366380e+01, v7  }
0x3a: {  	v5 =	vtrunc.f32 v9;
	v14 =	vtrunc.f32 v11  }
0x3b: {  	v20 =	vtrunc.f32 v12;
	v24 =	vtrunc.f32 v16  }
0x3c: {  	v28 =	vtrunc.f32 v17;
	v30 =	vtrunc.f32 v19  }
0x3d: {  	v34 =	vtrunc.f32 v21;
	v35 =	vtrunc.f32 v25  }
0x3e: {  	v13 =	vcvt.f32.s32 v5;
	v14 =	vcvt.f32.s32 v14  }
0x3f: {  	v24 =	vcvt.f32.s32 v24;
	v20 =	vcvt.f32.s32 v20  }
0x40: {  	v28 =	vcvt.f32.s32 v28;
	v34 =	vcvt.f32.s32 v34  }
0x41: {  	v35 =	vcvt.f32.s32 v35;
	v18 =	vshll.u32 v13, $0x8;
	v23 =	vand.u32 $0x7, v14  }
0x42: {  	v13 =	vcvt.s32.f32 v13;
	v45 =	vshll.u32 v24, $0x8;
	v39 =	vshll.u32 v20, $0x8  }
0x43: {  	v42 =	vshll.u32 v28, $0x8;
	v51 =	vand.u32 $0x7, v34;
	v24 =	vcvt.s32.f32 v24  }
0x44: {  	v20 =	vcvt.s32.f32 v20;
	v54 =	vcvt.s32.f32 v35;
	v18 =	vadd.s32 v14, v18  }
0x45: {  	v5 =	vld [tilespmem:s15+$0xFFFFFFF0];
	v28 =	vcvt.s32.f32 v28;
	v14 =	vcvt.s32.f32 v14;
	v31 =	vadd.s32 $0x101, v18  }
0x46: {  	v39 =	vadd.s32 v34, v39;
	v22 =	vand.u32 $0xFFFFFFF8, v18;
	v32 =	vadd.s32 $0x181, v18  }
0x47: {  	v36 =	vadd.s32 $0x1, v18;
	v9 =	vsub.f32 v9, v13;
	v13 =	vadd.s32 $0x81, v18  }
0x48: {  	v49 =	vand.u32 $0xFFFFFFF8, v39;
	v16 =	vsub.f32 v16, v24;
	v22 =	vor.u32 v23, v22  }
0x49: {  	v12 =	vsub.f32 v12, v20;
	v23 =	vtrunc.f32 v15;
	v27 =	vadd.s32 $0x80, v22;
	v33 =	vld.idx.msk [tilespmem:v18+s2+$0x0], $0xffff  }
0x4a: {  	v26 =	vmul.f32 $4.074366380e+01, v5;
	v11 =	vsub.f32 v11, v14;
	v29 =	vadd.s32 $0x100, v22;
	v31 =	vld.idx.msk [tilespmem:v31+s2+$0x0], $0xffff  }
0x4b: {  	v23 =	vcvt.f32.s32 v23;
	v22 =	vadd.s32 $0x180, v22;
	v37 =	vsub.f32 $1.000000000e+00, v9;
	v32 =	vld.idx.msk [tilespmem:v32+s2+$0x0], $0xffff  }
0x4c: {  	v46 =	vtrunc.f32 v26;
	v38 =	vsub.f32 $1.000000000e+00, v11;
	v18 =	vcvt.f32.s32 v30;
	v36 =	vld.idx.msk [tilespmem:v36+s2+$0x0], $0xffff  }
0x4d: {  	v30 =	vcvt.f32.s32 v46;
	v40 =	vshll.u32 v23, $0x8;
	v23 =	vcvt.s32.f32 v23;
	v13 =	vld.idx.msk [tilespmem:v13+s2+$0x0], $0xffff  }
0x4e: {  	v17 =	vsub.f32 v17, v28;
	v41 =	vmul.f32 v38, v37;
	v38 =	vmul.f32 v38, v9;
	v27 =	vld.idx.msk [tilespmem:v27+s2+$0x0], $0xffff  }
0x4f: {  	v9 =	vmul.f32 v11, v9;
	v40 =	vadd.s32 v35, v40;
	v11 =	vmul.f32 v11, v37;
	v14 =	vld.idx.msk [tilespmem:v29+s2+$0x0], $0xffff  }
0x50: {  	v50 =	vand.u32 $0x7, v18;
	v52 =	vand.u32 $0x7, v30;
	v15 =	vsub.f32 v15, v23;
	v22 =	vld.idx.msk [tilespmem:v22+s2+$0x0], $0xffff  }
0x51: {  	v23 =	vsub.f32 v25, v54;
	v29 =	vadd.s32 v18, v45;
	v18 =	vcvt.s32.f32 v18  }
0x52: {  	v62 =	vadd.s32 $0x101, v40;
	v33 =	vmul.f32 v41, v33;
	v31 =	vmul.f32 v31, v9  }
0x53: {  	v47 =	vand.u32 $0xFFFFFFF8, v29;
	v9 =	vmul.f32 v32, v9;
	v48 =	vmul.f32 v11, v36  }
0x54: {  	v18 =	vsub.f32 v19, v18;
	v11 =	vmul.f32 v11, v13;
	v14 =	vmul.f32 v38, v14  }
0x55: {  	v19 =	vadd.s32 $0x101, v29;
	v27 =	vmul.f32 v41, v27;
	v22 =	vmul.f32 v22, v38  }
0x56: {  	v13 =	vand.u32 $0xFFFFFFF8, v40;
	v46 =	vsub.f32 $1.000000000e+00, v18;
	v14 =	vadd.f32 v14, v33  }
0x57: {  	v33 =	vadd.s32 v30, v42;
	v22 =	vadd.f32 v22, v27;
	v27 =	vor.u32 v50, v47  }
0x58: {  	v55 =	vadd.s32 $0x80, v27;
	v56 =	vadd.s32 $0x100, v27;
	v27 =	vadd.s32 $0x180, v27  }
0x59: {  	v63 =	vadd.s32 $0x101, v33;
	v47 =	vadd.s32 $0x181, v33;
	v14 =	vadd.f32 v31, v14  }
0x5a: {  	v37 =	vld.idx.msk [tilespmem:v39+s2+$0x0], $0xffff;
	v9 =	vadd.f32 v9, v22;
	v22 =	vand.u32 $0xFFFFFFF8, v33;
	v31 =	vadd.s32 $0x181, v40  }
0x5b: {  	v28 =	vld.idx.msk [tilespmem:v62+s2+$0x0], $0xffff;
	v22 =	vor.u32 v52, v22;
	v52 =	vsub.f32 $1.000000000e+00, v23;
	v14 =	vadd.f32 v14, v48  }
0x5c: {  	v42 =	vld.idx.msk [tilespmem:v40+s2+$0x0], $0xffff;
	v9 =	vadd.f32 v9, v11;
	v11 =	vand.u32 $0x7, v35;
	v43 =	vadd.s32 $0x80, v22  }
0x5d: {  	v19 =	vld.idx.msk [tilespmem:v19+s2+$0x0], $0xffff;
	v44 =	vadd.s32 $0x100, v22;
	v22 =	vadd.s32 $0x180, v22;
	v35 =	vsub.f32 $1.000000000e+00, v16  }
0x5e: {  	v48 =	vadd.s32 $0x1, v29;
	v11 =	vor.u32 v11, v13;
	v13 =	vcvt.s32.f32 v30;
	v45 =	vld.idx.msk [tilespmem:v33+s2+$0x0], $0xffff  }
0x5f: {  	v30 =	vadd.s32 $0x181, v29;
	v14 =	vmul.f32 $9.999999770e-03, v14;
	v53 =	vmul.f32 $9.999999770e-03, v9;
	v24 =	vld.idx.msk [tilespmem:v55+s2+$0x0], $0xffff  }
0x60: {  	v58 =	vadd.s32 $0x80, v11;
	v59 =	vadd.s32 $0x100, v11;
	v11 =	vadd.s32 $0x180, v11;
	v20 =	vld.idx.msk [tilespmem:v56+s2+$0x0], $0xffff  }
0x61: {  	v60 =	vld.idx.msk [tilespmem:v27+s2+$0x0], $0xffff;
	v27 =	vadd.s32 $0x181, v39;
	v54 =	vmul.f32 v46, v35;
	v46 =	vmul.f32 v46, v16  }
0x62: {  	v55 =	vsub.f32 $1.000000000e+00, v17;
	v32 =	vld.idx.msk [tilespmem:v63+s2+$0x0], $0xffff;
	v16 =	vmul.f32 v18, v16;
	v18 =	vmul.f32 v18, v35  }
0x63: {  	v47 =	vld.idx.msk [tilespmem:v47+s2+$0x0], $0xffff;
	v13 =	vsub.f32 v26, v13;
	v9 =	vadd.f32 v14, v8;
	v14 =	vcvt.s32.f32 v34  }
0x64: {  	v31 =	vld.idx.msk [tilespmem:v31+s2+$0x0], $0xffff;
	v8 =	vadd.f32 v53, v10;
	v10 =	vor.u32 v51, v49;
	v49 =	vsub.f32 $1.000000000e+00, v12  }
0x65: {  	v34 =	vld.idx.msk [tilespmem:v29+s2+$0x0], $0xffff;
	v29 =	vadd.s32 $0x81, v29;
	v51 =	vsub.f32 $1.000000000e+00, v15;
	v53 =	vadd.s32 $0x1, v39  }
0x66: {  	v19 =	vmul.f32 v19, v16;
	v57 =	vadd.s32 $0x80, v10;
	v36 =	vadd.s32 $0x100, v10;
	v43 =	vld.idx.msk [tilespmem:v43+s2+$0x0], $0xffff  }
0x67: {  	v10 =	vadd.s32 $0x180, v10;
	v14 =	vsub.f32 v21, v14;
	v38 =	vld.idx.msk [tilespmem:v58+s2+$0x0], $0xffff;
	v58 =	vmul.f32 v52, v51  }
0x68: {  	v21 =	vadd.s32 $0x101, v39;
	v30 =	vld.idx.msk [tilespmem:v30+s2+$0x0], $0xffff;
	v52 =	vmul.f32 v52, v15;
	v20 =	vmul.f32 v46, v20  }
0x69: {  	v41 =	vld.idx.msk [tilespmem:v59+s2+$0x0], $0xffff;
	v25 =	vmul.f32 v60, v46;
	v24 =	vmul.f32 v54, v24;
	v50 =	vsub.f32 $1.000000000e+00, v14  }
0x6a: {  	v39 =	vadd.s32 $0x81, v39;
	v11 =	vld.idx.msk [tilespmem:v11+s2+$0x0], $0xffff;
	v15 =	vmul.f32 v23, v15;
	v34 =	vmul.f32 v54, v34  }
0x6b: {  	v63 =	vmul.f32 v58, v42;
	v61 =	vld.idx.msk [tilespmem:v57+s2+$0x0], $0xffff;
	v56 =	vmul.f32 v50, v49;
	v57 =	vsub.f32 $1.000000000e+00, v13  }
0x6c: {  	v22 =	vld.idx.msk [tilespmem:v22+s2+$0x0], $0xffff;
	v60 =	vadd.s32 $0x1, v40;
	v50 =	vmul.f32 v50, v12;
	v12 =	vmul.f32 v14, v12  }
0x6d: {  	v40 =	vadd.s32 $0x81, v40;
	v36 =	vld.idx.msk [tilespmem:v36+s2+$0x0], $0xffff;
	v16 =	vmul.f32 v30, v16;
	v59 =	vmul.f32 v57, v55  }
0x6e: {  	v10 =	vld.idx.msk [tilespmem:v10+s2+$0x0], $0xffff;
	v20 =	vadd.f32 v20, v34;
	v57 =	vmul.f32 v57, v17;
	v41 =	vmul.f32 v52, v41  }
0x6f: {  	v44 =	vld.idx.msk [tilespmem:v44+s2+$0x0], $0xffff;
	v24 =	vadd.f32 v25, v24;
	v38 =	vmul.f32 v58, v38;
	v11 =	vmul.f32 v11, v52  }
0x70: {  	v27 =	vld.idx.msk [tilespmem:v27+s2+$0x0], $0xffff;
	v37 =	vmul.f32 v56, v37;
	v17 =	vmul.f32 v13, v17;
	v19 =	vadd.f32 v19, v20  }
0x71: {  	v54 =	vld.idx.msk [tilespmem:v48+s2+$0x0], $0xffff;
	v20 =	vmul.f32 v28, v15;
	v24 =	vadd.f32 v16, v24;
	v62 =	vmul.f32 v59, v43  }
0x72: {  	s10 =	simm.s32 $0xC860;
	v29 =	vld.idx.msk [tilespmem:v29+s2+$0x0], $0xffff;
	v11 =	vadd.f32 v11, v38;
	v22 =	vmul.f32 v22, v57;
	v52 =	vmul.f32 v59, v45  }
0x73: {  	s11 =	simm.s32 $0x11680;
	[tilespmem:s10+$0x20] =	vst v9;
	v21 =	vld.idx.msk [tilespmem:v21+s2+$0x0], $0xffff;
	v36 =	vmul.f32 v50, v36;
	v10 =	vmul.f32 v10, v50;
	v50 =	vadd.s32 $0x1, v33  }
0x74: {  	[tilespmem:s11+$0x20] =	vst v8;
	v58 =	vld.idx.msk [tilespmem:v39+s2+$0x0], $0xffff;
	v26 =	vmul.f32 v56, v61;
	v33 =	vadd.s32 $0x81, v33;
	v61 =	vmul.f32 v57, v44  }
0x75: {  	v60 =	vld.idx.msk [tilespmem:v60+s2+$0x0], $0xffff;
	v38 =	vadd.f32 v41, v63;
	v59 =	vmul.f32 v31, v15;
	v16 =	vmul.f32 v32, v17  }
0x76: {  	v17 =	vmul.f32 v47, v17;
	v63 =	vmul.f32 v23, v51;
	v56 =	vld.idx.msk [tilespmem:v53+s2+$0x0], $0xffff;
	v25 =	vadd.f32 v61, v52  }
0x77: {  	v22 =	vadd.f32 v22, v62;
	v62 =	vmul.f32 v14, v49;
	v14 =	vmul.f32 v13, v55;
	v61 =	vld.idx.msk [tilespmem:v40+s2+$0x0], $0xffff  }
0x78: {  	v13 =	vmul.f32 v18, v54;
	v9 =	vadd.f32 v59, v11;
	v11 =	vadd.f32 v16, v25;
	v16 =	vld.idx.msk [tilespmem:v50+s2+$0x0], $0xffff  }
0x79: {  	v15 =	vadd.f32 v20, v38;
	v18 =	vmul.f32 v18, v29;
	v8 =	vadd.f32 v17, v22;
	v17 =	vld.idx.msk [tilespmem:v33+s2+$0x0], $0xffff  }
0x7a: {  	v21 =	vmul.f32 v21, v12;
	v10 =	vadd.f32 v10, v26;
	v36 =	vadd.f32 v36, v37  }
0x7b: {  	v57 =	vmul.f32 v27, v12;
	v20 =	vadd.f32 v19, v13;
	v19 =	vadd.f32 v24, v18  }
0x7c: {  	s12 =	simm.s32 $0xC860;
	v22 =	vmul.f32 v63, v60;
	v12 =	vadd.f32 v21, v36;
	v23 =	vmul.f32 v62, v56  }
0x7d: {  	s14 =	simm.s32 $0x0;
	s13 =	simm.s32 $0x11680;
	s15 =	simm.s32 $0x53A0;
	v10 =	vadd.f32 v57, v10;
	v21 =	vmul.f32 v62, v58;
	v18 =	vmul.f32 v63, v61  }
.LBB2_2:
0x7e: {  	v13 =	vld [tilespmem:s15+$0xFFFFD8F0];
	v12 =	vadd.f32 v12, v23;
	v16 =	vmul.f32 v14, v16;
	v17 =	vmul.f32 v14, v17  }
0x7f: {  	v20 =	vmul.f32 $9.999999770e-03, v20;
	v10 =	vadd.f32 v10, v21;
	v14 =	vld [tilespmem:s15+$0x0];
	v15 =	vadd.f32 v15, v22  }
0x80: {  	s14 =	sadd.s32 $0x5, s14;
	v19 =	vmul.f32 $9.999999770e-03, v19;
	v9 =	vadd.f32 v9, v18;
	v21 =	vld [tilespmem:s15+$0xFFFFD8C0];
	v11 =	vadd.f32 v11, v16  }
0x81: {  	p0 =	slt.u32 s14, $0x26C;
	v12 =	vmul.f32 $9.999999770e-03, v12;
	v18 =	vmul.f32 $9.999999770e-03, v10;
	v10 =	vadd.f32 v8, v17;
	v16 =	vld [tilespmem:s15+$0xFFFFD8D0]  }
0x82: {  	v17 =	vadd.f32 v20, v6;
	v15 =	vmul.f32 $9.999999770e-03, v15;
	v20 =	vmul.f32 $9.999999770e-03, v9;
	v8 =	vld [tilespmem:s15+$0xFFFFD8E0]  }
0x83: {  	v19 =	vadd.f32 v19, v4;
	v9 =	vmul.f32 $9.999999770e-03, v11;
	v6 =	vld [tilespmem:s15+$0xFFFFD8B0];
	v26 =	vmul.f32 $4.074366380e+01, v13  }
0x84: {  	v11 =	vadd.f32 v12, v3;
	v10 =	vmul.f32 $9.999999770e-03, v10;
	v4 =	vld [tilespmem:s15+$0xFFFFFFC0];
	v27 =	vmul.f32 $4.074366380e+01, v14;
	[tilespmem:s10+$0xFFFFFFE0] =	vst v17  }
0x85: {  	v18 =	vadd.f32 v18, v2;
	v12 =	vmul.f32 $4.074366380e+01, v21;
	v17 =	vtrunc.f32 v26;
	[tilespmem:s11+$0xFFFFFFE0] =	vst v19;
	v2 =	vld [tilespmem:s15+$0xFFFFFFD0];
	v3 =	vmovc v21  }
0x86: {  	v22 =	vadd.f32 v15, v0;
	v19 =	vld [tilespmem:s15+$0xFFFFFFE0];
	v17 =	vcvt.f32.s32 v17;
	v21 =	vtrunc.f32 v27;
	[tilespmem:s10+$0xFFFFFFF0] =	vst v11;
	v0 =	vmovc v16  }
0x87: {  	v7 =	vadd.f32 v20, v7;
	v15 =	vmul.f32 $4.074366380e+01, v0;
	v11 =	vld [tilespmem:s15+$0xFFFFFFF0];
	v28 =	vcvt.f32.s32 v21;
	[tilespmem:s11+$0xFFFFFFF0] =	vst v18  }
0x88: {  	v16 =	vmul.f32 $4.074366380e+01, v8;
	v21 =	vmul.f32 $4.074366380e+01, v6;
	v18 =	vshll.u32 v17, $0x8;
	[tilespmem:s10+$0x0] =	vst v22  }
0x89: {  	v20 =	vtrunc.f32 v12;
	v25 =	vmul.f32 $4.074366380e+01, v4;
	v18 =	vadd.s32 v28, v18;
	[tilespmem:s11+$0x0] =	vst v7  }
0x8a: {  	v24 =	vand.u32 $0x7, v28;
	v22 =	vmul.f32 $4.074366380e+01, v2;
	v31 =	vand.u32 $0xFFFFFFF8, v18  }
0x8b: {  	v29 =	vtrunc.f32 v21;
	v23 =	vmul.f32 $4.074366380e+01, v19;
	v30 =	vor.u32 v24, v31;
	v7 =	vmovc v19  }
0x8c: {  	v19 =	vtrunc.f32 v15;
	v24 =	vmul.f32 $4.074366380e+01, v11;
	v31 =	vadd.s32 $0x80, v30  }
0x8d: {  	v32 =	vtrunc.f32 v16;
	v29 =	vcvt.f32.s32 v29;
	v33 =	vadd.s32 $0x100, v30  }
0x8e: {  	v34 =	vcvt.f32.s32 v20;
	v35 =	vcvt.f32.s32 v19;
	v19 =	vadd.s32 $0x180, v30  }
0x8f: {  	v20 =	vtrunc.f32 v25;
	v30 =	vcvt.f32.s32 v32;
	v32 =	vadd.s32 $0x101, v18  }
0x90: {  	v17 =	vcvt.s32.f32 v17;
	v28 =	vcvt.s32.f32 v28;
	v37 =	vadd.s32 $0x181, v18;
	v36 =	vld.idx.msk [tilespmem:v18+s2+$0x0], $0xffff  }
0x91: {  	v40 =	vadd.s32 $0x1, v18;
	v38 =	vtrunc.f32 v22;
	v39 =	vtrunc.f32 v23;
	v31 =	vld.idx.msk [tilespmem:v31+s2+$0x0], $0xffff  }
0x92: {  	v17 =	vsub.f32 v26, v17;
	v26 =	vsub.f32 v27, v28;
	v18 =	vadd.s32 $0x81, v18;
	v27 =	vld.idx.msk [tilespmem:v33+s2+$0x0], $0xffff  }
0x93: {  	v28 =	vcvt.f32.s32 v20;
	v20 =	vshll.u32 v29, $0x8;
	v33 =	vtrunc.f32 v24;
	v19 =	vld.idx.msk [tilespmem:v19+s2+$0x0], $0xffff  }
0x94: {  	v41 =	vsub.f32 $1.000000000e+00, v17;
	v38 =	vcvt.f32.s32 v38;
	v42 =	vsub.f32 $1.000000000e+00, v26;
	v32 =	vld.idx.msk [tilespmem:v32+s2+$0x0], $0xffff  }
0x95: {  	v43 =	vshll.u32 v34, $0x8;
	v39 =	vcvt.f32.s32 v39;
	v33 =	vcvt.f32.s32 v33;
	v37 =	vld.idx.msk [tilespmem:v37+s2+$0x0], $0xffff  }
0x96: {  	v44 =	vshll.u32 v35, $0x8;
	v45 =	vmul.f32 v42, v41;
	v42 =	vmul.f32 v42, v17;
	v40 =	vld.idx.msk [tilespmem:v40+s2+$0x0], $0xffff  }
0x97: {  	v46 =	vadd.s32 v28, v20;
	v20 =	vshll.u32 v30, $0x8;
	v17 =	vmul.f32 v26, v17;
	v47 =	vld.idx.msk [tilespmem:v18+s2+$0x0], $0xffff  }
0x98: {  	v43 =	vadd.s32 v38, v43;
	v18 =	vmul.f32 v45, v36;
	v27 =	vmul.f32 v42, v27  }
0x99: {  	v31 =	vmul.f32 v45, v31;
	v36 =	vadd.s32 v39, v44;
	v19 =	vmul.f32 v19, v42  }
0x9a: {  	v26 =	vmul.f32 v26, v41;
	v27 =	vadd.f32 v27, v18;
	v32 =	vmul.f32 v32, v17  }
0x9b: {  	v41 =	vadd.s32 v33, v20;
	v19 =	vadd.f32 v19, v31;
	v20 =	vmul.f32 v37, v17  }
0x9c: {  	v31 =	vand.u32 $0xFFFFFFF8, v46;
	v27 =	vadd.f32 v32, v27;
	v32 =	vmul.f32 v26, v40;
	v18 =	vld.idx.msk [tilespmem:v46+s2+$0x0], $0xffff  }
0x9d: {  	v37 =	vand.u32 $0xFFFFFFF8, v43;
	v20 =	vadd.f32 v20, v19;
	v26 =	vmul.f32 v26, v47;
	v17 =	vld.idx.msk [tilespmem:v43+s2+$0x0], $0xffff  }
0x9e: {  	v42 =	vand.u32 $0xFFFFFFF8, v41;
	v40 =	vand.u32 $0xFFFFFFF8, v36;
	v27 =	vadd.f32 v27, v32;
	v19 =	vld.idx.msk [tilespmem:v36+s2+$0x0], $0xffff  }
0x9f: {  	v44 =	vand.u32 $0x7, v38;
	v32 =	vand.u32 $0x7, v28;
	v26 =	vadd.f32 v20, v26  }
0xa0: {  	v45 =	vand.u32 $0x7, v39;
	v47 =	vand.u32 $0x7, v33;
	v27 =	vmul.f32 $9.999999770e-03, v27;
	v20 =	vld.idx.msk [tilespmem:v41+s2+$0x0], $0xffff  }
0xa1: {  	v29 =	vcvt.s32.f32 v29;
	v31 =	vor.u32 v32, v31;
	v26 =	vmul.f32 $9.999999770e-03, v26  }
0xa2: {  	v28 =	vcvt.s32.f32 v28;
	v32 =	vcvt.s32.f32 v34;
	v13 =	vadd.f32 v27, v13  }
0xa3: {  	s10 =	sadd.s32 $0x50, s10;
	v34 =	vcvt.s32.f32 v35;
	v27 =	vcvt.s32.f32 v38;
	v14 =	vadd.f32 v26, v14  }
0xa4: {  	s11 =	sadd.s32 $0x50, s11;
	v30 =	vcvt.s32.f32 v30;
	v35 =	vcvt.s32.f32 v39;
	v26 =	vor.u32 v44, v37;
	[tilespmem:s10+$0x20] =	vst v13  }
0xa5: {  	v33 =	vcvt.s32.f32 v33;
	v37 =	vor.u32 v47, v42;
	v13 =	vor.u32 v45, v40;
	[tilespmem:s11+$0x20] =	vst v14  }
0xa6: {  	v38 =	vadd.s32 $0x100, v31;
	v14 =	vadd.s32 $0x80, v31;
	v31 =	vadd.s32 $0x180, v31  }
0xa7: {  	v39 =	vadd.s32 $0x80, v26;
	v40 =	vadd.s32 $0x100, v26;
	v26 =	vadd.s32 $0x180, v26  }
0xa8: {  	v42 =	vadd.s32 $0x80, v13;
	v44 =	vadd.s32 $0x100, v13;
	v45 =	vadd.s32 $0x180, v13  }
0xa9: {  	v47 =	vadd.s32 $0x80, v37;
	v48 =	vadd.s32 $0x100, v37;
	v37 =	vadd.s32 $0x180, v37  }
0xaa: {  	v21 =	vsub.f32 v21, v29;
	v13 =	vsub.f32 v25, v28;
	v25 =	vadd.s32 $0x101, v46  }
0xab: {  	v29 =	vadd.s32 $0x181, v46;
	v32 =	vsub.f32 v12, v32;
	v12 =	vsub.f32 v22, v27;
	v28 =	vld.idx.msk [tilespmem:v14+s2+$0x0], $0xffff  }
0xac: {  	v34 =	vsub.f32 v15, v34;
	v27 =	vadd.s32 $0x101, v43;
	v14 =	vsub.f32 v23, v35;
	v22 =	vld.idx.msk [tilespmem:v38+s2+$0x0], $0xffff  }
0xad: {  	v16 =	vsub.f32 v16, v30;
	v15 =	vsub.f32 v24, v33;
	v23 =	vld.idx.msk [tilespmem:v31+s2+$0x0], $0xffff;
	v31 =	vadd.s32 $0x181, v43  }
0xae: {  	v30 =	vadd.s32 $0x101, v36;
	v33 =	vadd.s32 $0x181, v36;
	v35 =	vadd.s32 $0x101, v41;
	v24 =	vld.idx.msk [tilespmem:v39+s2+$0x0], $0xffff  }
0xaf: {  	v49 =	vadd.s32 $0x181, v41;
	v38 =	vsub.f32 $1.000000000e+00, v21;
	v39 =	vsub.f32 $1.000000000e+00, v13;
	v40 =	vld.idx.msk [tilespmem:v40+s2+$0x0], $0xffff  }
0xb0: {  	v50 =	vadd.s32 $0x1, v46;
	v51 =	vsub.f32 $1.000000000e+00, v32;
	v52 =	vsub.f32 $1.000000000e+00, v12;
	v26 =	vld.idx.msk [tilespmem:v26+s2+$0x0], $0xffff  }
0xb1: {  	v53 =	vsub.f32 $1.000000000e+00, v34;
	v46 =	vadd.s32 $0x81, v46;
	v54 =	vsub.f32 $1.000000000e+00, v14;
	v42 =	vld.idx.msk [tilespmem:v42+s2+$0x0], $0xffff  }
0xb2: {  	v55 =	vadd.s32 $0x1, v43;
	v56 =	vsub.f32 $1.000000000e+00, v16;
	v57 =	vsub.f32 $1.000000000e+00, v15;
	v44 =	vld.idx.msk [tilespmem:v44+s2+$0x0], $0xffff  }
0xb3: {  	v58 =	vadd.s32 $0x1, v36;
	v36 =	vadd.s32 $0x81, v36;
	v43 =	vadd.s32 $0x81, v43;
	v45 =	vld.idx.msk [tilespmem:v45+s2+$0x0], $0xffff  }
0xb4: {  	v60 =	vadd.s32 $0x1, v41;
	v41 =	vadd.s32 $0x81, v41;
	v59 =	vmul.f32 v39, v38;
	v47 =	vld.idx.msk [tilespmem:v47+s2+$0x0], $0xffff  }
0xb5: {  	v62 =	vadd.f32 v9, v1;
	v61 =	vmul.f32 v52, v51;
	v39 =	vmul.f32 v39, v21;
	v48 =	vld.idx.msk [tilespmem:v48+s2+$0x0], $0xffff  }
0xb6: {  	v63 =	vadd.f32 v10, v5;
	v9 =	vmul.f32 v52, v32;
	v52 =	vmul.f32 v54, v53;
	v37 =	vld.idx.msk [tilespmem:v37+s2+$0x0], $0xffff  }
0xb7: {  	v1 =	vmov v8;
	v10 =	vld.idx.msk [tilespmem:v25+s2+$0x0], $0xffff;
	v25 =	vmul.f32 v54, v34;
	v54 =	vmul.f32 v57, v56;
	[tilespmem:s12+$0x10] =	vst v62;
	s12 =	smov.u32 s10  }
0xb8: {  	v5 =	vmov v11;
	v22 =	vmul.f32 v39, v22;
	v8 =	vld.idx.msk [tilespmem:v29+s2+$0x0], $0xffff;
	v29 =	vmul.f32 v57, v16;
	[tilespmem:s13+$0x10] =	vst v63;
	s13 =	smov.u32 s11  }
0xb9: {  	v11 =	vmul.f32 v59, v28;
	v23 =	vmul.f32 v23, v39;
	v27 =	vld.idx.msk [tilespmem:v27+s2+$0x0], $0xffff  }
0xba: {  	v24 =	vmul.f32 v61, v24;
	v28 =	vld.idx.msk [tilespmem:v31+s2+$0x0], $0xffff;
	v31 =	vmul.f32 v9, v40  }
0xbb: {  	v11 =	vadd.f32 v23, v11;
	v9 =	vmul.f32 v26, v9;
	v26 =	vmul.f32 v25, v44;
	v23 =	vld.idx.msk [tilespmem:v30+s2+$0x0], $0xffff  }
0xbc: {  	v25 =	vmul.f32 v45, v25;
	v30 =	vld.idx.msk [tilespmem:v33+s2+$0x0], $0xffff;
	v33 =	vmul.f32 v52, v42  }
0xbd: {  	v39 =	vmul.f32 v54, v47;
	v9 =	vadd.f32 v9, v24;
	v24 =	vld.idx.msk [tilespmem:v35+s2+$0x0], $0xffff;
	v35 =	vmul.f32 v29, v48  }
0xbe: {  	v18 =	vmul.f32 v59, v18;
	v29 =	vmul.f32 v37, v29;
	v25 =	vadd.f32 v25, v33;
	v33 =	vld.idx.msk [tilespmem:v49+s2+$0x0], $0xffff  }
0xbf: {  	v17 =	vmul.f32 v61, v17;
	v19 =	vmul.f32 v52, v19;
	v37 =	vld.idx.msk [tilespmem:v50+s2+$0x0], $0xffff  }
0xc0: {  	v21 =	vmul.f32 v13, v21;
	v18 =	vadd.f32 v22, v18;
	v20 =	vmul.f32 v54, v20;
	v40 =	vld.idx.msk [tilespmem:v46+s2+$0x0], $0xffff  }
0xc1: {  	v32 =	vmul.f32 v12, v32;
	v31 =	vadd.f32 v31, v17;
	v17 =	vmul.f32 v14, v34;
	v22 =	vld.idx.msk [tilespmem:v55+s2+$0x0], $0xffff  }
0xc2: {  	v19 =	vadd.f32 v26, v19;
	v26 =	vmul.f32 v15, v16;
	v20 =	vadd.f32 v35, v20;
	v34 =	vld.idx.msk [tilespmem:v43+s2+$0x0], $0xffff  }
0xc3: {  	v10 =	vmul.f32 v10, v21;
	v8 =	vmul.f32 v8, v21;
	v21 =	vadd.f32 v29, v39;
	v35 =	vld.idx.msk [tilespmem:v58+s2+$0x0], $0xffff  }
0xc4: {  	v27 =	vmul.f32 v27, v32;
	v28 =	vmul.f32 v28, v32;
	v29 =	vld.idx.msk [tilespmem:v36+s2+$0x0], $0xffff  }
0xc5: {  	v18 =	vadd.f32 v10, v18;
	v23 =	vmul.f32 v23, v17;
	v30 =	vmul.f32 v30, v17;
	v16 =	vld.idx.msk [tilespmem:v60+s2+$0x0], $0xffff  }
0xc6: {  	v32 =	vadd.f32 v8, v11;
	v8 =	vmul.f32 v24, v26;
	v24 =	vmul.f32 v33, v26;
	v17 =	vld.idx.msk [tilespmem:v41+s2+$0x0], $0xffff  }
0xc7: {  	v11 =	vmul.f32 v13, v38;
	v13 =	vmul.f32 v12, v51;
	v12 =	vadd.f32 v27, v31  }
.Ltmp0:
0xc8: {  	v10 =	vadd.f32 v28, v9;
	v26 =	vmul.f32 v14, v53;
	v14 =	vmul.f32 v15, v56;
	(pc) =	sbr.rel @p0 .LBB2_2-.Ltmp0, $4  }
0xc9: {  	v15 =	vadd.f32 v23, v19;
	v9 =	vadd.f32 v30, v25;
	v27 =	vmul.f32 v11, v37  }
0xca: {  	v19 =	vmul.f32 v11, v40;
	v11 =	vadd.f32 v8, v20;
	v8 =	vadd.f32 v24, v21  }
0xcb: {  	v20 =	vadd.f32 v18, v27;
	v23 =	vmul.f32 v13, v22;
	v21 =	vmul.f32 v13, v34  }
0xcc: {  	s15 =	sadd.s32 $0x50, s15;
	v19 =	vadd.f32 v32, v19;
	v22 =	vmul.f32 v26, v35;
	v18 =	vmul.f32 v26, v29  }
0xcd: {  	v12 =	vadd.f32 v12, v23;
	v13 =	vmul.f32 v14, v16;
	v16 =	vmul.f32 $9.999999770e-03, v20  }
0xce: {  	v14 =	vmul.f32 v14, v17;
	v10 =	vadd.f32 v10, v21;
	v17 =	vmul.f32 $9.999999770e-03, v19  }
0xcf: {  	v15 =	vadd.f32 v15, v22;
	v12 =	vmul.f32 $9.999999770e-03, v12;
	v6 =	vadd.f32 v16, v6  }
0xd0: {  	v9 =	vadd.f32 v9, v18;
	v10 =	vmul.f32 $9.999999770e-03, v10;
	v4 =	vadd.f32 v17, v4  }
0xd1: {  	v11 =	vadd.f32 v11, v13;
	v13 =	vmul.f32 $9.999999770e-03, v15;
	[tilespmem:s10+$0xFFFFFFE0] =	vst v6;
	v3 =	vadd.f32 v12, v3  }
0xd2: {  	v6 =	vadd.f32 v8, v14;
	v8 =	vmul.f32 $9.999999770e-03, v9;
	v2 =	vadd.f32 v10, v2;
	[tilespmem:s11+$0xFFFFFFE0] =	vst v4  }
0xd3: {  	v4 =	vmul.f32 $9.999999770e-03, v11;
	v0 =	vadd.f32 v13, v0;
	[tilespmem:s10+$0xFFFFFFF0] =	vst v3  }
0xd4: {  	v3 =	vmul.f32 $9.999999770e-03, v6;
	v47 =	vadd.f32 v8, v7;
	[tilespmem:s11+$0xFFFFFFF0] =	vst v2  }
0xd5: {  	[tilespmem:s10+$0x0] =	vst v0;
	v48 =	vadd.f32 v4, v1  }
0xd6: {  	[tilespmem:s11+$0x0] =	vst v47;
	v49 =	vadd.f32 v3, v5  }
0xd7: {  	[tilespmem:s12+$0x10] =	vst v48  }
0xd8: {  	[tilespmem:s13+$0x10] =	vst v49  }
0xd9: {  	s12 =	simm.s32 $0x0;
	s11 =	rddreg [dreg:$0x8]  }
0xda: {  	[hbm4b:s11+s12] =	stream.linear.scatter [tilespmem:s0], [sflag:$0x5], $0x2710, $0x38;
	[tilespmem:$0x16480] =	vst v63  }
0xdb: {  	s13 =	rddreg [dreg:$0x9]  }
0xdc: {  	[hbm4b:s13+s12] =	stream.linear.scatter [tilespmem:s29], [sflag:$0x7], $0x2710, $0x38;
	[tilespmem:$0x16480] =	vst v63  }
0xdd: {  	s14 =	rddreg [dreg:$0xa]  }
0xde: {  	[tilespmem:s26], [sflag:$0x1] =	stream.linear.gather [hbm4b:s14+s12], $0x2710, $0x38;
	[tilespmem:$0x16480] =	vst v63  }
0xdf: {  	s15 =	rddreg [dreg:$0xb]  }
0xe0: {  	[tilespmem:s28], [sflag:$0x3] =	stream.linear.gather [hbm4b:s15+s12], $0x2710, $0x38;
	[tilespmem:$0x16480] =	vst v63  }
0xe1: {  	_ =	swait.ge [sflag:s30], $0x2710  }
0xe2: {  	[sflag:s30] =	ssyncset.done $0x0  }
0xe3: {  	[sflag:s30] =	ssyncadd.s32 $0xFFFFD8F0  }
0xe4: {  	_ =	swait.ge [sflag:s4], $0x2710  }
0xe5: {  	[sflag:s4] =	ssyncset.done $0x0  }
0xe6: {  	s10 =	simm.s32 $0x0;
	[sflag:s4] =	ssyncadd.s32 $0xFFFFD8F0  }
0xe7: {  	v57 =	vld [tilespmem:s10+$0x7A60]  }
0xe8: {  	v13 =	vld [tilespmem:s10+$0xA170]  }
0xe9: {  	v6 =	vld [tilespmem:s10+$0x7A20]  }
0xea: {  	v8 =	vld [tilespmem:s10+$0x7A30]  }
0xeb: {  	v61 =	vld [tilespmem:s10+$0x7A40]  }
0xec: {  	v59 =	vld [tilespmem:s10+$0x7A50]  }
0xed: {  	v7 =	vld [tilespmem:s10+$0xA130]  }
0xee: {  	v60 =	vld [tilespmem:s10+$0xA140]  }
0xef: {  	v5 =	vld [tilespmem:s10+$0xA150]  }
0xf0: {  	v58 =	vld [tilespmem:s10+$0xA160];
	v9 =	vmul.f32 $4.074366380e+01, v57  }
0xf1: {  	v11 =	vmul.f32 $4.074366380e+01, v13;
	v18 =	vmul.f32 $4.074366380e+01, v6  }
0xf2: {  	v19 =	vmul.f32 $4.074366380e+01, v8;
	v20 =	vmul.f32 $4.074366380e+01, v61  }
0xf3: {  	v21 =	vmul.f32 $4.074366380e+01, v59;
	v22 =	vmul.f32 $4.074366380e+01, v7  }
0xf4: {  	v23 =	vmul.f32 $4.074366380e+01, v60;
	v25 =	vmul.f32 $4.074366380e+01, v5  }
0xf5: {  	v27 =	vmul.f32 $4.074366380e+01, v58;
	v50 =	vtrunc.f32 v9  }
0xf6: {  	v10 =	vtrunc.f32 v11;
	v15 =	vtrunc.f32 v18  }
0xf7: {  	v24 =	vtrunc.f32 v19;
	v33 =	vtrunc.f32 v23  }
0xf8: {  	v34 =	vtrunc.f32 v25;
	v12 =	vcvt.f32.s32 v50  }
0xf9: {  	v14 =	vcvt.f32.s32 v10;
	v28 =	vcvt.f32.s32 v15  }
0xfa: {  	v15 =	vtrunc.f32 v21;
	v24 =	vcvt.f32.s32 v24  }
0xfb: {  	v33 =	vcvt.f32.s32 v33;
	v34 =	vcvt.f32.s32 v34  }
0xfc: {  	v31 =	vcvt.f32.s32 v15;
	v10 =	vshll.u32 v12, $0x8;
	v17 =	vand.u32 $0x7, v14  }
0xfd: {  	v32 =	vshll.u32 v28, $0x8;
	v12 =	vcvt.s32.f32 v12;
	v54 =	vand.u32 $0x7, v33  }
0xfe: {  	v45 =	vand.u32 $0x7, v34;
	v28 =	vcvt.s32.f32 v28;
	v10 =	vadd.s32 v14, v10  }
0xff: {  	v14 =	vcvt.s32.f32 v14;
	v42 =	vshll.u32 v31, $0x8;
	v31 =	vcvt.s32.f32 v31  }
0x100: {  	v16 =	vand.u32 $0xFFFFFFF8, v10;
	v15 =	vadd.s32 $0x181, v10;
	v35 =	vadd.s32 $0x81, v10  }
0x101: {  	v9 =	vsub.f32 v9, v12;
	v46 =	vadd.s32 $0x101, v10;
	v18 =	vsub.f32 v18, v28  }
0x102: {  	v26 =	vor.u32 v17, v16;
	v16 =	vtrunc.f32 v20;
	v37 =	vsub.f32 v11, v14  }
0x103: {  	v11 =	vshll.u32 v24, $0x8;
	v24 =	vcvt.s32.f32 v24;
	v17 =	vadd.s32 $0x80, v26  }
0x104: {  	v29 =	vadd.s32 $0x180, v26;
	v30 =	vcvt.f32.s32 v16;
	v16 =	vtrunc.f32 v22  }
0x105: {  	v39 =	vsub.f32 $1.000000000e+00, v9;
	v38 =	vcvt.f32.s32 v16;
	v12 =	vsub.f32 $1.000000000e+00, v37  }
0x106: {  	v26 =	vadd.s32 $0x100, v26;
	v19 =	vsub.f32 v19, v24;
	v14 =	vshll.u32 v30, $0x8  }
0x107: {  	v30 =	vcvt.s32.f32 v30;
	v16 =	vadd.s32 v38, v32;
	v32 =	vmul.f32 v12, v9  }
0x108: {  	v40 =	vld.idx.msk [tilespmem:v15+s2+$0x0], $0xffff;
	v15 =	vadd.s32 v33, v11;
	v14 =	vadd.s32 v34, v14;
	v11 =	vmul.f32 v37, v9  }
0x109: {  	v9 =	vmul.f32 v37, v39;
	v53 =	vand.u32 $0x7, v38;
	v38 =	vcvt.s32.f32 v38  }
0x10a: {  	v33 =	vcvt.s32.f32 v33;
	v34 =	vcvt.s32.f32 v34;
	v51 =	vand.u32 $0xFFFFFFF8, v16  }
0x10b: {  	v43 =	vand.u32 $0xFFFFFFF8, v15;
	v44 =	vand.u32 $0xFFFFFFF8, v14;
	v20 =	vsub.f32 v20, v30  }
0x10c: {  	v30 =	vadd.s32 $0x101, v16;
	v36 =	vld.idx.msk [tilespmem:v17+s2+$0x0], $0xffff;
	v17 =	vtrunc.f32 v27;
	v62 =	vor.u32 v53, v51  }
0x10d: {  	v29 =	vld.idx.msk [tilespmem:v29+s2+$0x0], $0xffff;
	v44 =	vor.u32 v45, v44;
	v22 =	vsub.f32 v22, v38;
	v23 =	vsub.f32 v23, v33  }
0x10e: {  	v25 =	vsub.f32 v25, v34;
	v34 =	vsub.f32 $1.000000000e+00, v18;
	v41 =	vcvt.f32.s32 v17  }
0x10f: {  	v35 =	vld.idx.msk [tilespmem:v35+s2+$0x0], $0xffff;
	v17 =	vmul.f32 v12, v39;
	v37 =	vadd.s32 $0x80, v62;
	v39 =	vor.u32 v54, v43  }
0x110: {  	v48 =	vadd.s32 $0x80, v44;
	v49 =	vadd.s32 $0x100, v44;
	v44 =	vadd.s32 $0x180, v44  }
0x111: {  	v46 =	vld.idx.msk [tilespmem:v46+s2+$0x0], $0xffff;
	v63 =	vadd.s32 $0x80, v39;
	v0 =	vadd.s32 $0x100, v39;
	v39 =	vadd.s32 $0x180, v39  }
0x112: {  	v26 =	vld.idx.msk [tilespmem:v26+s2+$0x0], $0xffff;
	v2 =	vsub.f32 $1.000000000e+00, v22;
	v36 =	vmul.f32 v17, v36;
	v29 =	vmul.f32 v29, v32  }
0x113: {  	v51 =	vsub.f32 $1.000000000e+00, v23;
	v53 =	vsub.f32 $1.000000000e+00, v25;
	v12 =	vadd.s32 v41, v42;
	v43 =	vld.idx.msk [tilespmem:v16+s2+$0x0], $0xffff  }
0x114: {  	v52 =	vmul.f32 v40, v11;
	v35 =	vmul.f32 v9, v35;
	v45 =	vld.idx.msk [tilespmem:v15+s2+$0x0], $0xffff;
	v29 =	vadd.f32 v29, v36  }
0x115: {  	v56 =	vand.u32 $0x7, v41;
	v42 =	vadd.s32 $0x100, v62;
	v41 =	vcvt.s32.f32 v41;
	v47 =	vld.idx.msk [tilespmem:v14+s2+$0x0], $0xffff  }
0x116: {  	v11 =	vmul.f32 v46, v11;
	v55 =	vand.u32 $0xFFFFFFF8, v12;
	v30 =	vld.idx.msk [tilespmem:v30+s2+$0x0], $0xffff;
	v29 =	vadd.f32 v52, v29  }
0x117: {  	v54 =	vmul.f32 v2, v34;
	v27 =	vsub.f32 v27, v41;
	v37 =	vld.idx.msk [tilespmem:v37+s2+$0x0], $0xffff;
	v36 =	vor.u32 v56, v55  }
0x118: {  	v26 =	vmul.f32 v32, v26;
	v49 =	vld.idx.msk [tilespmem:v49+s2+$0x0], $0xffff;
	v1 =	vadd.s32 $0x100, v36;
	v29 =	vadd.f32 v29, v35  }
0x119: {  	v41 =	vld.idx.msk [tilespmem:v44+s2+$0x0], $0xffff;
	v55 =	vadd.s32 $0x101, v15;
	v50 =	vadd.s32 $0x80, v36;
	v35 =	vadd.s32 $0x180, v62  }
0x11a: {  	v39 =	vld.idx.msk [tilespmem:v39+s2+$0x0], $0xffff;
	v33 =	vadd.s32 $0x180, v36;
	v36 =	vmul.f32 v2, v18;
	v29 =	vmul.f32 $9.999999770e-03, v29  }
0x11b: {  	v28 =	vld.idx.msk [tilespmem:v42+s2+$0x0], $0xffff;
	v42 =	vsub.f32 $1.000000000e+00, v19;
	v43 =	vmul.f32 v54, v43;
	v18 =	vmul.f32 v22, v18  }
0x11c: {  	v22 =	vmul.f32 v22, v34;
	v52 =	vsub.f32 $1.000000000e+00, v20;
	v13 =	vadd.f32 v29, v13;
	v29 =	vld.idx.msk [tilespmem:v63+s2+$0x0], $0xffff  }
0x11d: {  	v21 =	vsub.f32 v21, v31;
	v56 =	vmul.f32 v51, v42;
	v30 =	vmul.f32 v30, v18;
	v63 =	vld.idx.msk [tilespmem:v1+s2+$0x0], $0xffff  }
0x11e: {  	v40 =	vadd.s32 $0x181, v16;
	v62 =	vmul.f32 v51, v19;
	v51 =	vmul.f32 v53, v52;
	v24 =	vld.idx.msk [tilespmem:v35+s2+$0x0], $0xffff  }
0x11f: {  	v37 =	vmul.f32 v54, v37;
	v19 =	vmul.f32 v23, v19;
	v1 =	vsub.f32 $1.000000000e+00, v27;
	v35 =	vld.idx.msk [tilespmem:v0+s2+$0x0], $0xffff  }
0x120: {  	v23 =	vmul.f32 v23, v42;
	v54 =	vld.idx.msk [tilespmem:v55+s2+$0x0], $0xffff;
	v55 =	vadd.s32 $0x1, v16;
	v28 =	vmul.f32 v36, v28  }
0x121: {  	v48 =	vld.idx.msk [tilespmem:v48+s2+$0x0], $0xffff;
	v39 =	vmul.f32 v39, v62;
	v2 =	vmul.f32 v1, v21  }
0x122: {  	v33 =	vld.idx.msk [tilespmem:v33+s2+$0x0], $0xffff;
	v28 =	vadd.f32 v28, v43;
	v0 =	vmul.f32 v53, v20;
	v29 =	vmul.f32 v56, v29  }
0x123: {  	v40 =	vld.idx.msk [tilespmem:v40+s2+$0x0], $0xffff;
	v31 =	vmul.f32 v2, v63;
	v63 =	vadd.s32 $0x101, v14;
	v24 =	vmul.f32 v24, v36  }
0x124: {  	v50 =	vld.idx.msk [tilespmem:v50+s2+$0x0], $0xffff;
	v36 =	vsub.f32 $1.000000000e+00, v21;
	v35 =	vmul.f32 v62, v35;
	v62 =	vadd.s32 $0x181, v15  }
0x125: {  	v43 =	vld.idx.msk [tilespmem:v55+s2+$0x0], $0xffff;
	v49 =	vmul.f32 v0, v49;
	v38 =	vmul.f32 v41, v0;
	v0 =	vadd.s32 $0x181, v14  }
0x126: {  	v29 =	vadd.f32 v39, v29;
	v39 =	vld.idx.msk [tilespmem:v10+s2+$0x0], $0xffff;
	v53 =	vmul.f32 v1, v36;
	v1 =	vadd.s32 $0x101, v12  }
0x127: {  	v33 =	vmul.f32 v33, v2;
	v2 =	vadd.s32 $0x181, v12;
	v24 =	vadd.f32 v24, v37;
	v37 =	vld.idx.msk [tilespmem:v12+s2+$0x0], $0xffff  }
0x128: {  	v45 =	vmul.f32 v56, v45;
	v16 =	vadd.s32 $0x81, v16;
	v48 =	vmul.f32 v51, v48;
	v56 =	vld.idx.msk [tilespmem:v63+s2+$0x0], $0xffff  }
0x129: {  	v47 =	vmul.f32 v51, v47;
	v18 =	vmul.f32 v40, v18;
	v41 =	vld.idx.msk [tilespmem:v62+s2+$0x0], $0xffff;
	v62 =	vadd.s32 $0x1, v15  }
0x12a: {  	v28 =	vadd.f32 v30, v28;
	v38 =	vadd.f32 v38, v48;
	v63 =	vld.idx.msk [tilespmem:v0+s2+$0x0], $0xffff;
	v15 =	vadd.s32 $0x81, v15  }
0x12b: {  	v44 =	vadd.f32 v49, v47;
	v17 =	vmul.f32 v17, v39;
	v32 =	vld.idx.msk [tilespmem:v1+s2+$0x0], $0xffff;
	v1 =	vadd.s32 $0x1, v12  }
0x12c: {  	v21 =	vmul.f32 v27, v21;
	v27 =	vmul.f32 v27, v36;
	v0 =	vld.idx.msk [tilespmem:v2+s2+$0x0], $0xffff;
	v12 =	vadd.s32 $0x81, v12  }
0x12d: {  	v2 =	vld.idx.msk [tilespmem:v16+s2+$0x0], $0xffff;
	v16 =	vmul.f32 v25, v20;
	v26 =	vadd.f32 v26, v17;
	v17 =	vadd.s32 $0x1, v14  }
0x12e: {  	v20 =	vmul.f32 v54, v19;
	v14 =	vadd.s32 $0x81, v14;
	v19 =	vmul.f32 v41, v19;
	v51 =	vld.idx.msk [tilespmem:v62+s2+$0x0], $0xffff  }
0x12f: {  	v35 =	vadd.f32 v35, v45;
	v50 =	vmul.f32 v53, v50;
	v25 =	vmul.f32 v25, v52;
	v54 =	vld.idx.msk [tilespmem:v15+s2+$0x0], $0xffff  }
0x130: {  	v37 =	vmul.f32 v53, v37;
	v15 =	vadd.f32 v19, v29;
	v19 =	vadd.s32 $0x1, v10;
	v62 =	vld.idx.msk [tilespmem:v1+s2+$0x0], $0xffff  }
0x131: {  	v18 =	vadd.f32 v18, v24;
	v53 =	vmul.f32 v56, v16;
	v16 =	vmul.f32 v63, v16;
	v63 =	vld.idx.msk [tilespmem:v12+s2+$0x0], $0xffff  }
0x132: {  	v33 =	vadd.f32 v33, v50;
	v31 =	vadd.f32 v31, v37;
	v24 =	vmul.f32 v32, v21;
	v55 =	vld.idx.msk [tilespmem:v17+s2+$0x0], $0xffff  }
0x133: {  	v20 =	vadd.f32 v20, v35;
	v16 =	vadd.f32 v16, v38;
	v21 =	vmul.f32 v0, v21;
	v56 =	vld.idx.msk [tilespmem:v14+s2+$0x0], $0xffff  }
0x134: {  	v10 =	vadd.f32 v11, v26;
	v14 =	vadd.f32 v24, v31;
	v24 =	vmul.f32 v22, v43  }
0x135: {  	v17 =	vadd.f32 v53, v44;
	v22 =	vmul.f32 v22, v2;
	v26 =	vmul.f32 v23, v51;
	v11 =	vld.idx.msk [tilespmem:v19+s2+$0x0], $0xffff  }
0x136: {  	v12 =	vadd.f32 v21, v33;
	v23 =	vmul.f32 v23, v54;
	v21 =	vadd.f32 v28, v24  }
0x137: {  	[tilespmem:s10+$0x13DB0] =	vst v13;
	v19 =	vadd.f32 v20, v26;
	v13 =	vmul.f32 v27, v62;
	v20 =	vmul.f32 v27, v63  }
0x138: {  	s11 =	simm.s32 $0x0;
	s12 =	simm.s32 $0x140;
	v18 =	vadd.f32 v18, v22;
	v24 =	vmul.f32 v25, v55;
	v22 =	vmul.f32 v25, v56  }
.LBB2_4:
0x139: {  	s13 =	sshra.s32 s12, $0x2  }
0x13a: {  	v9 =	vmul.f32 v9, v11;
	v11 =	vld [tilespmem:s13+$0x7A60]  }
0x13b: {  	v21 =	vmul.f32 $9.999999770e-03, v21;
	v15 =	vadd.f32 v15, v23;
	v14 =	vadd.f32 v14, v13;
	v13 =	vld [tilespmem:s13+$0xA170]  }
0x13c: {  	v17 =	vadd.f32 v17, v24;
	v16 =	vadd.f32 v16, v22;
	v18 =	vmul.f32 $9.999999770e-03, v18;
	v0 =	vld [tilespmem:s13+$0x7A20]  }
0x13d: {  	v12 =	vadd.f32 v12, v20;
	v19 =	vmul.f32 $9.999999770e-03, v19;
	v20 =	vld [tilespmem:s13+$0x7A30];
	v9 =	vadd.f32 v10, v9  }
0x13e: {  	v15 =	vmul.f32 $9.999999770e-03, v15;
	v17 =	vmul.f32 $9.999999770e-03, v17;
	v10 =	vadd.f32 v21, v6  }
0x13f: {  	v16 =	vmul.f32 $9.999999770e-03, v16;
	v12 =	vmul.f32 $9.999999770e-03, v12;
	v7 =	vadd.f32 v18, v7  }
0x140: {  	v18 =	vld [tilespmem:s13+$0x7A40];
	v8 =	vadd.f32 v19, v8;
	v9 =	vmul.f32 $9.999999770e-03, v9;
	v21 =	vadd.f32 v15, v60;
	[tilespmem:s10+$0xEF50] =	vst v10  }
0x141: {  	v16 =	vadd.f32 v16, v5;
	v5 =	vld [tilespmem:s13+$0xA150];
	v10 =	vmul.f32 $9.999999770e-03, v14;
	v19 =	vmul.f32 $4.074366380e+01, v11;
	[tilespmem:s10+$0x13D70] =	vst v7  }
0x142: {  	v6 =	vadd.f32 v17, v61;
	v14 =	vld [tilespmem:s13+$0x7A50];
	v22 =	vmul.f32 $4.074366380e+01, v13;
	[tilespmem:s10+$0xEF60] =	vst v8;
	v15 =	vmul.f32 $4.074366380e+01, v0;
	v3 =	vmovc v20  }
0x143: {  	v9 =	vadd.f32 v9, v57;
	v7 =	vld [tilespmem:s13+$0xA140];
	[tilespmem:s10+$0x13D80] =	vst v21;
	v17 =	vmul.f32 $4.074366380e+01, v3;
	v62 =	vtrunc.f32 v19  }
0x144: {  	v1 =	vld [tilespmem:s13+$0xA130];
	[tilespmem:s10+$0xEF70] =	vst v6;
	v4 =	vadd.f32 v10, v59;
	v21 =	vtrunc.f32 v22;
	v10 =	vcvt.f32.s32 v62  }
0x145: {  	v6 =	vld [tilespmem:s13+$0xA160];
	[tilespmem:s10+$0xEF90] =	vst v9;
	v21 =	vcvt.f32.s32 v21;
	v8 =	vmov v18;
	v9 =	vtrunc.f32 v17  }
0x146: {  	v20 =	vmul.f32 $4.074366380e+01, v8;
	v26 =	vmul.f32 $4.074366380e+01, v5  }
0x147: {  	v12 =	vadd.f32 v12, v58;
	[tilespmem:s10+$0x13D90] =	vst v16;
	v30 =	vcvt.f32.s32 v9;
	v16 =	vmul.f32 $4.074366380e+01, v14  }
0x148: {  	v2 =	vmovc v11;
	v11 =	vshll.u32 v10, $0x8;
	v63 =	vmovc v14;
	v14 =	vtrunc.f32 v15;
	v10 =	vcvt.s32.f32 v10  }
0x149: {  	v18 =	vand.u32 $0x7, v21;
	v24 =	vmul.f32 $4.074366380e+01, v1;
	v23 =	vmul.f32 $4.074366380e+01, v7  }
0x14a: {  	v11 =	vadd.s32 v21, v11;
	v25 =	vmul.f32 $4.074366380e+01, v6;
	v28 =	vcvt.f32.s32 v14  }
0x14b: {  	[tilespmem:s10+$0x13DA0] =	vst v12;
	v21 =	vcvt.s32.f32 v21;
	v34 =	vtrunc.f32 v26;
	v12 =	vand.u32 $0xFFFFFFF8, v11  }
0x14c: {  	v14 =	vtrunc.f32 v16;
	v35 =	vadd.s32 $0x81, v11;
	v10 =	vsub.f32 v19, v10  }
0x14d: {  	[tilespmem:$0x1FFB0] =	vst v2;
	v2 =	vcvt.f32.s32 v34;
	v49 =	vadd.s32 $0x1, v11;
	v51 =	vadd.s32 $0x101, v11  }
0x14e: {  	v27 =	vor.u32 v18, v12;
	v12 =	vtrunc.f32 v20;
	v9 =	vtrunc.f32 v24  }
0x14f: {  	v32 =	vcvt.f32.s32 v14;
	v14 =	vshll.u32 v28, $0x8;
	v33 =	vtrunc.f32 v23  }
0x150: {  	v36 =	vtrunc.f32 v25;
	v19 =	vsub.f32 v22, v21;
	v28 =	vcvt.s32.f32 v28  }
0x151: {  	v18 =	vadd.s32 $0x80, v27;
	v29 =	vadd.s32 $0x180, v27;
	v31 =	vcvt.f32.s32 v12  }
0x152: {  	[tilespmem:$0x1FFC0] =	vst v1;
	v12 =	vadd.s32 $0x181, v11;
	v22 =	vcvt.f32.s32 v9;
	v1 =	vcvt.f32.s32 v33  }
0x153: {  	v9 =	vshll.u32 v30, $0x8;
	v37 =	vsub.f32 $1.000000000e+00, v10;
	v36 =	vcvt.f32.s32 v36  }
0x154: {  	v47 =	vand.u32 $0x7, v2;
	v30 =	vcvt.s32.f32 v30;
	v56 =	vadd.s32 $0x100, v27  }
0x155: {  	v33 =	vcvt.s32.f32 v2;
	v38 =	vsub.f32 $1.000000000e+00, v19;
	v40 =	vshll.u32 v32, $0x8  }
0x156: {  	v32 =	vcvt.s32.f32 v32;
	v28 =	vsub.f32 v15, v28;
	v39 =	vshll.u32 v31, $0x8  }
0x157: {  	v41 =	vadd.s32 v22, v14;
	v40 =	vadd.s32 v36, v40;
	v55 =	vand.u32 $0x7, v22  }
0x158: {  	v45 =	vand.u32 $0x7, v1;
	v48 =	vand.u32 $0x7, v36;
	v50 =	vcvt.s32.f32 v22  }
0x159: {  	v31 =	vcvt.s32.f32 v31;
	v36 =	vcvt.s32.f32 v36;
	v30 =	vsub.f32 v17, v30  }
0x15a: {  	v14 =	vmul.f32 v38, v10;
	v39 =	vadd.s32 v2, v39;
	v10 =	vmul.f32 v19, v10  }
0x15b: {  	v27 =	vld.idx.msk [tilespmem:v11+s2+$0x0], $0xffff;
	v42 =	vand.u32 $0xFFFFFFF8, v41;
	v46 =	vand.u32 $0xFFFFFFF8, v40;
	v32 =	vsub.f32 v16, v32  }
0x15c: {  	v35 =	vld.idx.msk [tilespmem:v35+s2+$0x0], $0xffff;
	v53 =	vadd.s32 $0x181, v40;
	v44 =	vand.u32 $0xFFFFFFF8, v39;
	v46 =	vor.u32 v48, v46  }
0x15d: {  	v15 =	vsub.f32 v24, v50;
	v54 =	vld.idx.msk [tilespmem:v12+s2+$0x0], $0xffff;
	v12 =	vmul.f32 v38, v37;
	v38 =	vadd.s32 v1, v9  }
0x15e: {  	v11 =	vld.idx.msk [tilespmem:v49+s2+$0x0], $0xffff;
	v31 =	vsub.f32 v20, v31;
	v20 =	vsub.f32 v26, v33;
	v52 =	vadd.s32 $0x100, v46  }
0x15f: {  	v16 =	vsub.f32 v25, v36;
	v18 =	vld.idx.msk [tilespmem:v18+s2+$0x0], $0xffff;
	v9 =	vmul.f32 v19, v37;
	v24 =	vadd.s32 $0x180, v46  }
0x160: {  	[tilespmem:s10+$0xEF80] =	vst v4;
	v21 =	vld.idx.msk [tilespmem:v29+s2+$0x0], $0xffff;
	v37 =	vor.u32 v55, v42;
	v2 =	vadd.s32 $0x80, v46;
	v46 =	vadd.s32 $0x101, v41  }
0x161: {  	v50 =	vadd.s32 $0x101, v40;
	v29 =	vcvt.s32.f32 v1;
	v59 =	vadd.s32 $0x80, v37;
	v22 =	vld.idx.msk [tilespmem:v40+s2+$0x0], $0xffff  }
0x162: {  	v58 =	vor.u32 v47, v44;
	v47 =	vsub.f32 $1.000000000e+00, v28;
	v60 =	vadd.s32 $0x100, v37;
	v19 =	vld.idx.msk [tilespmem:v38+s2+$0x0], $0xffff  }
0x163: {  	[tilespmem:$0x1FFE0] =	vst v0;
	v43 =	vand.u32 $0xFFFFFFF8, v38;
	v37 =	vadd.s32 $0x180, v37;
	v0 =	vadd.s32 $0x80, v58;
	v52 =	vld.idx.msk [tilespmem:v52+s2+$0x0], $0xffff  }
0x164: {  	v1 =	vadd.s32 $0x100, v58;
	v33 =	vadd.s32 $0x101, v38;
	v36 =	vadd.s32 $0x181, v38;
	v24 =	vld.idx.msk [tilespmem:v24+s2+$0x0], $0xffff  }
0x165: {  	v55 =	vsub.f32 $1.000000000e+00, v15;
	v57 =	vor.u32 v45, v43;
	v43 =	vadd.s32 $0x180, v58;
	v46 =	vld.idx.msk [tilespmem:v46+s2+$0x0], $0xffff  }
0x166: {  	v17 =	vsub.f32 v23, v29;
	v29 =	vadd.s32 $0x181, v41;
	v45 =	vadd.s32 $0x181, v39;
	v44 =	vld.idx.msk [tilespmem:v59+s2+$0x0], $0xffff  }
0x167: {  	v61 =	vadd.s32 $0x80, v57;
	v18 =	vmul.f32 v12, v18;
	v21 =	vmul.f32 v21, v14;
	v23 =	vld.idx.msk [tilespmem:v60+s2+$0x0], $0xffff  }
0x168: {  	v58 =	vsub.f32 $1.000000000e+00, v31;
	v35 =	vmul.f32 v9, v35;
	v62 =	vadd.s32 $0x100, v57;
	v26 =	vld.idx.msk [tilespmem:v37+s2+$0x0], $0xffff  }
0x169: {  	[tilespmem:$0x1FFD0] =	vst v63;
	v63 =	vadd.s32 $0x180, v57;
	v34 =	vmul.f32 v54, v10;
	v42 =	vld.idx.msk [tilespmem:v0+s2+$0x0], $0xffff;
	v21 =	vadd.f32 v21, v18  }
0x16a: {  	v4 =	vmul.f32 v55, v47;
	v55 =	vmul.f32 v55, v28;
	v57 =	vsub.f32 $1.000000000e+00, v17;
	v18 =	vld.idx.msk [tilespmem:v41+s2+$0x0], $0xffff  }
0x16b: {  	v54 =	vadd.s32 $0x1, v41;
	v12 =	vmul.f32 v12, v27;
	v49 =	vld.idx.msk [tilespmem:v1+s2+$0x0], $0xffff;
	v34 =	vadd.f32 v34, v21  }
0x16c: {  	v37 =	vadd.s32 $0x101, v39;
	v59 =	vadd.s32 $0x1, v38;
	v60 =	vsub.f32 $1.000000000e+00, v20;
	v25 =	vld.idx.msk [tilespmem:v61+s2+$0x0], $0xffff  }
0x16d: {  	v38 =	vadd.s32 $0x81, v38;
	v48 =	vld.idx.msk [tilespmem:v62+s2+$0x0], $0xffff;
	v34 =	vadd.f32 v34, v35;
	v23 =	vmul.f32 v55, v23  }
0x16e: {  	v35 =	vld.idx.msk [tilespmem:v56+s2+$0x0], $0xffff;
	v56 =	vsub.f32 $1.000000000e+00, v30;
	v44 =	vmul.f32 v4, v44;
	v26 =	vmul.f32 v26, v55  }
0x16f: {  	v33 =	vld.idx.msk [tilespmem:v33+s2+$0x0], $0xffff;
	v61 =	vsub.f32 $1.000000000e+00, v32;
	v4 =	vmul.f32 v4, v18;
	v34 =	vmul.f32 $9.999999770e-03, v34  }
0x170: {  	v0 =	vadd.s32 $0x1, v40;
	v21 =	vld.idx.msk [tilespmem:v39+s2+$0x0], $0xffff;
	v1 =	vmul.f32 v57, v56;
	v57 =	vmul.f32 v57, v30  }
0x171: {  	v55 =	vmul.f32 v17, v56;
	v56 =	vmul.f32 v16, v61;
	v34 =	vadd.f32 v34, v13;
	v13 =	vld.idx.msk [tilespmem:v51+s2+$0x0], $0xffff  }
0x172: {  	v41 =	vadd.s32 $0x81, v41;
	v51 =	vld.idx.msk [tilespmem:v2+s2+$0x0], $0xffff;
	v2 =	vmul.f32 v60, v58;
	v60 =	vmul.f32 v60, v31  }
0x173: {  	v29 =	vld.idx.msk [tilespmem:v29+s2+$0x0], $0xffff;
	v62 =	vadd.s32 $0x1, v39;
	v48 =	vmul.f32 v57, v48;
	v25 =	vmul.f32 v1, v25  }
0x174: {  	s10 =	smov.u32 s13;
	v26 =	vadd.f32 v26, v44;
	v44 =	vld.idx.msk [tilespmem:v45+s2+$0x0], $0xffff;
	v1 =	vmul.f32 v1, v19;
	v14 =	vmul.f32 v14, v35  }
0x175: {  	[tilespmem:s10+$0x13DB0] =	vst v34;
	v34 =	vld.idx.msk [tilespmem:v63+s2+$0x0], $0xffff;
	v63 =	vsub.f32 $1.000000000e+00, v16;
	v45 =	vmul.f32 v60, v49;
	v42 =	vmul.f32 v2, v42  }
0x176: {  	[tilespmem:$0x1FFF0] =	vst v3;
	v36 =	vld.idx.msk [tilespmem:v36+s2+$0x0], $0xffff;
	v39 =	vadd.s32 $0x81, v39;
	v2 =	vmul.f32 v2, v21;
	v21 =	vmul.f32 v15, v28  }
0x177: {  	v43 =	vld.idx.msk [tilespmem:v43+s2+$0x0], $0xffff;
	v1 =	vadd.f32 v48, v1;
	v3 =	vmul.f32 v63, v61;
	v63 =	vmul.f32 v63, v32  }
0x178: {  	v37 =	vld.idx.msk [tilespmem:v37+s2+$0x0], $0xffff;
	v2 =	vadd.f32 v45, v2;
	v45 =	vmul.f32 v16, v32;
	v48 =	vmul.f32 v46, v21  }
0x179: {  	v41 =	vld.idx.msk [tilespmem:v41+s2+$0x0], $0xffff;
	v35 =	vadd.f32 v14, v12;
	v12 =	vmul.f32 v29, v21;
	v10 =	vmul.f32 v13, v10  }
0x17a: {  	v4 =	vadd.f32 v23, v4;
	v23 =	vld.idx.msk [tilespmem:v59+s2+$0x0], $0xffff;
	v51 =	vmul.f32 v3, v51;
	v24 =	vmul.f32 v24, v63  }
0x17b: {  	v40 =	vadd.s32 $0x81, v40;
	v49 =	vmul.f32 v63, v52;
	v52 =	vld.idx.msk [tilespmem:v54+s2+$0x0], $0xffff;
	v34 =	vmul.f32 v34, v57  }
0x17c: {  	v3 =	vmul.f32 v3, v22;
	v22 =	vld.idx.msk [tilespmem:v38+s2+$0x0], $0xffff;
	v4 =	vadd.f32 v48, v4;
	v19 =	vadd.f32 v24, v51  }
0x17d: {  	v24 =	vmul.f32 v17, v30;
	v25 =	vadd.f32 v34, v25;
	v34 =	vmul.f32 v43, v60;
	v43 =	vld.idx.msk [tilespmem:v50+s2+$0x0], $0xffff  }
0x17e: {  	v13 =	vmul.f32 v15, v47;
	v26 =	vadd.f32 v12, v26;
	v10 =	vadd.f32 v10, v35;
	v50 =	vld.idx.msk [tilespmem:v53+s2+$0x0], $0xffff  }
0x17f: {  	v51 =	vld.idx.msk [tilespmem:v39+s2+$0x0], $0xffff;
	v21 =	vmul.f32 v36, v24;
	v18 =	vadd.f32 v34, v42;
	v42 =	vmul.f32 v20, v31  }
0x180: {  	v27 =	vld.idx.msk [tilespmem:v62+s2+$0x0], $0xffff;
	v3 =	vadd.f32 v49, v3;
	v14 =	vmul.f32 v33, v24;
	v20 =	vmul.f32 v20, v58  }
0x181: {  	s11 =	sadd.s32 $0x5, s11;
	v53 =	vld.idx.msk [tilespmem:v40+s2+$0x0], $0xffff;
	v15 =	vadd.f32 v21, v25;
	v21 =	vmul.f32 v13, v52;
	v24 =	vmul.f32 v37, v42  }
0x182: {  	p0 =	slt.u32 s11, $0x26C;
	v0 =	vld.idx.msk [tilespmem:v0+s2+$0x0], $0xffff;
	v1 =	vadd.f32 v14, v1;
	v12 =	vmul.f32 v44, v42;
	v54 =	vmul.f32 v43, v45  }
.Ltmp1:
0x183: {  	v59 =	vld [tilespmem:$0x1FFD0];
	v30 =	vmul.f32 v50, v45;
	v21 =	vadd.f32 v4, v21;
	v4 =	vmul.f32 v55, v23;
	(pc) =	sbr.rel @p0 .LBB2_4-.Ltmp1, $4  }
0x184: {  	v61 =	vmovc v8;
	v8 =	vld [tilespmem:$0x1FFF0];
	v23 =	vmul.f32 v55, v22;
	v22 =	vmul.f32 v20, v51;
	v17 =	vadd.f32 v24, v2  }
0x185: {  	v57 =	vld [tilespmem:$0x1FFB0];
	v16 =	vadd.f32 v12, v18;
	v14 =	vadd.f32 v54, v3;
	v3 =	vmul.f32 v13, v41  }
0x186: {  	v60 =	vmovc v7;
	v7 =	vld [tilespmem:$0x1FFC0];
	v24 =	vmul.f32 v20, v27;
	v20 =	vmul.f32 v56, v53;
	v12 =	vadd.f32 v30, v19  }
0x187: {  	s12 =	sadd.s32 $0x140, s12;
	v58 =	vmovc v6;
	v6 =	vld [tilespmem:$0x1FFE0];
	v19 =	vadd.f32 v1, v4;
	v13 =	vmul.f32 v56, v0;
	v18 =	vadd.f32 v26, v3  }
0x188: {  	_ = 	snop  }
0x189: {  	v1 =	vadd.f32 v15, v23;
	v3 =	vmul.f32 $9.999999770e-03, v18  }
0x18a: {  	v0 =	vmul.f32 $9.999999770e-03, v21;
	v2 =	vadd.f32 v17, v24;
	v4 =	vmul.f32 v9, v11  }
0x18b: {  	v1 =	vmul.f32 $9.999999770e-03, v1;
	v3 =	vadd.f32 v3, v7;
	v7 =	vadd.f32 v14, v13  }
0x18c: {  	v11 =	vadd.f32 v16, v22;
	v9 =	vmul.f32 $9.999999770e-03, v19;
	v0 =	vadd.f32 v0, v6  }
0x18d: {  	v1 =	vadd.f32 v1, v60;
	[tilespmem:s10+$0x13D70] =	vst v3;
	v3 =	vadd.f32 v10, v4;
	v4 =	vmul.f32 $9.999999770e-03, v7  }
0x18e: {  	v2 =	vmul.f32 $9.999999770e-03, v2;
	[tilespmem:s10+$0xEF50] =	vst v0;
	v0 =	vadd.f32 v9, v8;
	v8 =	vadd.f32 v12, v20  }
0x18f: {  	v9 =	vmul.f32 $9.999999770e-03, v11;
	[tilespmem:s10+$0x13D80] =	vst v1;
	v1 =	vmul.f32 $9.999999770e-03, v3;
	v3 =	vadd.f32 v4, v59  }
0x190: {  	[tilespmem:s10+$0xEF60] =	vst v0;
	v0 =	vadd.f32 v2, v61  }
0x191: {  	v2 =	vmul.f32 $9.999999770e-03, v8;
	v5 =	vadd.f32 v9, v5;
	[tilespmem:s10+$0xEF80] =	vst v3  }
0x192: {  	v1 =	vadd.f32 v1, v57;
	[tilespmem:s10+$0xEF70] =	vst v0  }
0x193: {  	v0 =	vadd.f32 v2, v58;
	[tilespmem:s10+$0x13D90] =	vst v5  }
0x194: {  	[tilespmem:s10+$0xEF90] =	vst v1  }
0x195: {  	[tilespmem:s10+$0x13DA0] =	vst v0  }
0x196: {  	s11 =	simm.s32 $0xEF50;
	s10 =	rddreg [dreg:$0xc]  }
0x197: {  	[hbm4b:s10+s2] =	stream.linear.scatter [tilespmem:s11], [sflag:$0x6], $0x2710, $0x38;
	[tilespmem:$0x16480] =	vst v63  }
0x198: {  	s15 =	simm.s32 $0x13D70;
	s14 =	rddreg [dreg:$0xd]  }
0x199: {  	[hbm4b:s14+s2] =	stream.linear.scatter [tilespmem:s15], [sflag:$0x8], $0x2710, $0x38;
	[tilespmem:$0x16480] =	vst v63  }
0x19a: {  	s12 =	simm.s32 $0x7A20;
	s11 =	rddreg [dreg:$0xe]  }
0x19b: {  	[tilespmem:s12], [sflag:$0x2] =	stream.linear.gather [hbm4b:s11+s2], $0x2710, $0x38;
	[tilespmem:$0x16480] =	vst v63  }
0x19c: {  	s13 =	rddreg [dreg:$0xf];
	s14 =	simm.s32 $0xA130  }
0x19d: {  	[tilespmem:s14], [sflag:$0x4] =	stream.linear.gather [hbm4b:s13+s2], $0x2710, $0x38;
	[tilespmem:$0x16480] =	vst v63  }
0x19e: {  	_ =	swait.ge [sflag:s31], $0x2710  }
0x19f: {  	[sflag:s31] =	ssyncset.done $0x0  }
0x1a0: {  	[sflag:s31] =	ssyncadd.s32 $0xFFFFD8F0  }
0x1a1: {  	_ =	swait.ge [sflag:s1], $0x2710  }
0x1a2: {  	[sflag:s1] =	ssyncset.done $0x0  }
0x1a3: {  	[sflag:s1] =	ssyncadd.s32 $0xFFFFD8F0  }
0x1a4: {  	_ =	swait.ge [sflag:s5], $0x2710  }
0x1a5: {  	[sflag:s5] =	ssyncset.done $0x0  }
0x1a6: {  	[sflag:s5] =	ssyncadd.s32 $0xFFFFD8F0  }
0x1a7: {  	_ =	swait.ge [sflag:s6], $0x2710  }
0x1a8: {  	[sflag:s6] =	ssyncset.done $0x0  }
0x1a9: {  	s15 =	simm.s32 $0x5350;
	[sflag:s6] =	ssyncadd.s32 $0xFFFFD8F0  }
0x1aa: {  	v8 =	vld [tilespmem:s15+$0xFFFFD8F0]  }
0x1ab: {  	v10 =	vld [tilespmem:s15+$0x0]  }
0x1ac: {  	v3 =	vld [tilespmem:s15+$0xFFFFD8C0]  }
0x1ad: {  	v0 =	vld [tilespmem:s15+$0xFFFFD8D0]  }
0x1ae: {  	v1 =	vld [tilespmem:s15+$0xFFFFD8E0]  }
0x1af: {  	v6 =	vld [tilespmem:s15+$0xFFFFD8B0]  }
0x1b0: {  	v4 =	vld [tilespmem:s15+$0xFFFFFFC0]  }
0x1b1: {  	v2 =	vld [tilespmem:s15+$0xFFFFFFD0]  }
0x1b2: {  	v7 =	vld [tilespmem:s15+$0xFFFFFFE0]  }
0x1b3: {  	v9 =	vmul.f32 $4.074366380e+01, v8  }
0x1b4: {  	v11 =	vmul.f32 $4.074366380e+01, v10;
	v12 =	vmul.f32 $4.074366380e+01, v3  }
0x1b5: {  	v15 =	vmul.f32 $4.074366380e+01, v0;
	v16 =	vmul.f32 $4.074366380e+01, v6  }
0x1b6: {  	v17 =	vmul.f32 $4.074366380e+01, v1;
	v19 =	vmul.f32 $4.074366380e+01, v4  }
0x1b7: {  	v21 =	vmul.f32 $4.074366380e+01, v2;
	v25 =	vmul.f32 $4.074366380e+01, v7  }
0x1b8: {  	v5 =	vtrunc.f32 v9;
	v14 =	vtrunc.f32 v11  }
0x1b9: {  	v20 =	vtrunc.f32 v12;
	v44 =	vtrunc.f32 v16  }
0x1ba: {  	v28 =	vtrunc.f32 v17;
	v30 =	vtrunc.f32 v19  }
0x1bb: {  	v34 =	vtrunc.f32 v21;
	v35 =	vtrunc.f32 v25  }
0x1bc: {  	v13 =	vcvt.f32.s32 v5;
	v14 =	vcvt.f32.s32 v14  }
0x1bd: {  	v24 =	vcvt.f32.s32 v44;
	v20 =	vcvt.f32.s32 v20  }
0x1be: {  	v28 =	vcvt.f32.s32 v28;
	v34 =	vcvt.f32.s32 v34  }
0x1bf: {  	v35 =	vcvt.f32.s32 v35;
	v18 =	vshll.u32 v13, $0x8;
	v23 =	vand.u32 $0x7, v14  }
0x1c0: {  	v13 =	vcvt.s32.f32 v13;
	v45 =	vshll.u32 v24, $0x8;
	v39 =	vshll.u32 v20, $0x8  }
0x1c1: {  	v42 =	vshll.u32 v28, $0x8;
	v51 =	vand.u32 $0x7, v34;
	v24 =	vcvt.s32.f32 v24  }
0x1c2: {  	v20 =	vcvt.s32.f32 v20;
	v54 =	vcvt.s32.f32 v35;
	v18 =	vadd.s32 v14, v18  }
0x1c3: {  	v5 =	vld [tilespmem:s15+$0xFFFFFFF0];
	v28 =	vcvt.s32.f32 v28;
	v14 =	vcvt.s32.f32 v14;
	v31 =	vadd.s32 $0x101, v18  }
0x1c4: {  	v39 =	vadd.s32 v34, v39;
	v22 =	vand.u32 $0xFFFFFFF8, v18;
	v32 =	vadd.s32 $0x181, v18  }
0x1c5: {  	v36 =	vadd.s32 $0x1, v18;
	v9 =	vsub.f32 v9, v13;
	v13 =	vadd.s32 $0x81, v18  }
0x1c6: {  	v49 =	vand.u32 $0xFFFFFFF8, v39;
	v16 =	vsub.f32 v16, v24;
	v22 =	vor.u32 v23, v22  }
0x1c7: {  	v12 =	vsub.f32 v12, v20;
	v23 =	vtrunc.f32 v15;
	v27 =	vadd.s32 $0x80, v22;
	v33 =	vld.idx.msk [tilespmem:v18+s2+$0x0], $0xffff  }
0x1c8: {  	v26 =	vmul.f32 $4.074366380e+01, v5;
	v11 =	vsub.f32 v11, v14;
	v29 =	vadd.s32 $0x100, v22;
	v31 =	vld.idx.msk [tilespmem:v31+s2+$0x0], $0xffff  }
0x1c9: {  	v23 =	vcvt.f32.s32 v23;
	v22 =	vadd.s32 $0x180, v22;
	v37 =	vsub.f32 $1.000000000e+00, v9;
	v32 =	vld.idx.msk [tilespmem:v32+s2+$0x0], $0xffff  }
0x1ca: {  	v46 =	vtrunc.f32 v26;
	v38 =	vsub.f32 $1.000000000e+00, v11;
	v18 =	vcvt.f32.s32 v30;
	v36 =	vld.idx.msk [tilespmem:v36+s2+$0x0], $0xffff  }
0x1cb: {  	v30 =	vcvt.f32.s32 v46;
	v40 =	vshll.u32 v23, $0x8;
	v23 =	vcvt.s32.f32 v23;
	v13 =	vld.idx.msk [tilespmem:v13+s2+$0x0], $0xffff  }
0x1cc: {  	v17 =	vsub.f32 v17, v28;
	v41 =	vmul.f32 v38, v37;
	v38 =	vmul.f32 v38, v9;
	v27 =	vld.idx.msk [tilespmem:v27+s2+$0x0], $0xffff  }
0x1cd: {  	v9 =	vmul.f32 v11, v9;
	v40 =	vadd.s32 v35, v40;
	v11 =	vmul.f32 v11, v37;
	v14 =	vld.idx.msk [tilespmem:v29+s2+$0x0], $0xffff  }
0x1ce: {  	v50 =	vand.u32 $0x7, v18;
	v52 =	vand.u32 $0x7, v30;
	v15 =	vsub.f32 v15, v23;
	v22 =	vld.idx.msk [tilespmem:v22+s2+$0x0], $0xffff  }
0x1cf: {  	v23 =	vsub.f32 v25, v54;
	v29 =	vadd.s32 v18, v45;
	v18 =	vcvt.s32.f32 v18  }
0x1d0: {  	v28 =	vadd.s32 $0x101, v40;
	v33 =	vmul.f32 v41, v33;
	v31 =	vmul.f32 v31, v9  }
0x1d1: {  	v47 =	vand.u32 $0xFFFFFFF8, v29;
	v9 =	vmul.f32 v32, v9;
	v48 =	vmul.f32 v11, v36  }
0x1d2: {  	v18 =	vsub.f32 v19, v18;
	v11 =	vmul.f32 v11, v13;
	v14 =	vmul.f32 v38, v14  }
0x1d3: {  	v19 =	vadd.s32 $0x101, v29;
	v27 =	vmul.f32 v41, v27;
	v22 =	vmul.f32 v22, v38  }
0x1d4: {  	v13 =	vand.u32 $0xFFFFFFF8, v40;
	v46 =	vsub.f32 $1.000000000e+00, v18;
	v14 =	vadd.f32 v14, v33  }
0x1d5: {  	v33 =	vadd.s32 v30, v42;
	v22 =	vadd.f32 v22, v27;
	v27 =	vor.u32 v50, v47  }
0x1d6: {  	v55 =	vadd.s32 $0x80, v27;
	v56 =	vadd.s32 $0x100, v27;
	v27 =	vadd.s32 $0x180, v27  }
0x1d7: {  	v32 =	vadd.s32 $0x101, v33;
	v47 =	vadd.s32 $0x181, v33;
	v14 =	vadd.f32 v31, v14  }
0x1d8: {  	v37 =	vld.idx.msk [tilespmem:v39+s2+$0x0], $0xffff;
	v9 =	vadd.f32 v9, v22;
	v22 =	vand.u32 $0xFFFFFFF8, v33;
	v31 =	vadd.s32 $0x181, v40  }
0x1d9: {  	v28 =	vld.idx.msk [tilespmem:v28+s2+$0x0], $0xffff;
	v22 =	vor.u32 v52, v22;
	v52 =	vsub.f32 $1.000000000e+00, v23;
	v14 =	vadd.f32 v14, v48  }
0x1da: {  	v42 =	vld.idx.msk [tilespmem:v40+s2+$0x0], $0xffff;
	v9 =	vadd.f32 v9, v11;
	v11 =	vand.u32 $0x7, v35;
	v43 =	vadd.s32 $0x80, v22  }
0x1db: {  	v19 =	vld.idx.msk [tilespmem:v19+s2+$0x0], $0xffff;
	v44 =	vadd.s32 $0x100, v22;
	v22 =	vadd.s32 $0x180, v22;
	v35 =	vsub.f32 $1.000000000e+00, v16  }
0x1dc: {  	v48 =	vadd.s32 $0x1, v29;
	v11 =	vor.u32 v11, v13;
	v13 =	vcvt.s32.f32 v30;
	v45 =	vld.idx.msk [tilespmem:v33+s2+$0x0], $0xffff  }
0x1dd: {  	v30 =	vadd.s32 $0x181, v29;
	v14 =	vmul.f32 $9.999999770e-03, v14;
	v53 =	vmul.f32 $9.999999770e-03, v9;
	v24 =	vld.idx.msk [tilespmem:v55+s2+$0x0], $0xffff  }
0x1de: {  	v58 =	vadd.s32 $0x80, v11;
	v59 =	vadd.s32 $0x100, v11;
	v11 =	vadd.s32 $0x180, v11;
	v20 =	vld.idx.msk [tilespmem:v56+s2+$0x0], $0xffff  }
0x1df: {  	v60 =	vld.idx.msk [tilespmem:v27+s2+$0x0], $0xffff;
	v27 =	vadd.s32 $0x181, v39;
	v54 =	vmul.f32 v46, v35;
	v46 =	vmul.f32 v46, v16  }
0x1e0: {  	v55 =	vsub.f32 $1.000000000e+00, v17;
	v32 =	vld.idx.msk [tilespmem:v32+s2+$0x0], $0xffff;
	v16 =	vmul.f32 v18, v16;
	v18 =	vmul.f32 v18, v35  }
0x1e1: {  	v47 =	vld.idx.msk [tilespmem:v47+s2+$0x0], $0xffff;
	v13 =	vsub.f32 v26, v13;
	v9 =	vadd.f32 v14, v8;
	v14 =	vcvt.s32.f32 v34  }
0x1e2: {  	v31 =	vld.idx.msk [tilespmem:v31+s2+$0x0], $0xffff;
	v8 =	vadd.f32 v53, v10;
	v10 =	vor.u32 v51, v49;
	v51 =	vsub.f32 $1.000000000e+00, v15  }
0x1e3: {  	v34 =	vld.idx.msk [tilespmem:v29+s2+$0x0], $0xffff;
	v49 =	vsub.f32 $1.000000000e+00, v12;
	v19 =	vmul.f32 v19, v16;
	v57 =	vadd.s32 $0x80, v10  }
0x1e4: {  	v36 =	vadd.s32 $0x100, v10;
	v62 =	vsub.f32 $1.000000000e+00, v13;
	v43 =	vld.idx.msk [tilespmem:v43+s2+$0x0], $0xffff;
	v63 =	vmul.f32 v52, v51  }
0x1e5: {  	v14 =	vsub.f32 v21, v14;
	v52 =	vmul.f32 v52, v15;
	v30 =	vld.idx.msk [tilespmem:v30+s2+$0x0], $0xffff;
	v15 =	vmul.f32 v23, v15  }
0x1e6: {  	v10 =	vadd.s32 $0x180, v10;
	v38 =	vld.idx.msk [tilespmem:v58+s2+$0x0], $0xffff;
	v20 =	vmul.f32 v46, v20;
	v25 =	vmul.f32 v60, v46  }
0x1e7: {  	v41 =	vld.idx.msk [tilespmem:v59+s2+$0x0], $0xffff;
	v60 =	vmul.f32 v62, v55;
	v24 =	vmul.f32 v54, v24;
	v50 =	vsub.f32 $1.000000000e+00, v14  }
0x1e8: {  	v29 =	vadd.s32 $0x81, v29;
	v11 =	vld.idx.msk [tilespmem:v11+s2+$0x0], $0xffff;
	v59 =	vmul.f32 v31, v15;
	v34 =	vmul.f32 v54, v34  }
0x1e9: {  	v53 =	vadd.s32 $0x1, v39;
	v22 =	vld.idx.msk [tilespmem:v22+s2+$0x0], $0xffff;
	v56 =	vmul.f32 v50, v49;
	v50 =	vmul.f32 v50, v12  }
0x1ea: {  	v21 =	vadd.s32 $0x101, v39;
	v61 =	vld.idx.msk [tilespmem:v57+s2+$0x0], $0xffff;
	v57 =	vmul.f32 v62, v17;
	v62 =	vmul.f32 v60, v43  }
0x1eb: {  	v39 =	vadd.s32 $0x81, v39;
	v36 =	vld.idx.msk [tilespmem:v36+s2+$0x0], $0xffff;
	v12 =	vmul.f32 v14, v12;
	v17 =	vmul.f32 v13, v17  }
0x1ec: {  	v46 =	vadd.s32 $0x1, v40;
	v10 =	vld.idx.msk [tilespmem:v10+s2+$0x0], $0xffff;
	v16 =	vmul.f32 v30, v16;
	v41 =	vmul.f32 v52, v41  }
0x1ed: {  	v44 =	vld.idx.msk [tilespmem:v44+s2+$0x0], $0xffff;
	v24 =	vadd.f32 v25, v24;
	v38 =	vmul.f32 v63, v38;
	v11 =	vmul.f32 v11, v52  }
0x1ee: {  	v27 =	vld.idx.msk [tilespmem:v27+s2+$0x0], $0xffff;
	v20 =	vadd.f32 v20, v34;
	v22 =	vmul.f32 v22, v57;
	v37 =	vmul.f32 v56, v37  }
0x1ef: {  	v40 =	vadd.s32 $0x81, v40;
	v54 =	vld.idx.msk [tilespmem:v48+s2+$0x0], $0xffff;
	v63 =	vmul.f32 v63, v42;
	v52 =	vmul.f32 v60, v45  }
0x1f0: {  	s10 =	simm.s32 $0xC860;
	v29 =	vld.idx.msk [tilespmem:v29+s2+$0x0], $0xffff;
	v19 =	vadd.f32 v19, v20;
	v20 =	vmul.f32 v28, v15;
	v24 =	vadd.f32 v16, v24  }
0x1f1: {  	s11 =	simm.s32 $0x11680;
	[tilespmem:s10+$0x20] =	vst v9;
	v21 =	vld.idx.msk [tilespmem:v21+s2+$0x0], $0xffff;
	v36 =	vmul.f32 v50, v36;
	v10 =	vmul.f32 v10, v50;
	v50 =	vadd.s32 $0x1, v33  }
0x1f2: {  	[tilespmem:s11+$0x20] =	vst v8;
	v58 =	vld.idx.msk [tilespmem:v39+s2+$0x0], $0xffff;
	v26 =	vmul.f32 v56, v61;
	v33 =	vadd.s32 $0x81, v33;
	v61 =	vmul.f32 v57, v44  }
0x1f3: {  	v60 =	vld.idx.msk [tilespmem:v46+s2+$0x0], $0xffff;
	v16 =	vmul.f32 v32, v17;
	v17 =	vmul.f32 v47, v17;
	v11 =	vadd.f32 v11, v38  }
0x1f4: {  	v22 =	vadd.f32 v22, v62;
	v62 =	vmul.f32 v14, v49;
	v56 =	vld.idx.msk [tilespmem:v53+s2+$0x0], $0xffff;
	v25 =	vadd.f32 v61, v52  }
0x1f5: {  	v38 =	vadd.f32 v41, v63;
	v63 =	vmul.f32 v23, v51;
	v14 =	vmul.f32 v13, v55;
	v61 =	vld.idx.msk [tilespmem:v40+s2+$0x0], $0xffff  }
0x1f6: {  	v13 =	vmul.f32 v18, v54;
	v9 =	vadd.f32 v59, v11;
	v11 =	vadd.f32 v16, v25;
	v16 =	vld.idx.msk [tilespmem:v50+s2+$0x0], $0xffff  }
0x1f7: {  	v18 =	vmul.f32 v18, v29;
	v15 =	vadd.f32 v20, v38;
	v8 =	vadd.f32 v17, v22;
	v17 =	vld.idx.msk [tilespmem:v33+s2+$0x0], $0xffff  }
0x1f8: {  	v21 =	vmul.f32 v21, v12;
	v20 =	vadd.f32 v19, v13;
	v36 =	vadd.f32 v36, v37  }
0x1f9: {  	v57 =	vmul.f32 v27, v12;
	v19 =	vadd.f32 v24, v18;
	v10 =	vadd.f32 v10, v26  }
0x1fa: {  	s12 =	simm.s32 $0xC860;
	v22 =	vmul.f32 v63, v60;
	v12 =	vadd.f32 v21, v36;
	v23 =	vmul.f32 v62, v56  }
0x1fb: {  	s14 =	simm.s32 $0x0;
	s13 =	simm.s32 $0x11680;
	s15 =	simm.s32 $0x53A0;
	v10 =	vadd.f32 v57, v10;
	v21 =	vmul.f32 v62, v58;
	v18 =	vmul.f32 v63, v61  }
.LBB2_6:
0x1fc: {  	v13 =	vld [tilespmem:s15+$0xFFFFD8F0];
	v12 =	vadd.f32 v12, v23;
	v16 =	vmul.f32 v14, v16;
	v17 =	vmul.f32 v14, v17  }
0x1fd: {  	v20 =	vmul.f32 $9.999999770e-03, v20;
	v10 =	vadd.f32 v10, v21;
	v14 =	vld [tilespmem:s15+$0x0];
	v15 =	vadd.f32 v15, v22  }
0x1fe: {  	s14 =	sadd.s32 $0x5, s14;
	v19 =	vmul.f32 $9.999999770e-03, v19;
	v9 =	vadd.f32 v9, v18;
	v21 =	vld [tilespmem:s15+$0xFFFFD8C0];
	v11 =	vadd.f32 v11, v16  }
0x1ff: {  	p0 =	slt.u32 s14, $0x26C;
	v12 =	vmul.f32 $9.999999770e-03, v12;
	v18 =	vmul.f32 $9.999999770e-03, v10;
	v10 =	vadd.f32 v8, v17;
	v16 =	vld [tilespmem:s15+$0xFFFFD8D0]  }
0x200: {  	v17 =	vadd.f32 v20, v6;
	v15 =	vmul.f32 $9.999999770e-03, v15;
	v20 =	vmul.f32 $9.999999770e-03, v9;
	v8 =	vld [tilespmem:s15+$0xFFFFD8E0]  }
0x201: {  	v19 =	vadd.f32 v19, v4;
	v9 =	vmul.f32 $9.999999770e-03, v11;
	v6 =	vld [tilespmem:s15+$0xFFFFD8B0];
	v26 =	vmul.f32 $4.074366380e+01, v13  }
0x202: {  	v11 =	vadd.f32 v12, v3;
	v10 =	vmul.f32 $9.999999770e-03, v10;
	v4 =	vld [tilespmem:s15+$0xFFFFFFC0];
	v27 =	vmul.f32 $4.074366380e+01, v14;
	[tilespmem:s10+$0xFFFFFFE0] =	vst v17  }
0x203: {  	v18 =	vadd.f32 v18, v2;
	v12 =	vmul.f32 $4.074366380e+01, v21;
	v17 =	vtrunc.f32 v26;
	[tilespmem:s11+$0xFFFFFFE0] =	vst v19;
	v2 =	vld [tilespmem:s15+$0xFFFFFFD0];
	v3 =	vmovc v21  }
0x204: {  	v22 =	vadd.f32 v15, v0;
	v19 =	vld [tilespmem:s15+$0xFFFFFFE0];
	v17 =	vcvt.f32.s32 v17;
	v21 =	vtrunc.f32 v27;
	[tilespmem:s10+$0xFFFFFFF0] =	vst v11;
	v0 =	vmovc v16  }
0x205: {  	v7 =	vadd.f32 v20, v7;
	v15 =	vmul.f32 $4.074366380e+01, v0;
	v11 =	vld [tilespmem:s15+$0xFFFFFFF0];
	v28 =	vcvt.f32.s32 v21;
	[tilespmem:s11+$0xFFFFFFF0] =	vst v18  }
0x206: {  	v16 =	vmul.f32 $4.074366380e+01, v8;
	v21 =	vmul.f32 $4.074366380e+01, v6;
	v18 =	vshll.u32 v17, $0x8;
	[tilespmem:s10+$0x0] =	vst v22  }
0x207: {  	v20 =	vtrunc.f32 v12;
	v25 =	vmul.f32 $4.074366380e+01, v4;
	v18 =	vadd.s32 v28, v18;
	[tilespmem:s11+$0x0] =	vst v7  }
0x208: {  	v24 =	vand.u32 $0x7, v28;
	v22 =	vmul.f32 $4.074366380e+01, v2;
	v31 =	vand.u32 $0xFFFFFFF8, v18  }
0x209: {  	v29 =	vtrunc.f32 v21;
	v23 =	vmul.f32 $4.074366380e+01, v19;
	v30 =	vor.u32 v24, v31;
	v7 =	vmovc v19  }
0x20a: {  	v19 =	vtrunc.f32 v15;
	v24 =	vmul.f32 $4.074366380e+01, v11;
	v31 =	vadd.s32 $0x80, v30  }
0x20b: {  	v32 =	vtrunc.f32 v16;
	v29 =	vcvt.f32.s32 v29;
	v33 =	vadd.s32 $0x100, v30  }
0x20c: {  	v34 =	vcvt.f32.s32 v20;
	v35 =	vcvt.f32.s32 v19;
	v19 =	vadd.s32 $0x180, v30  }
0x20d: {  	v20 =	vtrunc.f32 v25;
	v30 =	vcvt.f32.s32 v32;
	v32 =	vadd.s32 $0x101, v18  }
0x20e: {  	v17 =	vcvt.s32.f32 v17;
	v28 =	vcvt.s32.f32 v28;
	v37 =	vadd.s32 $0x181, v18;
	v36 =	vld.idx.msk [tilespmem:v18+s2+$0x0], $0xffff  }
0x20f: {  	v40 =	vadd.s32 $0x1, v18;
	v38 =	vtrunc.f32 v22;
	v39 =	vtrunc.f32 v23;
	v31 =	vld.idx.msk [tilespmem:v31+s2+$0x0], $0xffff  }
0x210: {  	v17 =	vsub.f32 v26, v17;
	v26 =	vsub.f32 v27, v28;
	v18 =	vadd.s32 $0x81, v18;
	v27 =	vld.idx.msk [tilespmem:v33+s2+$0x0], $0xffff  }
0x211: {  	v28 =	vcvt.f32.s32 v20;
	v20 =	vshll.u32 v29, $0x8;
	v33 =	vtrunc.f32 v24;
	v19 =	vld.idx.msk [tilespmem:v19+s2+$0x0], $0xffff  }
0x212: {  	v41 =	vsub.f32 $1.000000000e+00, v17;
	v38 =	vcvt.f32.s32 v38;
	v42 =	vsub.f32 $1.000000000e+00, v26;
	v32 =	vld.idx.msk [tilespmem:v32+s2+$0x0], $0xffff  }
0x213: {  	v43 =	vshll.u32 v34, $0x8;
	v39 =	vcvt.f32.s32 v39;
	v33 =	vcvt.f32.s32 v33;
	v37 =	vld.idx.msk [tilespmem:v37+s2+$0x0], $0xffff  }
0x214: {  	v44 =	vshll.u32 v35, $0x8;
	v45 =	vmul.f32 v42, v41;
	v42 =	vmul.f32 v42, v17;
	v40 =	vld.idx.msk [tilespmem:v40+s2+$0x0], $0xffff  }
0x215: {  	v46 =	vadd.s32 v28, v20;
	v20 =	vshll.u32 v30, $0x8;
	v17 =	vmul.f32 v26, v17;
	v47 =	vld.idx.msk [tilespmem:v18+s2+$0x0], $0xffff  }
0x216: {  	v43 =	vadd.s32 v38, v43;
	v18 =	vmul.f32 v45, v36;
	v27 =	vmul.f32 v42, v27  }
0x217: {  	v31 =	vmul.f32 v45, v31;
	v36 =	vadd.s32 v39, v44;
	v19 =	vmul.f32 v19, v42  }
0x218: {  	v26 =	vmul.f32 v26, v41;
	v27 =	vadd.f32 v27, v18;
	v32 =	vmul.f32 v32, v17  }
0x219: {  	v41 =	vadd.s32 v33, v20;
	v19 =	vadd.f32 v19, v31;
	v20 =	vmul.f32 v37, v17  }
0x21a: {  	v31 =	vand.u32 $0xFFFFFFF8, v46;
	v27 =	vadd.f32 v32, v27;
	v32 =	vmul.f32 v26, v40;
	v18 =	vld.idx.msk [tilespmem:v46+s2+$0x0], $0xffff  }
0x21b: {  	v37 =	vand.u32 $0xFFFFFFF8, v43;
	v20 =	vadd.f32 v20, v19;
	v26 =	vmul.f32 v26, v47;
	v17 =	vld.idx.msk [tilespmem:v43+s2+$0x0], $0xffff  }
0x21c: {  	v42 =	vand.u32 $0xFFFFFFF8, v41;
	v40 =	vand.u32 $0xFFFFFFF8, v36;
	v27 =	vadd.f32 v27, v32;
	v19 =	vld.idx.msk [tilespmem:v36+s2+$0x0], $0xffff  }
0x21d: {  	v44 =	vand.u32 $0x7, v38;
	v32 =	vand.u32 $0x7, v28;
	v26 =	vadd.f32 v20, v26  }
0x21e: {  	v45 =	vand.u32 $0x7, v39;
	v47 =	vand.u32 $0x7, v33;
	v27 =	vmul.f32 $9.999999770e-03, v27;
	v20 =	vld.idx.msk [tilespmem:v41+s2+$0x0], $0xffff  }
0x21f: {  	v29 =	vcvt.s32.f32 v29;
	v31 =	vor.u32 v32, v31;
	v26 =	vmul.f32 $9.999999770e-03, v26  }
0x220: {  	v28 =	vcvt.s32.f32 v28;
	v32 =	vcvt.s32.f32 v34;
	v13 =	vadd.f32 v27, v13  }
0x221: {  	s10 =	sadd.s32 $0x50, s10;
	v34 =	vcvt.s32.f32 v35;
	v27 =	vcvt.s32.f32 v38;
	v14 =	vadd.f32 v26, v14  }
0x222: {  	s11 =	sadd.s32 $0x50, s11;
	v30 =	vcvt.s32.f32 v30;
	v35 =	vcvt.s32.f32 v39;
	v26 =	vor.u32 v44, v37;
	[tilespmem:s10+$0x20] =	vst v13  }
0x223: {  	v33 =	vcvt.s32.f32 v33;
	v37 =	vor.u32 v47, v42;
	v13 =	vor.u32 v45, v40;
	[tilespmem:s11+$0x20] =	vst v14  }
0x224: {  	v38 =	vadd.s32 $0x100, v31;
	v14 =	vadd.s32 $0x80, v31;
	v31 =	vadd.s32 $0x180, v31  }
0x225: {  	v39 =	vadd.s32 $0x80, v26;
	v40 =	vadd.s32 $0x100, v26;
	v26 =	vadd.s32 $0x180, v26  }
0x226: {  	v42 =	vadd.s32 $0x80, v13;
	v44 =	vadd.s32 $0x100, v13;
	v45 =	vadd.s32 $0x180, v13  }
0x227: {  	v47 =	vadd.s32 $0x80, v37;
	v48 =	vadd.s32 $0x100, v37;
	v37 =	vadd.s32 $0x180, v37  }
0x228: {  	v21 =	vsub.f32 v21, v29;
	v13 =	vsub.f32 v25, v28;
	v25 =	vadd.s32 $0x101, v46  }
0x229: {  	v29 =	vadd.s32 $0x181, v46;
	v32 =	vsub.f32 v12, v32;
	v12 =	vsub.f32 v22, v27;
	v28 =	vld.idx.msk [tilespmem:v14+s2+$0x0], $0xffff  }
0x22a: {  	v34 =	vsub.f32 v15, v34;
	v27 =	vadd.s32 $0x101, v43;
	v14 =	vsub.f32 v23, v35;
	v22 =	vld.idx.msk [tilespmem:v38+s2+$0x0], $0xffff  }
0x22b: {  	v16 =	vsub.f32 v16, v30;
	v15 =	vsub.f32 v24, v33;
	v23 =	vld.idx.msk [tilespmem:v31+s2+$0x0], $0xffff;
	v31 =	vadd.s32 $0x181, v43  }
0x22c: {  	v30 =	vadd.s32 $0x101, v36;
	v33 =	vadd.s32 $0x181, v36;
	v35 =	vadd.s32 $0x101, v41;
	v24 =	vld.idx.msk [tilespmem:v39+s2+$0x0], $0xffff  }
0x22d: {  	v49 =	vadd.s32 $0x181, v41;
	v38 =	vsub.f32 $1.000000000e+00, v21;
	v39 =	vsub.f32 $1.000000000e+00, v13;
	v40 =	vld.idx.msk [tilespmem:v40+s2+$0x0], $0xffff  }
0x22e: {  	v50 =	vadd.s32 $0x1, v46;
	v51 =	vsub.f32 $1.000000000e+00, v32;
	v52 =	vsub.f32 $1.000000000e+00, v12;
	v26 =	vld.idx.msk [tilespmem:v26+s2+$0x0], $0xffff  }
0x22f: {  	v53 =	vsub.f32 $1.000000000e+00, v34;
	v46 =	vadd.s32 $0x81, v46;
	v54 =	vsub.f32 $1.000000000e+00, v14;
	v42 =	vld.idx.msk [tilespmem:v42+s2+$0x0], $0xffff  }
0x230: {  	v55 =	vadd.s32 $0x1, v43;
	v56 =	vsub.f32 $1.000000000e+00, v16;
	v57 =	vsub.f32 $1.000000000e+00, v15;
	v44 =	vld.idx.msk [tilespmem:v44+s2+$0x0], $0xffff  }
0x231: {  	v58 =	vadd.s32 $0x1, v36;
	v36 =	vadd.s32 $0x81, v36;
	v43 =	vadd.s32 $0x81, v43;
	v45 =	vld.idx.msk [tilespmem:v45+s2+$0x0], $0xffff  }
0x232: {  	v60 =	vadd.s32 $0x1, v41;
	v41 =	vadd.s32 $0x81, v41;
	v59 =	vmul.f32 v39, v38;
	v47 =	vld.idx.msk [tilespmem:v47+s2+$0x0], $0xffff  }
0x233: {  	v62 =	vadd.f32 v9, v1;
	v61 =	vmul.f32 v52, v51;
	v39 =	vmul.f32 v39, v21;
	v48 =	vld.idx.msk [tilespmem:v48+s2+$0x0], $0xffff  }
0x234: {  	v63 =	vadd.f32 v10, v5;
	v9 =	vmul.f32 v52, v32;
	v52 =	vmul.f32 v54, v53;
	v37 =	vld.idx.msk [tilespmem:v37+s2+$0x0], $0xffff  }
0x235: {  	v1 =	vmov v8;
	v10 =	vld.idx.msk [tilespmem:v25+s2+$0x0], $0xffff;
	v25 =	vmul.f32 v54, v34;
	v54 =	vmul.f32 v57, v56;
	[tilespmem:s12+$0x10] =	vst v62;
	s12 =	smov.u32 s10  }
0x236: {  	v5 =	vmov v11;
	v22 =	vmul.f32 v39, v22;
	v8 =	vld.idx.msk [tilespmem:v29+s2+$0x0], $0xffff;
	v29 =	vmul.f32 v57, v16;
	[tilespmem:s13+$0x10] =	vst v63;
	s13 =	smov.u32 s11  }
0x237: {  	v11 =	vmul.f32 v59, v28;
	v23 =	vmul.f32 v23, v39;
	v27 =	vld.idx.msk [tilespmem:v27+s2+$0x0], $0xffff  }
0x238: {  	v24 =	vmul.f32 v61, v24;
	v28 =	vld.idx.msk [tilespmem:v31+s2+$0x0], $0xffff;
	v31 =	vmul.f32 v9, v40  }
0x239: {  	v11 =	vadd.f32 v23, v11;
	v9 =	vmul.f32 v26, v9;
	v26 =	vmul.f32 v25, v44;
	v23 =	vld.idx.msk [tilespmem:v30+s2+$0x0], $0xffff  }
0x23a: {  	v25 =	vmul.f32 v45, v25;
	v30 =	vld.idx.msk [tilespmem:v33+s2+$0x0], $0xffff;
	v33 =	vmul.f32 v52, v42  }
0x23b: {  	v39 =	vmul.f32 v54, v47;
	v9 =	vadd.f32 v9, v24;
	v24 =	vld.idx.msk [tilespmem:v35+s2+$0x0], $0xffff;
	v35 =	vmul.f32 v29, v48  }
0x23c: {  	v18 =	vmul.f32 v59, v18;
	v29 =	vmul.f32 v37, v29;
	v25 =	vadd.f32 v25, v33;
	v33 =	vld.idx.msk [tilespmem:v49+s2+$0x0], $0xffff  }
0x23d: {  	v17 =	vmul.f32 v61, v17;
	v19 =	vmul.f32 v52, v19;
	v37 =	vld.idx.msk [tilespmem:v50+s2+$0x0], $0xffff  }
0x23e: {  	v21 =	vmul.f32 v13, v21;
	v18 =	vadd.f32 v22, v18;
	v20 =	vmul.f32 v54, v20;
	v40 =	vld.idx.msk [tilespmem:v46+s2+$0x0], $0xffff  }
0x23f: {  	v32 =	vmul.f32 v12, v32;
	v31 =	vadd.f32 v31, v17;
	v17 =	vmul.f32 v14, v34;
	v22 =	vld.idx.msk [tilespmem:v55+s2+$0x0], $0xffff  }
0x240: {  	v19 =	vadd.f32 v26, v19;
	v26 =	vmul.f32 v15, v16;
	v20 =	vadd.f32 v35, v20;
	v34 =	vld.idx.msk [tilespmem:v43+s2+$0x0], $0xffff  }
0x241: {  	v10 =	vmul.f32 v10, v21;
	v8 =	vmul.f32 v8, v21;
	v21 =	vadd.f32 v29, v39;
	v35 =	vld.idx.msk [tilespmem:v58+s2+$0x0], $0xffff  }
0x242: {  	v27 =	vmul.f32 v27, v32;
	v28 =	vmul.f32 v28, v32;
	v29 =	vld.idx.msk [tilespmem:v36+s2+$0x0], $0xffff  }
0x243: {  	v18 =	vadd.f32 v10, v18;
	v23 =	vmul.f32 v23, v17;
	v30 =	vmul.f32 v30, v17;
	v16 =	vld.idx.msk [tilespmem:v60+s2+$0x0], $0xffff  }
0x244: {  	v32 =	vadd.f32 v8, v11;
	v8 =	vmul.f32 v24, v26;
	v24 =	vmul.f32 v33, v26;
	v17 =	vld.idx.msk [tilespmem:v41+s2+$0x0], $0xffff  }
0x245: {  	v11 =	vmul.f32 v13, v38;
	v13 =	vmul.f32 v12, v51;
	v12 =	vadd.f32 v27, v31  }
.Ltmp2:
0x246: {  	v10 =	vadd.f32 v28, v9;
	v26 =	vmul.f32 v14, v53;
	v14 =	vmul.f32 v15, v56;
	(pc) =	sbr.rel @p0 .LBB2_6-.Ltmp2, $4  }
0x247: {  	v15 =	vadd.f32 v23, v19;
	v9 =	vadd.f32 v30, v25;
	v27 =	vmul.f32 v11, v37  }
0x248: {  	v19 =	vmul.f32 v11, v40;
	v11 =	vadd.f32 v8, v20;
	v8 =	vadd.f32 v24, v21  }
0x249: {  	v20 =	vadd.f32 v18, v27;
	v23 =	vmul.f32 v13, v22;
	v21 =	vmul.f32 v13, v34  }
0x24a: {  	s15 =	sadd.s32 $0x50, s15;
	v19 =	vadd.f32 v32, v19;
	v22 =	vmul.f32 v26, v35;
	v18 =	vmul.f32 v26, v29  }
0x24b: {  	v12 =	vadd.f32 v12, v23;
	v13 =	vmul.f32 v14, v16;
	v16 =	vmul.f32 $9.999999770e-03, v20  }
0x24c: {  	v14 =	vmul.f32 v14, v17;
	v10 =	vadd.f32 v10, v21;
	v17 =	vmul.f32 $9.999999770e-03, v19  }
0x24d: {  	v15 =	vadd.f32 v15, v22;
	v12 =	vmul.f32 $9.999999770e-03, v12;
	v6 =	vadd.f32 v16, v6  }
0x24e: {  	v9 =	vadd.f32 v9, v18;
	v10 =	vmul.f32 $9.999999770e-03, v10;
	v4 =	vadd.f32 v17, v4  }
0x24f: {  	v11 =	vadd.f32 v11, v13;
	v13 =	vmul.f32 $9.999999770e-03, v15;
	[tilespmem:s10+$0xFFFFFFE0] =	vst v6;
	v3 =	vadd.f32 v12, v3  }
0x250: {  	v6 =	vadd.f32 v8, v14;
	v8 =	vmul.f32 $9.999999770e-03, v9;
	v2 =	vadd.f32 v10, v2;
	[tilespmem:s11+$0xFFFFFFE0] =	vst v4  }
0x251: {  	v4 =	vmul.f32 $9.999999770e-03, v11;
	v0 =	vadd.f32 v13, v0;
	[tilespmem:s10+$0xFFFFFFF0] =	vst v3  }
0x252: {  	v3 =	vmul.f32 $9.999999770e-03, v6;
	v47 =	vadd.f32 v8, v7;
	[tilespmem:s11+$0xFFFFFFF0] =	vst v2  }
0x253: {  	[tilespmem:s10+$0x0] =	vst v0;
	v48 =	vadd.f32 v4, v1  }
0x254: {  	[tilespmem:s11+$0x0] =	vst v47;
	v49 =	vadd.f32 v3, v5  }
0x255: {  	[tilespmem:s12+$0x10] =	vst v48  }
0x256: {  	s15 =	simm.s32 $0x0;
	[tilespmem:s13+$0x10] =	vst v49  }
0x257: {  	[hbm4b:s16+s15] =	stream.linear.scatter [tilespmem:s0], [sflag:$0x5], $0x2710, $0x38;
	[tilespmem:$0x16480] =	vst v63  }
0x258: {  	_ = 	snop  }
0x259: {  	[hbm4b:s17+s15] =	stream.linear.scatter [tilespmem:s29], [sflag:$0x7], $0x2710, $0x38;
	[tilespmem:$0x16480] =	vst v63  }
0x25a: {  	_ = 	snop  }
0x25b: {  	[tilespmem:s26], [sflag:$0x1] =	stream.linear.gather [hbm4b:s18+s15], $0x2710, $0x38;
	[tilespmem:$0x16480] =	vst v63  }
0x25c: {  	_ = 	snop  }
0x25d: {  	[tilespmem:s28], [sflag:$0x3] =	stream.linear.gather [hbm4b:s19+s15], $0x2710, $0x38;
	[tilespmem:$0x16480] =	vst v63  }
0x25e: {  	_ =	swait.ge [sflag:s30], $0x2710  }
0x25f: {  	[sflag:s30] =	ssyncset.done $0x0  }
0x260: {  	[sflag:s30] =	ssyncadd.s32 $0xFFFFD8F0  }
0x261: {  	_ =	swait.ge [sflag:s4], $0x2710  }
0x262: {  	[sflag:s4] =	ssyncset.done $0x0  }
0x263: {  	[sflag:s4] =	ssyncadd.s32 $0xFFFFD8F0  }
0x264: {  	_ =	swait.ge [sflag:s7], $0x2710  }
0x265: {  	[sflag:s7] =	ssyncset.done $0x0  }
0x266: {  	[sflag:s7] =	ssyncadd.s32 $0xFFFFD8F0  }
0x267: {  	_ =	swait.ge [sflag:s8], $0x2710  }
0x268: {  	[sflag:s8] =	ssyncset.done $0x0  }
0x269: {  	s10 =	simm.s32 $0x0;
	[sflag:s8] =	ssyncadd.s32 $0xFFFFD8F0  }
0x26a: {  	v57 =	vld [tilespmem:s10+$0x7A60]  }
0x26b: {  	v13 =	vld [tilespmem:s10+$0xA170]  }
0x26c: {  	v6 =	vld [tilespmem:s10+$0x7A20]  }
0x26d: {  	v8 =	vld [tilespmem:s10+$0x7A30]  }
0x26e: {  	v61 =	vld [tilespmem:s10+$0x7A40]  }
0x26f: {  	v59 =	vld [tilespmem:s10+$0x7A50]  }
0x270: {  	v7 =	vld [tilespmem:s10+$0xA130]  }
0x271: {  	v60 =	vld [tilespmem:s10+$0xA140]  }
0x272: {  	v5 =	vld [tilespmem:s10+$0xA150]  }
0x273: {  	v58 =	vld [tilespmem:s10+$0xA160];
	v9 =	vmul.f32 $4.074366380e+01, v57  }
0x274: {  	v11 =	vmul.f32 $4.074366380e+01, v13;
	v18 =	vmul.f32 $4.074366380e+01, v6  }
0x275: {  	v19 =	vmul.f32 $4.074366380e+01, v8;
	v20 =	vmul.f32 $4.074366380e+01, v61  }
0x276: {  	v21 =	vmul.f32 $4.074366380e+01, v59;
	v22 =	vmul.f32 $4.074366380e+01, v7  }
0x277: {  	v23 =	vmul.f32 $4.074366380e+01, v60;
	v25 =	vmul.f32 $4.074366380e+01, v5  }
0x278: {  	v27 =	vmul.f32 $4.074366380e+01, v58;
	v50 =	vtrunc.f32 v9  }
0x279: {  	v10 =	vtrunc.f32 v11;
	v15 =	vtrunc.f32 v18  }
0x27a: {  	v24 =	vtrunc.f32 v19;
	v33 =	vtrunc.f32 v23  }
0x27b: {  	v34 =	vtrunc.f32 v25;
	v12 =	vcvt.f32.s32 v50  }
0x27c: {  	v14 =	vcvt.f32.s32 v10;
	v28 =	vcvt.f32.s32 v15  }
0x27d: {  	v15 =	vtrunc.f32 v21;
	v24 =	vcvt.f32.s32 v24  }
0x27e: {  	v33 =	vcvt.f32.s32 v33;
	v34 =	vcvt.f32.s32 v34  }
0x27f: {  	v31 =	vcvt.f32.s32 v15;
	v10 =	vshll.u32 v12, $0x8;
	v17 =	vand.u32 $0x7, v14  }
0x280: {  	v32 =	vshll.u32 v28, $0x8;
	v12 =	vcvt.s32.f32 v12;
	v54 =	vand.u32 $0x7, v33  }
0x281: {  	v45 =	vand.u32 $0x7, v34;
	v28 =	vcvt.s32.f32 v28;
	v10 =	vadd.s32 v14, v10  }
0x282: {  	v14 =	vcvt.s32.f32 v14;
	v42 =	vshll.u32 v31, $0x8;
	v31 =	vcvt.s32.f32 v31  }
0x283: {  	v16 =	vand.u32 $0xFFFFFFF8, v10;
	v15 =	vadd.s32 $0x181, v10;
	v35 =	vadd.s32 $0x81, v10  }
0x284: {  	v9 =	vsub.f32 v9, v12;
	v46 =	vadd.s32 $0x101, v10;
	v18 =	vsub.f32 v18, v28  }
0x285: {  	v26 =	vor.u32 v17, v16;
	v16 =	vtrunc.f32 v20;
	v37 =	vsub.f32 v11, v14  }
0x286: {  	v11 =	vshll.u32 v24, $0x8;
	v24 =	vcvt.s32.f32 v24;
	v17 =	vadd.s32 $0x80, v26  }
0x287: {  	v29 =	vadd.s32 $0x180, v26;
	v30 =	vcvt.f32.s32 v16;
	v16 =	vtrunc.f32 v22  }
0x288: {  	v39 =	vsub.f32 $1.000000000e+00, v9;
	v38 =	vcvt.f32.s32 v16;
	v12 =	vsub.f32 $1.000000000e+00, v37  }
0x289: {  	v26 =	vadd.s32 $0x100, v26;
	v19 =	vsub.f32 v19, v24;
	v14 =	vshll.u32 v30, $0x8  }
0x28a: {  	v30 =	vcvt.s32.f32 v30;
	v16 =	vadd.s32 v38, v32;
	v32 =	vmul.f32 v12, v9  }
0x28b: {  	v40 =	vld.idx.msk [tilespmem:v15+s2+$0x0], $0xffff;
	v15 =	vadd.s32 v33, v11;
	v14 =	vadd.s32 v34, v14;
	v11 =	vmul.f32 v37, v9  }
0x28c: {  	v9 =	vmul.f32 v37, v39;
	v53 =	vand.u32 $0x7, v38;
	v38 =	vcvt.s32.f32 v38  }
0x28d: {  	v33 =	vcvt.s32.f32 v33;
	v34 =	vcvt.s32.f32 v34;
	v51 =	vand.u32 $0xFFFFFFF8, v16  }
0x28e: {  	v43 =	vand.u32 $0xFFFFFFF8, v15;
	v44 =	vand.u32 $0xFFFFFFF8, v14;
	v20 =	vsub.f32 v20, v30  }
0x28f: {  	v30 =	vadd.s32 $0x101, v16;
	v36 =	vld.idx.msk [tilespmem:v17+s2+$0x0], $0xffff;
	v17 =	vtrunc.f32 v27;
	v62 =	vor.u32 v53, v51  }
0x290: {  	v29 =	vld.idx.msk [tilespmem:v29+s2+$0x0], $0xffff;
	v44 =	vor.u32 v45, v44;
	v22 =	vsub.f32 v22, v38;
	v23 =	vsub.f32 v23, v33  }
0x291: {  	v25 =	vsub.f32 v25, v34;
	v34 =	vsub.f32 $1.000000000e+00, v18;
	v41 =	vcvt.f32.s32 v17  }
0x292: {  	v35 =	vld.idx.msk [tilespmem:v35+s2+$0x0], $0xffff;
	v17 =	vmul.f32 v12, v39;
	v37 =	vadd.s32 $0x80, v62;
	v39 =	vor.u32 v54, v43  }
0x293: {  	v48 =	vadd.s32 $0x80, v44;
	v49 =	vadd.s32 $0x100, v44;
	v44 =	vadd.s32 $0x180, v44  }
0x294: {  	v46 =	vld.idx.msk [tilespmem:v46+s2+$0x0], $0xffff;
	v63 =	vadd.s32 $0x80, v39;
	v0 =	vadd.s32 $0x100, v39;
	v39 =	vadd.s32 $0x180, v39  }
0x295: {  	v26 =	vld.idx.msk [tilespmem:v26+s2+$0x0], $0xffff;
	v2 =	vsub.f32 $1.000000000e+00, v22;
	v36 =	vmul.f32 v17, v36;
	v29 =	vmul.f32 v29, v32  }
0x296: {  	v51 =	vsub.f32 $1.000000000e+00, v23;
	v53 =	vsub.f32 $1.000000000e+00, v25;
	v12 =	vadd.s32 v41, v42;
	v43 =	vld.idx.msk [tilespmem:v16+s2+$0x0], $0xffff  }
0x297: {  	v52 =	vmul.f32 v40, v11;
	v35 =	vmul.f32 v9, v35;
	v45 =	vld.idx.msk [tilespmem:v15+s2+$0x0], $0xffff;
	v29 =	vadd.f32 v29, v36  }
0x298: {  	v56 =	vand.u32 $0x7, v41;
	v42 =	vadd.s32 $0x100, v62;
	v41 =	vcvt.s32.f32 v41;
	v47 =	vld.idx.msk [tilespmem:v14+s2+$0x0], $0xffff  }
0x299: {  	v11 =	vmul.f32 v46, v11;
	v55 =	vand.u32 $0xFFFFFFF8, v12;
	v30 =	vld.idx.msk [tilespmem:v30+s2+$0x0], $0xffff;
	v29 =	vadd.f32 v52, v29  }
0x29a: {  	v54 =	vmul.f32 v2, v34;
	v27 =	vsub.f32 v27, v41;
	v37 =	vld.idx.msk [tilespmem:v37+s2+$0x0], $0xffff;
	v36 =	vor.u32 v56, v55  }
0x29b: {  	v26 =	vmul.f32 v32, v26;
	v49 =	vld.idx.msk [tilespmem:v49+s2+$0x0], $0xffff;
	v1 =	vadd.s32 $0x100, v36;
	v29 =	vadd.f32 v29, v35  }
0x29c: {  	v41 =	vld.idx.msk [tilespmem:v44+s2+$0x0], $0xffff;
	v55 =	vadd.s32 $0x101, v15;
	v50 =	vadd.s32 $0x80, v36;
	v35 =	vadd.s32 $0x180, v62  }
0x29d: {  	v39 =	vld.idx.msk [tilespmem:v39+s2+$0x0], $0xffff;
	v33 =	vadd.s32 $0x180, v36;
	v36 =	vmul.f32 v2, v18;
	v29 =	vmul.f32 $9.999999770e-03, v29  }
0x29e: {  	v28 =	vld.idx.msk [tilespmem:v42+s2+$0x0], $0xffff;
	v42 =	vsub.f32 $1.000000000e+00, v19;
	v43 =	vmul.f32 v54, v43;
	v18 =	vmul.f32 v22, v18  }
0x29f: {  	v22 =	vmul.f32 v22, v34;
	v52 =	vsub.f32 $1.000000000e+00, v20;
	v13 =	vadd.f32 v29, v13;
	v29 =	vld.idx.msk [tilespmem:v63+s2+$0x0], $0xffff  }
0x2a0: {  	v21 =	vsub.f32 v21, v31;
	v56 =	vmul.f32 v51, v42;
	v30 =	vmul.f32 v30, v18;
	v63 =	vld.idx.msk [tilespmem:v1+s2+$0x0], $0xffff  }
0x2a1: {  	v40 =	vadd.s32 $0x181, v16;
	v62 =	vmul.f32 v51, v19;
	v51 =	vmul.f32 v53, v52;
	v24 =	vld.idx.msk [tilespmem:v35+s2+$0x0], $0xffff  }
0x2a2: {  	v37 =	vmul.f32 v54, v37;
	v19 =	vmul.f32 v23, v19;
	v1 =	vsub.f32 $1.000000000e+00, v27;
	v35 =	vld.idx.msk [tilespmem:v0+s2+$0x0], $0xffff  }
0x2a3: {  	v23 =	vmul.f32 v23, v42;
	v54 =	vld.idx.msk [tilespmem:v55+s2+$0x0], $0xffff;
	v55 =	vadd.s32 $0x1, v16;
	v28 =	vmul.f32 v36, v28  }
0x2a4: {  	v48 =	vld.idx.msk [tilespmem:v48+s2+$0x0], $0xffff;
	v39 =	vmul.f32 v39, v62;
	v2 =	vmul.f32 v1, v21  }
0x2a5: {  	v33 =	vld.idx.msk [tilespmem:v33+s2+$0x0], $0xffff;
	v28 =	vadd.f32 v28, v43;
	v0 =	vmul.f32 v53, v20;
	v29 =	vmul.f32 v56, v29  }
0x2a6: {  	v40 =	vld.idx.msk [tilespmem:v40+s2+$0x0], $0xffff;
	v31 =	vmul.f32 v2, v63;
	v63 =	vadd.s32 $0x101, v14;
	v24 =	vmul.f32 v24, v36  }
0x2a7: {  	v50 =	vld.idx.msk [tilespmem:v50+s2+$0x0], $0xffff;
	v36 =	vsub.f32 $1.000000000e+00, v21;
	v35 =	vmul.f32 v62, v35;
	v62 =	vadd.s32 $0x181, v15  }
0x2a8: {  	v43 =	vld.idx.msk [tilespmem:v55+s2+$0x0], $0xffff;
	v49 =	vmul.f32 v0, v49;
	v38 =	vmul.f32 v41, v0;
	v0 =	vadd.s32 $0x181, v14  }
0x2a9: {  	v29 =	vadd.f32 v39, v29;
	v39 =	vld.idx.msk [tilespmem:v10+s2+$0x0], $0xffff;
	v53 =	vmul.f32 v1, v36;
	v1 =	vadd.s32 $0x101, v12  }
0x2aa: {  	v33 =	vmul.f32 v33, v2;
	v2 =	vadd.s32 $0x181, v12;
	v24 =	vadd.f32 v24, v37;
	v37 =	vld.idx.msk [tilespmem:v12+s2+$0x0], $0xffff  }
0x2ab: {  	v45 =	vmul.f32 v56, v45;
	v16 =	vadd.s32 $0x81, v16;
	v48 =	vmul.f32 v51, v48;
	v56 =	vld.idx.msk [tilespmem:v63+s2+$0x0], $0xffff  }
0x2ac: {  	v47 =	vmul.f32 v51, v47;
	v18 =	vmul.f32 v40, v18;
	v41 =	vld.idx.msk [tilespmem:v62+s2+$0x0], $0xffff;
	v62 =	vadd.s32 $0x1, v15  }
0x2ad: {  	v28 =	vadd.f32 v30, v28;
	v38 =	vadd.f32 v38, v48;
	v63 =	vld.idx.msk [tilespmem:v0+s2+$0x0], $0xffff;
	v15 =	vadd.s32 $0x81, v15  }
0x2ae: {  	v44 =	vadd.f32 v49, v47;
	v17 =	vmul.f32 v17, v39;
	v32 =	vld.idx.msk [tilespmem:v1+s2+$0x0], $0xffff;
	v1 =	vadd.s32 $0x1, v12  }
0x2af: {  	v21 =	vmul.f32 v27, v21;
	v27 =	vmul.f32 v27, v36;
	v0 =	vld.idx.msk [tilespmem:v2+s2+$0x0], $0xffff;
	v12 =	vadd.s32 $0x81, v12  }
0x2b0: {  	v2 =	vld.idx.msk [tilespmem:v16+s2+$0x0], $0xffff;
	v16 =	vmul.f32 v25, v20;
	v26 =	vadd.f32 v26, v17;
	v17 =	vadd.s32 $0x1, v14  }
0x2b1: {  	v20 =	vmul.f32 v54, v19;
	v14 =	vadd.s32 $0x81, v14;
	v19 =	vmul.f32 v41, v19;
	v51 =	vld.idx.msk [tilespmem:v62+s2+$0x0], $0xffff  }
0x2b2: {  	v35 =	vadd.f32 v35, v45;
	v50 =	vmul.f32 v53, v50;
	v25 =	vmul.f32 v25, v52;
	v54 =	vld.idx.msk [tilespmem:v15+s2+$0x0], $0xffff  }
0x2b3: {  	v37 =	vmul.f32 v53, v37;
	v15 =	vadd.f32 v19, v29;
	v19 =	vadd.s32 $0x1, v10;
	v62 =	vld.idx.msk [tilespmem:v1+s2+$0x0], $0xffff  }
0x2b4: {  	v18 =	vadd.f32 v18, v24;
	v53 =	vmul.f32 v56, v16;
	v16 =	vmul.f32 v63, v16;
	v63 =	vld.idx.msk [tilespmem:v12+s2+$0x0], $0xffff  }
0x2b5: {  	v33 =	vadd.f32 v33, v50;
	v31 =	vadd.f32 v31, v37;
	v24 =	vmul.f32 v32, v21;
	v55 =	vld.idx.msk [tilespmem:v17+s2+$0x0], $0xffff  }
0x2b6: {  	v20 =	vadd.f32 v20, v35;
	v16 =	vadd.f32 v16, v38;
	v21 =	vmul.f32 v0, v21;
	v56 =	vld.idx.msk [tilespmem:v14+s2+$0x0], $0xffff  }
0x2b7: {  	v10 =	vadd.f32 v11, v26;
	v14 =	vadd.f32 v24, v31;
	v24 =	vmul.f32 v22, v43  }
0x2b8: {  	v17 =	vadd.f32 v53, v44;
	v22 =	vmul.f32 v22, v2;
	v26 =	vmul.f32 v23, v51;
	v11 =	vld.idx.msk [tilespmem:v19+s2+$0x0], $0xffff  }
0x2b9: {  	v12 =	vadd.f32 v21, v33;
	v23 =	vmul.f32 v23, v54;
	v21 =	vadd.f32 v28, v24  }
0x2ba: {  	[tilespmem:s10+$0x13DB0] =	vst v13;
	v19 =	vadd.f32 v20, v26;
	v13 =	vmul.f32 v27, v62;
	v20 =	vmul.f32 v27, v63  }
0x2bb: {  	s11 =	simm.s32 $0x0;
	s12 =	simm.s32 $0x140;
	v18 =	vadd.f32 v18, v22;
	v24 =	vmul.f32 v25, v55;
	v22 =	vmul.f32 v25, v56  }
.LBB2_8:
0x2bc: {  	s13 =	sshra.s32 s12, $0x2  }
0x2bd: {  	v9 =	vmul.f32 v9, v11;
	v11 =	vld [tilespmem:s13+$0x7A60]  }
0x2be: {  	v21 =	vmul.f32 $9.999999770e-03, v21;
	v15 =	vadd.f32 v15, v23;
	v14 =	vadd.f32 v14, v13;
	v13 =	vld [tilespmem:s13+$0xA170]  }
0x2bf: {  	v17 =	vadd.f32 v17, v24;
	v16 =	vadd.f32 v16, v22;
	v18 =	vmul.f32 $9.999999770e-03, v18;
	v0 =	vld [tilespmem:s13+$0x7A20]  }
0x2c0: {  	v12 =	vadd.f32 v12, v20;
	v19 =	vmul.f32 $9.999999770e-03, v19;
	v20 =	vld [tilespmem:s13+$0x7A30];
	v9 =	vadd.f32 v10, v9  }
0x2c1: {  	v15 =	vmul.f32 $9.999999770e-03, v15;
	v17 =	vmul.f32 $9.999999770e-03, v17;
	v10 =	vadd.f32 v21, v6  }
0x2c2: {  	v16 =	vmul.f32 $9.999999770e-03, v16;
	v12 =	vmul.f32 $9.999999770e-03, v12;
	v7 =	vadd.f32 v18, v7  }
0x2c3: {  	v18 =	vld [tilespmem:s13+$0x7A40];
	v8 =	vadd.f32 v19, v8;
	v9 =	vmul.f32 $9.999999770e-03, v9;
	v21 =	vadd.f32 v15, v60;
	[tilespmem:s10+$0xEF50] =	vst v10  }
0x2c4: {  	v16 =	vadd.f32 v16, v5;
	v5 =	vld [tilespmem:s13+$0xA150];
	v10 =	vmul.f32 $9.999999770e-03, v14;
	v19 =	vmul.f32 $4.074366380e+01, v11;
	[tilespmem:s10+$0x13D70] =	vst v7  }
0x2c5: {  	v6 =	vadd.f32 v17, v61;
	v14 =	vld [tilespmem:s13+$0x7A50];
	v22 =	vmul.f32 $4.074366380e+01, v13;
	[tilespmem:s10+$0xEF60] =	vst v8;
	v15 =	vmul.f32 $4.074366380e+01, v0;
	v3 =	vmovc v20  }
0x2c6: {  	v9 =	vadd.f32 v9, v57;
	v7 =	vld [tilespmem:s13+$0xA140];
	[tilespmem:s10+$0x13D80] =	vst v21;
	v17 =	vmul.f32 $4.074366380e+01, v3;
	v62 =	vtrunc.f32 v19  }
0x2c7: {  	v1 =	vld [tilespmem:s13+$0xA130];
	[tilespmem:s10+$0xEF70] =	vst v6;
	v4 =	vadd.f32 v10, v59;
	v21 =	vtrunc.f32 v22;
	v10 =	vcvt.f32.s32 v62  }
0x2c8: {  	v6 =	vld [tilespmem:s13+$0xA160];
	[tilespmem:s10+$0xEF90] =	vst v9;
	v21 =	vcvt.f32.s32 v21;
	v8 =	vmov v18;
	v9 =	vtrunc.f32 v17  }
0x2c9: {  	v20 =	vmul.f32 $4.074366380e+01, v8;
	v26 =	vmul.f32 $4.074366380e+01, v5  }
0x2ca: {  	v12 =	vadd.f32 v12, v58;
	[tilespmem:s10+$0x13D90] =	vst v16;
	v30 =	vcvt.f32.s32 v9;
	v16 =	vmul.f32 $4.074366380e+01, v14  }
0x2cb: {  	v2 =	vmovc v11;
	v11 =	vshll.u32 v10, $0x8;
	v63 =	vmovc v14;
	v14 =	vtrunc.f32 v15;
	v10 =	vcvt.s32.f32 v10  }
0x2cc: {  	v18 =	vand.u32 $0x7, v21;
	v24 =	vmul.f32 $4.074366380e+01, v1;
	v23 =	vmul.f32 $4.074366380e+01, v7  }
0x2cd: {  	v11 =	vadd.s32 v21, v11;
	v25 =	vmul.f32 $4.074366380e+01, v6;
	v28 =	vcvt.f32.s32 v14  }
0x2ce: {  	[tilespmem:s10+$0x13DA0] =	vst v12;
	v21 =	vcvt.s32.f32 v21;
	v34 =	vtrunc.f32 v26;
	v12 =	vand.u32 $0xFFFFFFF8, v11  }
0x2cf: {  	v14 =	vtrunc.f32 v16;
	v35 =	vadd.s32 $0x81, v11;
	v10 =	vsub.f32 v19, v10  }
0x2d0: {  	[tilespmem:$0x1FF60] =	vst v2;
	v2 =	vcvt.f32.s32 v34;
	v49 =	vadd.s32 $0x1, v11;
	v51 =	vadd.s32 $0x101, v11  }
0x2d1: {  	v27 =	vor.u32 v18, v12;
	v12 =	vtrunc.f32 v20;
	v9 =	vtrunc.f32 v24  }
0x2d2: {  	v32 =	vcvt.f32.s32 v14;
	v14 =	vshll.u32 v28, $0x8;
	v33 =	vtrunc.f32 v23  }
0x2d3: {  	v36 =	vtrunc.f32 v25;
	v19 =	vsub.f32 v22, v21;
	v28 =	vcvt.s32.f32 v28  }
0x2d4: {  	v18 =	vadd.s32 $0x80, v27;
	v29 =	vadd.s32 $0x180, v27;
	v31 =	vcvt.f32.s32 v12  }
0x2d5: {  	[tilespmem:$0x1FF70] =	vst v1;
	v12 =	vadd.s32 $0x181, v11;
	v22 =	vcvt.f32.s32 v9;
	v1 =	vcvt.f32.s32 v33  }
0x2d6: {  	v9 =	vshll.u32 v30, $0x8;
	v37 =	vsub.f32 $1.000000000e+00, v10;
	v36 =	vcvt.f32.s32 v36  }
0x2d7: {  	v47 =	vand.u32 $0x7, v2;
	v30 =	vcvt.s32.f32 v30;
	v56 =	vadd.s32 $0x100, v27  }
0x2d8: {  	v33 =	vcvt.s32.f32 v2;
	v38 =	vsub.f32 $1.000000000e+00, v19;
	v40 =	vshll.u32 v32, $0x8  }
0x2d9: {  	v32 =	vcvt.s32.f32 v32;
	v28 =	vsub.f32 v15, v28;
	v39 =	vshll.u32 v31, $0x8  }
0x2da: {  	v41 =	vadd.s32 v22, v14;
	v40 =	vadd.s32 v36, v40;
	v55 =	vand.u32 $0x7, v22  }
0x2db: {  	v45 =	vand.u32 $0x7, v1;
	v48 =	vand.u32 $0x7, v36;
	v50 =	vcvt.s32.f32 v22  }
0x2dc: {  	v31 =	vcvt.s32.f32 v31;
	v36 =	vcvt.s32.f32 v36;
	v30 =	vsub.f32 v17, v30  }
0x2dd: {  	v14 =	vmul.f32 v38, v10;
	v39 =	vadd.s32 v2, v39;
	v10 =	vmul.f32 v19, v10  }
0x2de: {  	v27 =	vld.idx.msk [tilespmem:v11+s2+$0x0], $0xffff;
	v42 =	vand.u32 $0xFFFFFFF8, v41;
	v46 =	vand.u32 $0xFFFFFFF8, v40;
	v32 =	vsub.f32 v16, v32  }
0x2df: {  	v35 =	vld.idx.msk [tilespmem:v35+s2+$0x0], $0xffff;
	v53 =	vadd.s32 $0x181, v40;
	v44 =	vand.u32 $0xFFFFFFF8, v39;
	v46 =	vor.u32 v48, v46  }
0x2e0: {  	v15 =	vsub.f32 v24, v50;
	v54 =	vld.idx.msk [tilespmem:v12+s2+$0x0], $0xffff;
	v12 =	vmul.f32 v38, v37;
	v38 =	vadd.s32 v1, v9  }
0x2e1: {  	v11 =	vld.idx.msk [tilespmem:v49+s2+$0x0], $0xffff;
	v31 =	vsub.f32 v20, v31;
	v20 =	vsub.f32 v26, v33;
	v52 =	vadd.s32 $0x100, v46  }
0x2e2: {  	v16 =	vsub.f32 v25, v36;
	v18 =	vld.idx.msk [tilespmem:v18+s2+$0x0], $0xffff;
	v9 =	vmul.f32 v19, v37;
	v24 =	vadd.s32 $0x180, v46  }
0x2e3: {  	[tilespmem:s10+$0xEF80] =	vst v4;
	v21 =	vld.idx.msk [tilespmem:v29+s2+$0x0], $0xffff;
	v37 =	vor.u32 v55, v42;
	v2 =	vadd.s32 $0x80, v46;
	v46 =	vadd.s32 $0x101, v41  }
0x2e4: {  	v50 =	vadd.s32 $0x101, v40;
	v29 =	vcvt.s32.f32 v1;
	v59 =	vadd.s32 $0x80, v37;
	v22 =	vld.idx.msk [tilespmem:v40+s2+$0x0], $0xffff  }
0x2e5: {  	v58 =	vor.u32 v47, v44;
	v47 =	vsub.f32 $1.000000000e+00, v28;
	v60 =	vadd.s32 $0x100, v37;
	v19 =	vld.idx.msk [tilespmem:v38+s2+$0x0], $0xffff  }
0x2e6: {  	[tilespmem:$0x1FF90] =	vst v0;
	v43 =	vand.u32 $0xFFFFFFF8, v38;
	v37 =	vadd.s32 $0x180, v37;
	v0 =	vadd.s32 $0x80, v58;
	v52 =	vld.idx.msk [tilespmem:v52+s2+$0x0], $0xffff  }
0x2e7: {  	v1 =	vadd.s32 $0x100, v58;
	v33 =	vadd.s32 $0x101, v38;
	v36 =	vadd.s32 $0x181, v38;
	v24 =	vld.idx.msk [tilespmem:v24+s2+$0x0], $0xffff  }
0x2e8: {  	v55 =	vsub.f32 $1.000000000e+00, v15;
	v57 =	vor.u32 v45, v43;
	v43 =	vadd.s32 $0x180, v58;
	v46 =	vld.idx.msk [tilespmem:v46+s2+$0x0], $0xffff  }
0x2e9: {  	v17 =	vsub.f32 v23, v29;
	v29 =	vadd.s32 $0x181, v41;
	v45 =	vadd.s32 $0x181, v39;
	v44 =	vld.idx.msk [tilespmem:v59+s2+$0x0], $0xffff  }
0x2ea: {  	v61 =	vadd.s32 $0x80, v57;
	v18 =	vmul.f32 v12, v18;
	v21 =	vmul.f32 v21, v14;
	v23 =	vld.idx.msk [tilespmem:v60+s2+$0x0], $0xffff  }
0x2eb: {  	v58 =	vsub.f32 $1.000000000e+00, v31;
	v35 =	vmul.f32 v9, v35;
	v62 =	vadd.s32 $0x100, v57;
	v26 =	vld.idx.msk [tilespmem:v37+s2+$0x0], $0xffff  }
0x2ec: {  	[tilespmem:$0x1FF80] =	vst v63;
	v63 =	vadd.s32 $0x180, v57;
	v34 =	vmul.f32 v54, v10;
	v42 =	vld.idx.msk [tilespmem:v0+s2+$0x0], $0xffff;
	v21 =	vadd.f32 v21, v18  }
0x2ed: {  	v4 =	vmul.f32 v55, v47;
	v55 =	vmul.f32 v55, v28;
	v57 =	vsub.f32 $1.000000000e+00, v17;
	v18 =	vld.idx.msk [tilespmem:v41+s2+$0x0], $0xffff  }
0x2ee: {  	v54 =	vadd.s32 $0x1, v41;
	v12 =	vmul.f32 v12, v27;
	v49 =	vld.idx.msk [tilespmem:v1+s2+$0x0], $0xffff;
	v34 =	vadd.f32 v34, v21  }
0x2ef: {  	v37 =	vadd.s32 $0x101, v39;
	v59 =	vadd.s32 $0x1, v38;
	v60 =	vsub.f32 $1.000000000e+00, v20;
	v25 =	vld.idx.msk [tilespmem:v61+s2+$0x0], $0xffff  }
0x2f0: {  	v38 =	vadd.s32 $0x81, v38;
	v48 =	vld.idx.msk [tilespmem:v62+s2+$0x0], $0xffff;
	v34 =	vadd.f32 v34, v35;
	v23 =	vmul.f32 v55, v23  }
0x2f1: {  	v35 =	vld.idx.msk [tilespmem:v56+s2+$0x0], $0xffff;
	v56 =	vsub.f32 $1.000000000e+00, v30;
	v44 =	vmul.f32 v4, v44;
	v26 =	vmul.f32 v26, v55  }
0x2f2: {  	v33 =	vld.idx.msk [tilespmem:v33+s2+$0x0], $0xffff;
	v61 =	vsub.f32 $1.000000000e+00, v32;
	v4 =	vmul.f32 v4, v18;
	v34 =	vmul.f32 $9.999999770e-03, v34  }
0x2f3: {  	v0 =	vadd.s32 $0x1, v40;
	v21 =	vld.idx.msk [tilespmem:v39+s2+$0x0], $0xffff;
	v1 =	vmul.f32 v57, v56;
	v57 =	vmul.f32 v57, v30  }
0x2f4: {  	v55 =	vmul.f32 v17, v56;
	v56 =	vmul.f32 v16, v61;
	v34 =	vadd.f32 v34, v13;
	v13 =	vld.idx.msk [tilespmem:v51+s2+$0x0], $0xffff  }
0x2f5: {  	v41 =	vadd.s32 $0x81, v41;
	v51 =	vld.idx.msk [tilespmem:v2+s2+$0x0], $0xffff;
	v2 =	vmul.f32 v60, v58;
	v60 =	vmul.f32 v60, v31  }
0x2f6: {  	v29 =	vld.idx.msk [tilespmem:v29+s2+$0x0], $0xffff;
	v62 =	vadd.s32 $0x1, v39;
	v48 =	vmul.f32 v57, v48;
	v25 =	vmul.f32 v1, v25  }
0x2f7: {  	s10 =	smov.u32 s13;
	v26 =	vadd.f32 v26, v44;
	v44 =	vld.idx.msk [tilespmem:v45+s2+$0x0], $0xffff;
	v1 =	vmul.f32 v1, v19;
	v14 =	vmul.f32 v14, v35  }
0x2f8: {  	[tilespmem:s10+$0x13DB0] =	vst v34;
	v34 =	vld.idx.msk [tilespmem:v63+s2+$0x0], $0xffff;
	v63 =	vsub.f32 $1.000000000e+00, v16;
	v45 =	vmul.f32 v60, v49;
	v42 =	vmul.f32 v2, v42  }
0x2f9: {  	[tilespmem:$0x1FFA0] =	vst v3;
	v36 =	vld.idx.msk [tilespmem:v36+s2+$0x0], $0xffff;
	v39 =	vadd.s32 $0x81, v39;
	v2 =	vmul.f32 v2, v21;
	v21 =	vmul.f32 v15, v28  }
0x2fa: {  	v43 =	vld.idx.msk [tilespmem:v43+s2+$0x0], $0xffff;
	v1 =	vadd.f32 v48, v1;
	v3 =	vmul.f32 v63, v61;
	v63 =	vmul.f32 v63, v32  }
0x2fb: {  	v37 =	vld.idx.msk [tilespmem:v37+s2+$0x0], $0xffff;
	v2 =	vadd.f32 v45, v2;
	v45 =	vmul.f32 v16, v32;
	v48 =	vmul.f32 v46, v21  }
0x2fc: {  	v41 =	vld.idx.msk [tilespmem:v41+s2+$0x0], $0xffff;
	v35 =	vadd.f32 v14, v12;
	v12 =	vmul.f32 v29, v21;
	v10 =	vmul.f32 v13, v10  }
0x2fd: {  	v4 =	vadd.f32 v23, v4;
	v23 =	vld.idx.msk [tilespmem:v59+s2+$0x0], $0xffff;
	v51 =	vmul.f32 v3, v51;
	v24 =	vmul.f32 v24, v63  }
0x2fe: {  	v40 =	vadd.s32 $0x81, v40;
	v49 =	vmul.f32 v63, v52;
	v52 =	vld.idx.msk [tilespmem:v54+s2+$0x0], $0xffff;
	v34 =	vmul.f32 v34, v57  }
0x2ff: {  	v3 =	vmul.f32 v3, v22;
	v22 =	vld.idx.msk [tilespmem:v38+s2+$0x0], $0xffff;
	v4 =	vadd.f32 v48, v4;
	v19 =	vadd.f32 v24, v51  }
0x300: {  	v24 =	vmul.f32 v17, v30;
	v25 =	vadd.f32 v34, v25;
	v34 =	vmul.f32 v43, v60;
	v43 =	vld.idx.msk [tilespmem:v50+s2+$0x0], $0xffff  }
0x301: {  	v13 =	vmul.f32 v15, v47;
	v26 =	vadd.f32 v12, v26;
	v10 =	vadd.f32 v10, v35;
	v50 =	vld.idx.msk [tilespmem:v53+s2+$0x0], $0xffff  }
0x302: {  	v51 =	vld.idx.msk [tilespmem:v39+s2+$0x0], $0xffff;
	v21 =	vmul.f32 v36, v24;
	v18 =	vadd.f32 v34, v42;
	v42 =	vmul.f32 v20, v31  }
0x303: {  	v27 =	vld.idx.msk [tilespmem:v62+s2+$0x0], $0xffff;
	v3 =	vadd.f32 v49, v3;
	v14 =	vmul.f32 v33, v24;
	v20 =	vmul.f32 v20, v58  }
0x304: {  	s11 =	sadd.s32 $0x5, s11;
	v53 =	vld.idx.msk [tilespmem:v40+s2+$0x0], $0xffff;
	v15 =	vadd.f32 v21, v25;
	v21 =	vmul.f32 v13, v52;
	v24 =	vmul.f32 v37, v42  }
0x305: {  	p0 =	slt.u32 s11, $0x26C;
	v0 =	vld.idx.msk [tilespmem:v0+s2+$0x0], $0xffff;
	v1 =	vadd.f32 v14, v1;
	v12 =	vmul.f32 v44, v42;
	v54 =	vmul.f32 v43, v45  }
.Ltmp3:
0x306: {  	v59 =	vld [tilespmem:$0x1FF80];
	v30 =	vmul.f32 v50, v45;
	v21 =	vadd.f32 v4, v21;
	v4 =	vmul.f32 v55, v23;
	(pc) =	sbr.rel @p0 .LBB2_8-.Ltmp3, $4  }
0x307: {  	v61 =	vmovc v8;
	v8 =	vld [tilespmem:$0x1FFA0];
	v23 =	vmul.f32 v55, v22;
	v22 =	vmul.f32 v20, v51;
	v17 =	vadd.f32 v24, v2  }
0x308: {  	v57 =	vld [tilespmem:$0x1FF60];
	v16 =	vadd.f32 v12, v18;
	v14 =	vadd.f32 v54, v3;
	v3 =	vmul.f32 v13, v41  }
0x309: {  	v60 =	vmovc v7;
	v7 =	vld [tilespmem:$0x1FF70];
	v24 =	vmul.f32 v20, v27;
	v20 =	vmul.f32 v56, v53;
	v12 =	vadd.f32 v30, v19  }
0x30a: {  	s12 =	sadd.s32 $0x140, s12;
	v58 =	vmovc v6;
	v6 =	vld [tilespmem:$0x1FF90];
	v19 =	vadd.f32 v1, v4;
	v13 =	vmul.f32 v56, v0;
	v18 =	vadd.f32 v26, v3  }
0x30b: {  	_ = 	snop  }
0x30c: {  	v1 =	vadd.f32 v15, v23;
	v3 =	vmul.f32 $9.999999770e-03, v18  }
0x30d: {  	v0 =	vmul.f32 $9.999999770e-03, v21;
	v2 =	vadd.f32 v17, v24;
	v4 =	vmul.f32 v9, v11  }
0x30e: {  	v1 =	vmul.f32 $9.999999770e-03, v1;
	v3 =	vadd.f32 v3, v7;
	v7 =	vadd.f32 v14, v13  }
0x30f: {  	v11 =	vadd.f32 v16, v22;
	v9 =	vmul.f32 $9.999999770e-03, v19;
	v0 =	vadd.f32 v0, v6  }
0x310: {  	v1 =	vadd.f32 v1, v60;
	[tilespmem:s10+$0x13D70] =	vst v3;
	v3 =	vadd.f32 v10, v4;
	v4 =	vmul.f32 $9.999999770e-03, v7  }
0x311: {  	v2 =	vmul.f32 $9.999999770e-03, v2;
	[tilespmem:s10+$0xEF50] =	vst v0;
	v0 =	vadd.f32 v9, v8;
	v8 =	vadd.f32 v12, v20  }
0x312: {  	v9 =	vmul.f32 $9.999999770e-03, v11;
	[tilespmem:s10+$0x13D80] =	vst v1;
	v1 =	vmul.f32 $9.999999770e-03, v3;
	v3 =	vadd.f32 v4, v59  }
0x313: {  	[tilespmem:s10+$0xEF60] =	vst v0;
	v0 =	vadd.f32 v2, v61  }
0x314: {  	v2 =	vmul.f32 $9.999999770e-03, v8;
	v5 =	vadd.f32 v9, v5;
	[tilespmem:s10+$0xEF80] =	vst v3  }
0x315: {  	v1 =	vadd.f32 v1, v57;
	[tilespmem:s10+$0xEF70] =	vst v0  }
0x316: {  	v0 =	vadd.f32 v2, v58;
	[tilespmem:s10+$0x13D90] =	vst v5  }
0x317: {  	[tilespmem:s10+$0xEF90] =	vst v1  }
0x318: {  	s13 =	simm.s32 $0xEF50;
	[tilespmem:s10+$0x13DA0] =	vst v0  }
0x319: {  	[hbm4b:s20+s2] =	stream.linear.scatter [tilespmem:s13], [sflag:$0x6], $0x2710, $0x38;
	[tilespmem:$0x16480] =	vst v63  }
0x31a: {  	s14 =	simm.s32 $0x13D70  }
0x31b: {  	[hbm4b:s21+s2] =	stream.linear.scatter [tilespmem:s14], [sflag:$0x8], $0x2710, $0x38;
	[tilespmem:$0x16480] =	vst v63  }
0x31c: {  	_ =	swait.ge [sflag:s31], $0x2710  }
0x31d: {  	[sflag:s31] =	ssyncset.done $0x0  }
0x31e: {  	[sflag:s31] =	ssyncadd.s32 $0xFFFFD8F0  }
0x31f: {  	_ =	swait.ge [sflag:s1], $0x2710  }
0x320: {  	[sflag:s1] =	ssyncset.done $0x0  }
0x321: {  	[sflag:s1] =	ssyncadd.s32 $0xFFFFD8F0  }
0x322: {  	_ =	swait.ge [sflag:s5], $0x2710  }
0x323: {  	[sflag:s5] =	ssyncset.done $0x0  }
0x324: {  	[sflag:s5] =	ssyncadd.s32 $0xFFFFD8F0  }
0x325: {  	_ =	swait.ge [sflag:s6], $0x2710  }
0x326: {  	[sflag:s6] =	ssyncset.done $0x0  }
0x327: {  	s15 =	simm.s32 $0x5350;
	[sflag:s6] =	ssyncadd.s32 $0xFFFFD8F0  }
0x328: {  	v8 =	vld [tilespmem:s15+$0xFFFFD8F0]  }
0x329: {  	v10 =	vld [tilespmem:s15+$0x0]  }
0x32a: {  	v3 =	vld [tilespmem:s15+$0xFFFFD8C0]  }
0x32b: {  	v0 =	vld [tilespmem:s15+$0xFFFFD8D0]  }
0x32c: {  	v1 =	vld [tilespmem:s15+$0xFFFFD8E0]  }
0x32d: {  	v6 =	vld [tilespmem:s15+$0xFFFFD8B0]  }
0x32e: {  	v4 =	vld [tilespmem:s15+$0xFFFFFFC0]  }
0x32f: {  	v2 =	vld [tilespmem:s15+$0xFFFFFFD0]  }
0x330: {  	v7 =	vld [tilespmem:s15+$0xFFFFFFE0]  }
0x331: {  	v9 =	vmul.f32 $4.074366380e+01, v8  }
0x332: {  	v11 =	vmul.f32 $4.074366380e+01, v10;
	v12 =	vmul.f32 $4.074366380e+01, v3  }
0x333: {  	v15 =	vmul.f32 $4.074366380e+01, v0;
	v16 =	vmul.f32 $4.074366380e+01, v6  }
0x334: {  	v17 =	vmul.f32 $4.074366380e+01, v1;
	v19 =	vmul.f32 $4.074366380e+01, v4  }
0x335: {  	v21 =	vmul.f32 $4.074366380e+01, v2;
	v25 =	vmul.f32 $4.074366380e+01, v7  }
0x336: {  	v5 =	vtrunc.f32 v9;
	v14 =	vtrunc.f32 v11  }
0x337: {  	v20 =	vtrunc.f32 v12;
	v44 =	vtrunc.f32 v16  }
0x338: {  	v28 =	vtrunc.f32 v17;
	v30 =	vtrunc.f32 v19  }
0x339: {  	v34 =	vtrunc.f32 v21;
	v35 =	vtrunc.f32 v25  }
0x33a: {  	v13 =	vcvt.f32.s32 v5;
	v14 =	vcvt.f32.s32 v14  }
0x33b: {  	v24 =	vcvt.f32.s32 v44;
	v20 =	vcvt.f32.s32 v20  }
0x33c: {  	v28 =	vcvt.f32.s32 v28;
	v34 =	vcvt.f32.s32 v34  }
0x33d: {  	v35 =	vcvt.f32.s32 v35;
	v18 =	vshll.u32 v13, $0x8;
	v23 =	vand.u32 $0x7, v14  }
0x33e: {  	v13 =	vcvt.s32.f32 v13;
	v45 =	vshll.u32 v24, $0x8;
	v39 =	vshll.u32 v20, $0x8  }
0x33f: {  	v42 =	vshll.u32 v28, $0x8;
	v51 =	vand.u32 $0x7, v34;
	v24 =	vcvt.s32.f32 v24  }
0x340: {  	v20 =	vcvt.s32.f32 v20;
	v54 =	vcvt.s32.f32 v35;
	v18 =	vadd.s32 v14, v18  }
0x341: {  	v5 =	vld [tilespmem:s15+$0xFFFFFFF0];
	v28 =	vcvt.s32.f32 v28;
	v14 =	vcvt.s32.f32 v14;
	v31 =	vadd.s32 $0x101, v18  }
0x342: {  	v39 =	vadd.s32 v34, v39;
	v22 =	vand.u32 $0xFFFFFFF8, v18;
	v32 =	vadd.s32 $0x181, v18  }
0x343: {  	v36 =	vadd.s32 $0x1, v18;
	v9 =	vsub.f32 v9, v13;
	v13 =	vadd.s32 $0x81, v18  }
0x344: {  	v49 =	vand.u32 $0xFFFFFFF8, v39;
	v16 =	vsub.f32 v16, v24;
	v22 =	vor.u32 v23, v22  }
0x345: {  	v12 =	vsub.f32 v12, v20;
	v23 =	vtrunc.f32 v15;
	v27 =	vadd.s32 $0x80, v22;
	v33 =	vld.idx.msk [tilespmem:v18+s2+$0x0], $0xffff  }
0x346: {  	v26 =	vmul.f32 $4.074366380e+01, v5;
	v11 =	vsub.f32 v11, v14;
	v29 =	vadd.s32 $0x100, v22;
	v31 =	vld.idx.msk [tilespmem:v31+s2+$0x0], $0xffff  }
0x347: {  	v23 =	vcvt.f32.s32 v23;
	v22 =	vadd.s32 $0x180, v22;
	v37 =	vsub.f32 $1.000000000e+00, v9;
	v32 =	vld.idx.msk [tilespmem:v32+s2+$0x0], $0xffff  }
0x348: {  	v46 =	vtrunc.f32 v26;
	v38 =	vsub.f32 $1.000000000e+00, v11;
	v18 =	vcvt.f32.s32 v30;
	v36 =	vld.idx.msk [tilespmem:v36+s2+$0x0], $0xffff  }
0x349: {  	v30 =	vcvt.f32.s32 v46;
	v40 =	vshll.u32 v23, $0x8;
	v23 =	vcvt.s32.f32 v23;
	v13 =	vld.idx.msk [tilespmem:v13+s2+$0x0], $0xffff  }
0x34a: {  	v17 =	vsub.f32 v17, v28;
	v41 =	vmul.f32 v38, v37;
	v38 =	vmul.f32 v38, v9;
	v27 =	vld.idx.msk [tilespmem:v27+s2+$0x0], $0xffff  }
0x34b: {  	v9 =	vmul.f32 v11, v9;
	v40 =	vadd.s32 v35, v40;
	v11 =	vmul.f32 v11, v37;
	v14 =	vld.idx.msk [tilespmem:v29+s2+$0x0], $0xffff  }
0x34c: {  	v50 =	vand.u32 $0x7, v18;
	v52 =	vand.u32 $0x7, v30;
	v15 =	vsub.f32 v15, v23;
	v22 =	vld.idx.msk [tilespmem:v22+s2+$0x0], $0xffff  }
0x34d: {  	v23 =	vsub.f32 v25, v54;
	v29 =	vadd.s32 v18, v45;
	v18 =	vcvt.s32.f32 v18  }
0x34e: {  	v28 =	vadd.s32 $0x101, v40;
	v33 =	vmul.f32 v41, v33;
	v31 =	vmul.f32 v31, v9  }
0x34f: {  	v47 =	vand.u32 $0xFFFFFFF8, v29;
	v9 =	vmul.f32 v32, v9;
	v48 =	vmul.f32 v11, v36  }
0x350: {  	v18 =	vsub.f32 v19, v18;
	v11 =	vmul.f32 v11, v13;
	v14 =	vmul.f32 v38, v14  }
0x351: {  	v19 =	vadd.s32 $0x101, v29;
	v27 =	vmul.f32 v41, v27;
	v22 =	vmul.f32 v22, v38  }
0x352: {  	v13 =	vand.u32 $0xFFFFFFF8, v40;
	v46 =	vsub.f32 $1.000000000e+00, v18;
	v14 =	vadd.f32 v14, v33  }
0x353: {  	v33 =	vadd.s32 v30, v42;
	v22 =	vadd.f32 v22, v27;
	v27 =	vor.u32 v50, v47  }
0x354: {  	v55 =	vadd.s32 $0x80, v27;
	v56 =	vadd.s32 $0x100, v27;
	v27 =	vadd.s32 $0x180, v27  }
0x355: {  	v32 =	vadd.s32 $0x101, v33;
	v47 =	vadd.s32 $0x181, v33;
	v14 =	vadd.f32 v31, v14  }
0x356: {  	v37 =	vld.idx.msk [tilespmem:v39+s2+$0x0], $0xffff;
	v9 =	vadd.f32 v9, v22;
	v22 =	vand.u32 $0xFFFFFFF8, v33;
	v31 =	vadd.s32 $0x181, v40  }
0x357: {  	v28 =	vld.idx.msk [tilespmem:v28+s2+$0x0], $0xffff;
	v22 =	vor.u32 v52, v22;
	v52 =	vsub.f32 $1.000000000e+00, v23;
	v14 =	vadd.f32 v14, v48  }
0x358: {  	v42 =	vld.idx.msk [tilespmem:v40+s2+$0x0], $0xffff;
	v9 =	vadd.f32 v9, v11;
	v11 =	vand.u32 $0x7, v35;
	v43 =	vadd.s32 $0x80, v22  }
0x359: {  	v19 =	vld.idx.msk [tilespmem:v19+s2+$0x0], $0xffff;
	v44 =	vadd.s32 $0x100, v22;
	v22 =	vadd.s32 $0x180, v22;
	v35 =	vsub.f32 $1.000000000e+00, v16  }
0x35a: {  	v48 =	vadd.s32 $0x1, v29;
	v11 =	vor.u32 v11, v13;
	v13 =	vcvt.s32.f32 v30;
	v45 =	vld.idx.msk [tilespmem:v33+s2+$0x0], $0xffff  }
0x35b: {  	v30 =	vadd.s32 $0x181, v29;
	v14 =	vmul.f32 $9.999999770e-03, v14;
	v53 =	vmul.f32 $9.999999770e-03, v9;
	v24 =	vld.idx.msk [tilespmem:v55+s2+$0x0], $0xffff  }
0x35c: {  	v58 =	vadd.s32 $0x80, v11;
	v59 =	vadd.s32 $0x100, v11;
	v11 =	vadd.s32 $0x180, v11;
	v20 =	vld.idx.msk [tilespmem:v56+s2+$0x0], $0xffff  }
0x35d: {  	v60 =	vld.idx.msk [tilespmem:v27+s2+$0x0], $0xffff;
	v27 =	vadd.s32 $0x181, v39;
	v54 =	vmul.f32 v46, v35;
	v46 =	vmul.f32 v46, v16  }
0x35e: {  	v55 =	vsub.f32 $1.000000000e+00, v17;
	v32 =	vld.idx.msk [tilespmem:v32+s2+$0x0], $0xffff;
	v16 =	vmul.f32 v18, v16;
	v18 =	vmul.f32 v18, v35  }
0x35f: {  	v47 =	vld.idx.msk [tilespmem:v47+s2+$0x0], $0xffff;
	v13 =	vsub.f32 v26, v13;
	v9 =	vadd.f32 v14, v8;
	v14 =	vcvt.s32.f32 v34  }
0x360: {  	v31 =	vld.idx.msk [tilespmem:v31+s2+$0x0], $0xffff;
	v8 =	vadd.f32 v53, v10;
	v10 =	vor.u32 v51, v49;
	v51 =	vsub.f32 $1.000000000e+00, v15  }
0x361: {  	v34 =	vld.idx.msk [tilespmem:v29+s2+$0x0], $0xffff;
	v49 =	vsub.f32 $1.000000000e+00, v12;
	v19 =	vmul.f32 v19, v16;
	v57 =	vadd.s32 $0x80, v10  }
0x362: {  	v36 =	vadd.s32 $0x100, v10;
	v62 =	vsub.f32 $1.000000000e+00, v13;
	v43 =	vld.idx.msk [tilespmem:v43+s2+$0x0], $0xffff;
	v63 =	vmul.f32 v52, v51  }
0x363: {  	v14 =	vsub.f32 v21, v14;
	v52 =	vmul.f32 v52, v15;
	v30 =	vld.idx.msk [tilespmem:v30+s2+$0x0], $0xffff;
	v15 =	vmul.f32 v23, v15  }
0x364: {  	v10 =	vadd.s32 $0x180, v10;
	v38 =	vld.idx.msk [tilespmem:v58+s2+$0x0], $0xffff;
	v20 =	vmul.f32 v46, v20;
	v25 =	vmul.f32 v60, v46  }
0x365: {  	v41 =	vld.idx.msk [tilespmem:v59+s2+$0x0], $0xffff;
	v60 =	vmul.f32 v62, v55;
	v24 =	vmul.f32 v54, v24;
	v50 =	vsub.f32 $1.000000000e+00, v14  }
0x366: {  	v29 =	vadd.s32 $0x81, v29;
	v11 =	vld.idx.msk [tilespmem:v11+s2+$0x0], $0xffff;
	v59 =	vmul.f32 v31, v15;
	v34 =	vmul.f32 v54, v34  }
0x367: {  	v53 =	vadd.s32 $0x1, v39;
	v22 =	vld.idx.msk [tilespmem:v22+s2+$0x0], $0xffff;
	v56 =	vmul.f32 v50, v49;
	v50 =	vmul.f32 v50, v12  }
0x368: {  	v21 =	vadd.s32 $0x101, v39;
	v61 =	vld.idx.msk [tilespmem:v57+s2+$0x0], $0xffff;
	v57 =	vmul.f32 v62, v17;
	v62 =	vmul.f32 v60, v43  }
0x369: {  	v39 =	vadd.s32 $0x81, v39;
	v36 =	vld.idx.msk [tilespmem:v36+s2+$0x0], $0xffff;
	v12 =	vmul.f32 v14, v12;
	v17 =	vmul.f32 v13, v17  }
0x36a: {  	v46 =	vadd.s32 $0x1, v40;
	v10 =	vld.idx.msk [tilespmem:v10+s2+$0x0], $0xffff;
	v16 =	vmul.f32 v30, v16;
	v41 =	vmul.f32 v52, v41  }
0x36b: {  	v44 =	vld.idx.msk [tilespmem:v44+s2+$0x0], $0xffff;
	v24 =	vadd.f32 v25, v24;
	v38 =	vmul.f32 v63, v38;
	v11 =	vmul.f32 v11, v52  }
0x36c: {  	v27 =	vld.idx.msk [tilespmem:v27+s2+$0x0], $0xffff;
	v20 =	vadd.f32 v20, v34;
	v22 =	vmul.f32 v22, v57;
	v37 =	vmul.f32 v56, v37  }
0x36d: {  	v40 =	vadd.s32 $0x81, v40;
	v54 =	vld.idx.msk [tilespmem:v48+s2+$0x0], $0xffff;
	v63 =	vmul.f32 v63, v42;
	v52 =	vmul.f32 v60, v45  }
0x36e: {  	s10 =	simm.s32 $0xC860;
	v29 =	vld.idx.msk [tilespmem:v29+s2+$0x0], $0xffff;
	v19 =	vadd.f32 v19, v20;
	v20 =	vmul.f32 v28, v15;
	v24 =	vadd.f32 v16, v24  }
0x36f: {  	s11 =	simm.s32 $0x11680;
	[tilespmem:s10+$0x20] =	vst v9;
	v21 =	vld.idx.msk [tilespmem:v21+s2+$0x0], $0xffff;
	v36 =	vmul.f32 v50, v36;
	v10 =	vmul.f32 v10, v50;
	v50 =	vadd.s32 $0x1, v33  }
0x370: {  	[tilespmem:s11+$0x20] =	vst v8;
	v58 =	vld.idx.msk [tilespmem:v39+s2+$0x0], $0xffff;
	v26 =	vmul.f32 v56, v61;
	v33 =	vadd.s32 $0x81, v33;
	v61 =	vmul.f32 v57, v44  }
0x371: {  	v60 =	vld.idx.msk [tilespmem:v46+s2+$0x0], $0xffff;
	v16 =	vmul.f32 v32, v17;
	v17 =	vmul.f32 v47, v17;
	v11 =	vadd.f32 v11, v38  }
0x372: {  	v22 =	vadd.f32 v22, v62;
	v62 =	vmul.f32 v14, v49;
	v56 =	vld.idx.msk [tilespmem:v53+s2+$0x0], $0xffff;
	v25 =	vadd.f32 v61, v52  }
0x373: {  	v38 =	vadd.f32 v41, v63;
	v63 =	vmul.f32 v23, v51;
	v14 =	vmul.f32 v13, v55;
	v61 =	vld.idx.msk [tilespmem:v40+s2+$0x0], $0xffff  }
0x374: {  	v13 =	vmul.f32 v18, v54;
	v9 =	vadd.f32 v59, v11;
	v11 =	vadd.f32 v16, v25;
	v16 =	vld.idx.msk [tilespmem:v50+s2+$0x0], $0xffff  }
0x375: {  	v18 =	vmul.f32 v18, v29;
	v15 =	vadd.f32 v20, v38;
	v8 =	vadd.f32 v17, v22;
	v17 =	vld.idx.msk [tilespmem:v33+s2+$0x0], $0xffff  }
0x376: {  	v21 =	vmul.f32 v21, v12;
	v20 =	vadd.f32 v19, v13;
	v36 =	vadd.f32 v36, v37  }
0x377: {  	v57 =	vmul.f32 v27, v12;
	v19 =	vadd.f32 v24, v18;
	v10 =	vadd.f32 v10, v26  }
0x378: {  	s12 =	simm.s32 $0xC860;
	v22 =	vmul.f32 v63, v60;
	v12 =	vadd.f32 v21, v36;
	v23 =	vmul.f32 v62, v56  }
0x379: {  	s13 =	simm.s32 $0x11680;
	s14 =	simm.s32 $0x0;
	s15 =	simm.s32 $0x53A0;
	v10 =	vadd.f32 v57, v10;
	v21 =	vmul.f32 v62, v58;
	v18 =	vmul.f32 v63, v61  }
.LBB2_10:
0x37a: {  	v13 =	vld [tilespmem:s15+$0xFFFFD8F0];
	v12 =	vadd.f32 v12, v23;
	v16 =	vmul.f32 v14, v16;
	v17 =	vmul.f32 v14, v17  }
0x37b: {  	v20 =	vmul.f32 $9.999999770e-03, v20;
	v10 =	vadd.f32 v10, v21;
	v14 =	vld [tilespmem:s15+$0x0];
	v15 =	vadd.f32 v15, v22  }
0x37c: {  	s14 =	sadd.s32 $0x5, s14;
	v19 =	vmul.f32 $9.999999770e-03, v19;
	v9 =	vadd.f32 v9, v18;
	v21 =	vld [tilespmem:s15+$0xFFFFD8C0];
	v11 =	vadd.f32 v11, v16  }
0x37d: {  	p0 =	slt.u32 s14, $0x26C;
	v12 =	vmul.f32 $9.999999770e-03, v12;
	v18 =	vmul.f32 $9.999999770e-03, v10;
	v10 =	vadd.f32 v8, v17;
	v16 =	vld [tilespmem:s15+$0xFFFFD8D0]  }
0x37e: {  	v17 =	vadd.f32 v20, v6;
	v15 =	vmul.f32 $9.999999770e-03, v15;
	v20 =	vmul.f32 $9.999999770e-03, v9;
	v8 =	vld [tilespmem:s15+$0xFFFFD8E0]  }
0x37f: {  	v19 =	vadd.f32 v19, v4;
	v9 =	vmul.f32 $9.999999770e-03, v11;
	v6 =	vld [tilespmem:s15+$0xFFFFD8B0];
	v26 =	vmul.f32 $4.074366380e+01, v13  }
0x380: {  	v11 =	vadd.f32 v12, v3;
	v10 =	vmul.f32 $9.999999770e-03, v10;
	v4 =	vld [tilespmem:s15+$0xFFFFFFC0];
	v27 =	vmul.f32 $4.074366380e+01, v14;
	[tilespmem:s10+$0xFFFFFFE0] =	vst v17  }
0x381: {  	v18 =	vadd.f32 v18, v2;
	v12 =	vmul.f32 $4.074366380e+01, v21;
	v17 =	vtrunc.f32 v26;
	[tilespmem:s11+$0xFFFFFFE0] =	vst v19;
	v2 =	vld [tilespmem:s15+$0xFFFFFFD0];
	v3 =	vmovc v21  }
0x382: {  	v22 =	vadd.f32 v15, v0;
	v19 =	vld [tilespmem:s15+$0xFFFFFFE0];
	v17 =	vcvt.f32.s32 v17;
	v21 =	vtrunc.f32 v27;
	[tilespmem:s10+$0xFFFFFFF0] =	vst v11;
	v0 =	vmovc v16  }
0x383: {  	v7 =	vadd.f32 v20, v7;
	v15 =	vmul.f32 $4.074366380e+01, v0;
	v11 =	vld [tilespmem:s15+$0xFFFFFFF0];
	v28 =	vcvt.f32.s32 v21;
	[tilespmem:s11+$0xFFFFFFF0] =	vst v18  }
0x384: {  	v16 =	vmul.f32 $4.074366380e+01, v8;
	v21 =	vmul.f32 $4.074366380e+01, v6;
	v18 =	vshll.u32 v17, $0x8;
	[tilespmem:s10+$0x0] =	vst v22  }
0x385: {  	v20 =	vtrunc.f32 v12;
	v25 =	vmul.f32 $4.074366380e+01, v4;
	v18 =	vadd.s32 v28, v18;
	[tilespmem:s11+$0x0] =	vst v7  }
0x386: {  	v24 =	vand.u32 $0x7, v28;
	v22 =	vmul.f32 $4.074366380e+01, v2;
	v31 =	vand.u32 $0xFFFFFFF8, v18  }
0x387: {  	v29 =	vtrunc.f32 v21;
	v23 =	vmul.f32 $4.074366380e+01, v19;
	v30 =	vor.u32 v24, v31;
	v7 =	vmovc v19  }
0x388: {  	v19 =	vtrunc.f32 v15;
	v24 =	vmul.f32 $4.074366380e+01, v11;
	v31 =	vadd.s32 $0x80, v30  }
0x389: {  	v32 =	vtrunc.f32 v16;
	v29 =	vcvt.f32.s32 v29;
	v33 =	vadd.s32 $0x100, v30  }
0x38a: {  	v34 =	vcvt.f32.s32 v20;
	v35 =	vcvt.f32.s32 v19;
	v19 =	vadd.s32 $0x180, v30  }
0x38b: {  	v20 =	vtrunc.f32 v25;
	v30 =	vcvt.f32.s32 v32;
	v32 =	vadd.s32 $0x101, v18  }
0x38c: {  	v17 =	vcvt.s32.f32 v17;
	v28 =	vcvt.s32.f32 v28;
	v37 =	vadd.s32 $0x181, v18;
	v36 =	vld.idx.msk [tilespmem:v18+s2+$0x0], $0xffff  }
0x38d: {  	v40 =	vadd.s32 $0x1, v18;
	v38 =	vtrunc.f32 v22;
	v39 =	vtrunc.f32 v23;
	v31 =	vld.idx.msk [tilespmem:v31+s2+$0x0], $0xffff  }
0x38e: {  	v17 =	vsub.f32 v26, v17;
	v26 =	vsub.f32 v27, v28;
	v18 =	vadd.s32 $0x81, v18;
	v27 =	vld.idx.msk [tilespmem:v33+s2+$0x0], $0xffff  }
0x38f: {  	v28 =	vcvt.f32.s32 v20;
	v20 =	vshll.u32 v29, $0x8;
	v33 =	vtrunc.f32 v24;
	v19 =	vld.idx.msk [tilespmem:v19+s2+$0x0], $0xffff  }
0x390: {  	v41 =	vsub.f32 $1.000000000e+00, v17;
	v38 =	vcvt.f32.s32 v38;
	v42 =	vsub.f32 $1.000000000e+00, v26;
	v32 =	vld.idx.msk [tilespmem:v32+s2+$0x0], $0xffff  }
0x391: {  	v43 =	vshll.u32 v34, $0x8;
	v39 =	vcvt.f32.s32 v39;
	v33 =	vcvt.f32.s32 v33;
	v37 =	vld.idx.msk [tilespmem:v37+s2+$0x0], $0xffff  }
0x392: {  	v44 =	vshll.u32 v35, $0x8;
	v45 =	vmul.f32 v42, v41;
	v42 =	vmul.f32 v42, v17;
	v40 =	vld.idx.msk [tilespmem:v40+s2+$0x0], $0xffff  }
0x393: {  	v46 =	vadd.s32 v28, v20;
	v20 =	vshll.u32 v30, $0x8;
	v17 =	vmul.f32 v26, v17;
	v47 =	vld.idx.msk [tilespmem:v18+s2+$0x0], $0xffff  }
0x394: {  	v43 =	vadd.s32 v38, v43;
	v18 =	vmul.f32 v45, v36;
	v27 =	vmul.f32 v42, v27  }
0x395: {  	v31 =	vmul.f32 v45, v31;
	v36 =	vadd.s32 v39, v44;
	v19 =	vmul.f32 v19, v42  }
0x396: {  	v26 =	vmul.f32 v26, v41;
	v27 =	vadd.f32 v27, v18;
	v32 =	vmul.f32 v32, v17  }
0x397: {  	v41 =	vadd.s32 v33, v20;
	v19 =	vadd.f32 v19, v31;
	v20 =	vmul.f32 v37, v17  }
0x398: {  	v31 =	vand.u32 $0xFFFFFFF8, v46;
	v27 =	vadd.f32 v32, v27;
	v32 =	vmul.f32 v26, v40;
	v18 =	vld.idx.msk [tilespmem:v46+s2+$0x0], $0xffff  }
0x399: {  	v37 =	vand.u32 $0xFFFFFFF8, v43;
	v20 =	vadd.f32 v20, v19;
	v26 =	vmul.f32 v26, v47;
	v17 =	vld.idx.msk [tilespmem:v43+s2+$0x0], $0xffff  }
0x39a: {  	v42 =	vand.u32 $0xFFFFFFF8, v41;
	v40 =	vand.u32 $0xFFFFFFF8, v36;
	v27 =	vadd.f32 v27, v32;
	v19 =	vld.idx.msk [tilespmem:v36+s2+$0x0], $0xffff  }
0x39b: {  	v44 =	vand.u32 $0x7, v38;
	v32 =	vand.u32 $0x7, v28;
	v26 =	vadd.f32 v20, v26  }
0x39c: {  	v45 =	vand.u32 $0x7, v39;
	v47 =	vand.u32 $0x7, v33;
	v27 =	vmul.f32 $9.999999770e-03, v27;
	v20 =	vld.idx.msk [tilespmem:v41+s2+$0x0], $0xffff  }
0x39d: {  	v29 =	vcvt.s32.f32 v29;
	v31 =	vor.u32 v32, v31;
	v26 =	vmul.f32 $9.999999770e-03, v26  }
0x39e: {  	v28 =	vcvt.s32.f32 v28;
	v32 =	vcvt.s32.f32 v34;
	v13 =	vadd.f32 v27, v13  }
0x39f: {  	s10 =	sadd.s32 $0x50, s10;
	v34 =	vcvt.s32.f32 v35;
	v27 =	vcvt.s32.f32 v38;
	v14 =	vadd.f32 v26, v14  }
0x3a0: {  	s11 =	sadd.s32 $0x50, s11;
	v30 =	vcvt.s32.f32 v30;
	v35 =	vcvt.s32.f32 v39;
	v26 =	vor.u32 v44, v37;
	[tilespmem:s10+$0x20] =	vst v13  }
0x3a1: {  	v33 =	vcvt.s32.f32 v33;
	v37 =	vor.u32 v47, v42;
	v13 =	vor.u32 v45, v40;
	[tilespmem:s11+$0x20] =	vst v14  }
0x3a2: {  	v38 =	vadd.s32 $0x100, v31;
	v14 =	vadd.s32 $0x80, v31;
	v31 =	vadd.s32 $0x180, v31  }
0x3a3: {  	v39 =	vadd.s32 $0x80, v26;
	v40 =	vadd.s32 $0x100, v26;
	v26 =	vadd.s32 $0x180, v26  }
0x3a4: {  	v42 =	vadd.s32 $0x80, v13;
	v44 =	vadd.s32 $0x100, v13;
	v45 =	vadd.s32 $0x180, v13  }
0x3a5: {  	v47 =	vadd.s32 $0x80, v37;
	v48 =	vadd.s32 $0x100, v37;
	v37 =	vadd.s32 $0x180, v37  }
0x3a6: {  	v21 =	vsub.f32 v21, v29;
	v13 =	vsub.f32 v25, v28;
	v25 =	vadd.s32 $0x101, v46  }
0x3a7: {  	v29 =	vadd.s32 $0x181, v46;
	v32 =	vsub.f32 v12, v32;
	v12 =	vsub.f32 v22, v27;
	v28 =	vld.idx.msk [tilespmem:v14+s2+$0x0], $0xffff  }
0x3a8: {  	v34 =	vsub.f32 v15, v34;
	v27 =	vadd.s32 $0x101, v43;
	v14 =	vsub.f32 v23, v35;
	v22 =	vld.idx.msk [tilespmem:v38+s2+$0x0], $0xffff  }
0x3a9: {  	v16 =	vsub.f32 v16, v30;
	v15 =	vsub.f32 v24, v33;
	v23 =	vld.idx.msk [tilespmem:v31+s2+$0x0], $0xffff;
	v31 =	vadd.s32 $0x181, v43  }
0x3aa: {  	v30 =	vadd.s32 $0x101, v36;
	v33 =	vadd.s32 $0x181, v36;
	v35 =	vadd.s32 $0x101, v41;
	v24 =	vld.idx.msk [tilespmem:v39+s2+$0x0], $0xffff  }
0x3ab: {  	v49 =	vadd.s32 $0x181, v41;
	v38 =	vsub.f32 $1.000000000e+00, v21;
	v39 =	vsub.f32 $1.000000000e+00, v13;
	v40 =	vld.idx.msk [tilespmem:v40+s2+$0x0], $0xffff  }
0x3ac: {  	v50 =	vadd.s32 $0x1, v46;
	v51 =	vsub.f32 $1.000000000e+00, v32;
	v52 =	vsub.f32 $1.000000000e+00, v12;
	v26 =	vld.idx.msk [tilespmem:v26+s2+$0x0], $0xffff  }
0x3ad: {  	v53 =	vsub.f32 $1.000000000e+00, v34;
	v46 =	vadd.s32 $0x81, v46;
	v54 =	vsub.f32 $1.000000000e+00, v14;
	v42 =	vld.idx.msk [tilespmem:v42+s2+$0x0], $0xffff  }
0x3ae: {  	v55 =	vadd.s32 $0x1, v43;
	v56 =	vsub.f32 $1.000000000e+00, v16;
	v57 =	vsub.f32 $1.000000000e+00, v15;
	v44 =	vld.idx.msk [tilespmem:v44+s2+$0x0], $0xffff  }
0x3af: {  	v58 =	vadd.s32 $0x1, v36;
	v36 =	vadd.s32 $0x81, v36;
	v43 =	vadd.s32 $0x81, v43;
	v45 =	vld.idx.msk [tilespmem:v45+s2+$0x0], $0xffff  }
0x3b0: {  	v60 =	vadd.s32 $0x1, v41;
	v41 =	vadd.s32 $0x81, v41;
	v59 =	vmul.f32 v39, v38;
	v47 =	vld.idx.msk [tilespmem:v47+s2+$0x0], $0xffff  }
0x3b1: {  	v62 =	vadd.f32 v9, v1;
	v61 =	vmul.f32 v52, v51;
	v39 =	vmul.f32 v39, v21;
	v48 =	vld.idx.msk [tilespmem:v48+s2+$0x0], $0xffff  }
0x3b2: {  	v63 =	vadd.f32 v10, v5;
	v9 =	vmul.f32 v52, v32;
	v52 =	vmul.f32 v54, v53;
	v37 =	vld.idx.msk [tilespmem:v37+s2+$0x0], $0xffff  }
0x3b3: {  	v1 =	vmov v8;
	v10 =	vld.idx.msk [tilespmem:v25+s2+$0x0], $0xffff;
	v25 =	vmul.f32 v54, v34;
	v54 =	vmul.f32 v57, v56;
	[tilespmem:s12+$0x10] =	vst v62;
	s12 =	smov.u32 s10  }
0x3b4: {  	v5 =	vmov v11;
	v22 =	vmul.f32 v39, v22;
	v8 =	vld.idx.msk [tilespmem:v29+s2+$0x0], $0xffff;
	v29 =	vmul.f32 v57, v16;
	[tilespmem:s13+$0x10] =	vst v63;
	s13 =	smov.u32 s11  }
0x3b5: {  	v11 =	vmul.f32 v59, v28;
	v23 =	vmul.f32 v23, v39;
	v27 =	vld.idx.msk [tilespmem:v27+s2+$0x0], $0xffff  }
0x3b6: {  	v24 =	vmul.f32 v61, v24;
	v28 =	vld.idx.msk [tilespmem:v31+s2+$0x0], $0xffff;
	v31 =	vmul.f32 v9, v40  }
0x3b7: {  	v11 =	vadd.f32 v23, v11;
	v9 =	vmul.f32 v26, v9;
	v26 =	vmul.f32 v25, v44;
	v23 =	vld.idx.msk [tilespmem:v30+s2+$0x0], $0xffff  }
0x3b8: {  	v25 =	vmul.f32 v45, v25;
	v30 =	vld.idx.msk [tilespmem:v33+s2+$0x0], $0xffff;
	v33 =	vmul.f32 v52, v42  }
0x3b9: {  	v39 =	vmul.f32 v54, v47;
	v9 =	vadd.f32 v9, v24;
	v24 =	vld.idx.msk [tilespmem:v35+s2+$0x0], $0xffff;
	v35 =	vmul.f32 v29, v48  }
0x3ba: {  	v18 =	vmul.f32 v59, v18;
	v29 =	vmul.f32 v37, v29;
	v25 =	vadd.f32 v25, v33;
	v33 =	vld.idx.msk [tilespmem:v49+s2+$0x0], $0xffff  }
0x3bb: {  	v17 =	vmul.f32 v61, v17;
	v19 =	vmul.f32 v52, v19;
	v37 =	vld.idx.msk [tilespmem:v50+s2+$0x0], $0xffff  }
0x3bc: {  	v21 =	vmul.f32 v13, v21;
	v18 =	vadd.f32 v22, v18;
	v20 =	vmul.f32 v54, v20;
	v40 =	vld.idx.msk [tilespmem:v46+s2+$0x0], $0xffff  }
0x3bd: {  	v32 =	vmul.f32 v12, v32;
	v31 =	vadd.f32 v31, v17;
	v17 =	vmul.f32 v14, v34;
	v22 =	vld.idx.msk [tilespmem:v55+s2+$0x0], $0xffff  }
0x3be: {  	v19 =	vadd.f32 v26, v19;
	v26 =	vmul.f32 v15, v16;
	v20 =	vadd.f32 v35, v20;
	v34 =	vld.idx.msk [tilespmem:v43+s2+$0x0], $0xffff  }
0x3bf: {  	v10 =	vmul.f32 v10, v21;
	v8 =	vmul.f32 v8, v21;
	v21 =	vadd.f32 v29, v39;
	v35 =	vld.idx.msk [tilespmem:v58+s2+$0x0], $0xffff  }
0x3c0: {  	v27 =	vmul.f32 v27, v32;
	v28 =	vmul.f32 v28, v32;
	v29 =	vld.idx.msk [tilespmem:v36+s2+$0x0], $0xffff  }
0x3c1: {  	v18 =	vadd.f32 v10, v18;
	v23 =	vmul.f32 v23, v17;
	v30 =	vmul.f32 v30, v17;
	v16 =	vld.idx.msk [tilespmem:v60+s2+$0x0], $0xffff  }
0x3c2: {  	v32 =	vadd.f32 v8, v11;
	v8 =	vmul.f32 v24, v26;
	v24 =	vmul.f32 v33, v26;
	v17 =	vld.idx.msk [tilespmem:v41+s2+$0x0], $0xffff  }
0x3c3: {  	v11 =	vmul.f32 v13, v38;
	v13 =	vmul.f32 v12, v51;
	v12 =	vadd.f32 v27, v31  }
.Ltmp4:
0x3c4: {  	v10 =	vadd.f32 v28, v9;
	v26 =	vmul.f32 v14, v53;
	v14 =	vmul.f32 v15, v56;
	(pc) =	sbr.rel @p0 .LBB2_10-.Ltmp4, $4  }
0x3c5: {  	v15 =	vadd.f32 v23, v19;
	v9 =	vadd.f32 v30, v25;
	v27 =	vmul.f32 v11, v37  }
0x3c6: {  	v19 =	vmul.f32 v11, v40;
	v11 =	vadd.f32 v8, v20;
	v8 =	vadd.f32 v24, v21  }
0x3c7: {  	v20 =	vadd.f32 v18, v27;
	v23 =	vmul.f32 v13, v22;
	v21 =	vmul.f32 v13, v34  }
0x3c8: {  	s15 =	sadd.s32 $0x50, s15;
	v19 =	vadd.f32 v32, v19;
	v22 =	vmul.f32 v26, v35;
	v18 =	vmul.f32 v26, v29  }
0x3c9: {  	v12 =	vadd.f32 v12, v23;
	v13 =	vmul.f32 v14, v16;
	v53 =	vmul.f32 $9.999999770e-03, v20  }
0x3ca: {  	v54 =	vmul.f32 v14, v17;
	v10 =	vadd.f32 v10, v21;
	v55 =	vmul.f32 $9.999999770e-03, v19  }
0x3cb: {  	v15 =	vadd.f32 v15, v22;
	v12 =	vmul.f32 $9.999999770e-03, v12;
	v6 =	vadd.f32 v53, v6  }
0x3cc: {  	v9 =	vadd.f32 v9, v18;
	v10 =	vmul.f32 $9.999999770e-03, v10;
	v4 =	vadd.f32 v55, v4  }
0x3cd: {  	v11 =	vadd.f32 v11, v13;
	v56 =	vmul.f32 $9.999999770e-03, v15;
	[tilespmem:s10+$0xFFFFFFE0] =	vst v6;
	v3 =	vadd.f32 v12, v3  }
0x3ce: {  	v57 =	vadd.f32 v8, v54;
	v58 =	vmul.f32 $9.999999770e-03, v9;
	v2 =	vadd.f32 v10, v2;
	[tilespmem:s11+$0xFFFFFFE0] =	vst v4  }
0x3cf: {  	v59 =	vmul.f32 $9.999999770e-03, v11;
	v0 =	vadd.f32 v56, v0;
	[tilespmem:s10+$0xFFFFFFF0] =	vst v3  }
0x3d0: {  	v60 =	vmul.f32 $9.999999770e-03, v57;
	v61 =	vadd.f32 v58, v7;
	[tilespmem:s11+$0xFFFFFFF0] =	vst v2  }
0x3d1: {  	v62 =	vadd.f32 v59, v1;
	[tilespmem:s10+$0x0] =	vst v0  }
0x3d2: {  	v63 =	vadd.f32 v60, v5;
	[tilespmem:s11+$0x0] =	vst v61  }
0x3d3: {  	[tilespmem:s12+$0x10] =	vst v62  }
0x3d4: {  	[tilespmem:s13+$0x10] =	vst v63  }
0x3d5: {  	[hbm4b:s22+s2] =	stream.linear.scatter [tilespmem:s0], [sflag:$0x5], $0x2710, $0x38;
	[tilespmem:$0x16480] =	vst v63  }
0x3d6: {  	_ = 	snop  }
0x3d7: {  	[hbm4b:s23+s2] =	stream.linear.scatter [tilespmem:s29], [sflag:$0x7], $0x2710, $0x38;
	[tilespmem:$0x16480] =	vst v63  }
0x3d8: {  	_ =	swait.ge [sflag:s5], $0x2710  }
0x3d9: {  	[sflag:s5] =	ssyncset.done $0x0  }
0x3da: {  	[sflag:s5] =	ssyncadd.s32 $0xFFFFD8F0  }
0x3db: {  	_ =	swait.ge [sflag:s6], $0x2710  }
0x3dc: {  	[sflag:s6] =	ssyncset.done $0x0  }
0x3dd: {  	s9 =	sadd.s32 $0x1, s9;
	[sflag:s6] =	ssyncadd.s32 $0xFFFFD8F0  }
0x3de: {  	p0 =	sne.s32 s9, s24;
	_ =	swait.ge [sflag:s7], $0x2710  }
.Ltmp5:
0x3df: {  	[sflag:s7] =	ssyncset.done $0x0;
	(pc) =	sbr.rel @p0 .LBB2_1-.Ltmp5, $4  }
0x3e0: {  	[sflag:s7] =	ssyncadd.s32 $0xFFFFD8F0  }
0x3e1: {  	_ =	swait.ge [sflag:s8], $0x2710  }
0x3e2: {  	[sflag:s8] =	ssyncset.done $0x0  }
0x3e3: {  	[sflag:s8] =	ssyncadd.s32 $0xFFFFD8F0  }
0x3e4: {  	_ =	sfence.sel $0x180000  }
0x3e5: {  	[bflag:$0x0] =	sbarrier.arrive $0xFFFF  }
0x3e6: {  	_ =	strace $0x90000047  }
0x3e7: {  	s0 =	stileid.u32;
	[bflag:$0x2] =	sbarrier.arrive $0xFFFF  }
0x3e8: {  	p0 =	sne.s32 s0, $0x0;
	s0 =	rddreg [dreg:$0x3]  }
0x3e9: {  	s0 =	sadd.s32 @!p0 $0x100000, s0  }
0x3ea: {  	[sflag:s0] =	ssyncadd.tile.s32 @!p0 $0x1;
	_ =	shalt  }
.Lfunc_end2:
_tile_overlayer_lowered:
.L_overlay_start_2:
0x3eb: {  	(tag) =	ssettag $0x2  }
0x3ec: {  	s0 =	rddreg [dreg:$0x0];
	s2 =	stileid.u32  }
0x3ed: {  	s1 =	rddreg [dreg:$0x1];
	p0 =	sne.s32 s2, $0x0  }
0x3ee: {  	s3 =	rddreg [dreg:$0x2];
	[bflag:$0x3] =	sbarrier.arrive $0xFFFF;
	s2 =	simm.s32 @!p0 $0x1C09  }
0x3ef: {  	[timem:s3], [sflag:s2] =	dma.local @!p0 [hbm:s0], s1  }
0x3f0: {  	s0 =	simm.s32 @!p0 $0x9  }
0x3f1: {  	_ =	swait.ge @!p0 [sflag:s0], s1  }
0x3f2: {  	s1 =	ssub.s32 @!p0 $0x0, s1;
	[sflag:s0] =	ssyncset.done @!p0 $0x0  }
0x3f3: {  	[sflag:s0] =	ssyncadd.s32 @!p0 s1  }
0x3f4: {  	[bflag:$0x3] =	sbarrier.arrive $0xFFFF  }
0x3f5: {  	_ =	shalt  }

</sc_bundles>
